<compile_context>
chip_gen: v7x
topology: tpu7x:2x2x1
jax: 0.10.2.dev20260603
libtpu: 0.0.44.dev20260713+nightly
codegen_flags: <defaults>
</compile_context>

<pallas_src>
import functools

import jax
import jax.numpy as jnp
from jax import lax
from jax.experimental import pallas as pl
from jax.experimental.pallas import tpu as pltpu
from jax.experimental.pallas import tpu_sc as plsc

E = 320000
D = 128
DP = D // 2
N = 10000
NC, NS, L = 2, 16, 16
NW = NC * NS
EPW = E // NW
CB = 160
NF = EPW // CB
CT = EPW - NF * CB
GBF = CB // L
GBT = CT // L
NBUF = 2
ZR = 80
ZS = 640
ZLAST = N - (NS - 1) * ZS

_mesh = plsc.VectorSubcoreMesh(core_axis_name="c", subcore_axis_name="s")


@functools.partial(
    pl.kernel,
    mesh=_mesh,
    compiler_params=pltpu.CompilerParams(needs_layout_passes=False,
                                         use_tc_tiling_on_sc=False),
    out_type=jax.ShapeDtypeStruct((E,), jnp.float32),
    scratch_types=[
        pltpu.VMEM((EPW,), jnp.int32),
        pltpu.VMEM((EPW,), jnp.int32),
        *([pltpu.VMEM((CB, DP), jnp.int32)] * NBUF),
        *([pltpu.VMEM((CB, DP), jnp.int32)] * NBUF),
        pltpu.VMEM((EPW,), jnp.float32),
        pltpu.VMEM((ZR, D), jnp.float32),
        pltpu.VMEM_SHARED((N, DP), jnp.int32),
        *([pltpu.SemaphoreType.DMA] * NBUF),
    ],
)
def _ipd(z_hbm, src_hbm, dst_hbm, out_hbm, si_v, di_v, *rest):
    sbufs = rest[:NBUF]
    dbufs = rest[NBUF:2 * NBUF]
    out_v, zraw_v, z_sp = rest[2 * NBUF:2 * NBUF + 3]
    sems = rest[2 * NBUF + 3:]
    zpack_v = sbufs[0]
    sid = lax.axis_index("s")
    wid = sid * NC + lax.axis_index("c")
    base = wid * EPW

    pltpu.sync_copy(src_hbm.at[pl.ds(base, EPW)], si_v)
    pltpu.sync_copy(dst_hbm.at[pl.ds(base, EPW)], di_v)

    lane = lax.broadcasted_iota(jnp.int32, (L,), 0)

    def stage_step(i, carry):
        roff = sid * ZS + i * ZR
        pltpu.sync_copy(z_hbm.at[pl.ds(roff, ZR)], zraw_v)

        def pack_row(r, rcarry):
            def pack_quad(q, qcarry):
                pcols = q * L + lane
                ev = plsc.load_gather(zraw_v, [jnp.full((L,), r, jnp.int32),
                                               2 * pcols])
                od = plsc.load_gather(zraw_v, [jnp.full((L,), r, jnp.int32),
                                               2 * pcols + 1])
                packed = plsc.bitcast(
                    plsc.pack(ev, od, format=plsc.PackFormat.INTERLEAVED),
                    jnp.int32)
                zpack_v[r, pl.ds(q * L, L)] = packed
                return qcarry

            return lax.fori_loop(0, DP // L, pack_quad, rcarry, unroll=4)

        lax.fori_loop(0, ZR, pack_row, 0)
        pltpu.sync_copy(zpack_v.at[pl.ds(0, ZR)], z_sp.at[pl.ds(roff, ZR)])
        return carry

    nsteps_full = ZS // ZR
    nsteps_last = ZLAST // ZR

    @pl.when(sid < NS - 1)
    def _():
        lax.fori_loop(0, nsteps_full, stage_step, 0)

    @pl.when(sid == NS - 1)
    def _():
        lax.fori_loop(0, nsteps_last, stage_step, 0)

    plsc.subcore_barrier()

    def start(b, c, n):
        sdst = sbufs[b].at[pl.ds(0, n)] if n != CB else sbufs[b]
        ddst = dbufs[b].at[pl.ds(0, n)] if n != CB else dbufs[b]
        pltpu.async_copy(z_sp.at[si_v.at[pl.ds(c * CB, n)]], sdst, sems[b])
        pltpu.async_copy(z_sp.at[di_v.at[pl.ds(c * CB, n)]], ddst, sems[b])

    def drain(b, n):
        dummy = z_sp.at[pl.ds(0, n)]
        sdst = sbufs[b].at[pl.ds(0, n)] if n != CB else sbufs[b]
        ddst = dbufs[b].at[pl.ds(0, n)] if n != CB else dbufs[b]
        pltpu.make_async_copy(dummy, sdst, sems[b]).wait()
        pltpu.make_async_copy(dummy, ddst, sems[b]).wait()

    def compute(b, c, ngroups):
        srows_v, drows_v = sbufs[b], dbufs[b]

        zero16 = jnp.zeros((L,), jnp.int32)

        def group_body(g, gcarry):
            rowflat = (g * L + lane) * DP

            def k_body(k, accs):
                acc0, acc1 = accs
                idx = rowflat + ((lane + k) & (DP - 1))
                sw = plsc.load_gather(srows_v, [zero16, idx])
                dw = plsc.load_gather(drows_v, [zero16, idx])
                sb = plsc.bitcast(sw, jnp.bfloat16)
                db = plsc.bitcast(dw, jnp.bfloat16)
                p = sb * db
                p0, p1 = plsc.unpack(p, format=plsc.PackFormat.INTERLEAVED)
                return acc0 + p0, acc1 + p1

            zf = jnp.zeros((L,), jnp.float32)
            acc0, acc1 = lax.fori_loop(0, DP, k_body, (zf, zf), unroll=16)
            acc = acc0 + acc1
            out_v[pl.ds(c * CB + g * L, L)] = 1.0 / (1.0 + jnp.exp(-acc))
            return gcarry

        lax.fori_loop(0, ngroups, group_body, 0)

    for b in range(NBUF):
        start(b, b, CB)

    def chunk_body(c, carry):
        for b in range(NBUF):
            @pl.when(c % NBUF == b)
            def _():
                @pl.when(c < NF)
                def _():
                    drain(b, CB)
                    compute(b, c, GBF)

                @pl.when(c == NF)
                def _():
                    drain(b, CT)
                    compute(b, c, GBT)

                @pl.when(c + NBUF < NF)
                def _():
                    start(b, c + NBUF, CB)

                @pl.when(c + NBUF == NF)
                def _():
                    start(b, c + NBUF, CT)

        return carry

    lax.fori_loop(0, NF + 1, chunk_body, 0)
    pltpu.sync_copy(out_v, out_hbm.at[pl.ds(base, EPW)])


def kernel(z, edge_index):
    ei = edge_index.astype(jnp.int32)
    return _ipd(z, ei[0], ei[1])

# --- scband reference (transcript-rebuilt; emitter-appended) ---
"""Pipeline reference for scband-inner-product-decoder-70677981823581 (READ-ONLY COPY).

The authoritative reference and input builder live on the scoring server;
editing this copy changes nothing except your own understanding.
"""

import jax, jax.numpy as jnp
import numpy as np


def setup_inputs(seed: int = 0) -> dict:
    key = jax.random.key(seed)
    k1, k2 = jax.random.split(key)
    z = jax.random.normal(k1, (10000, 128), dtype=jnp.float32)
    edge_index = jax.random.randint(k2, (2, 320000), 0, 10000, dtype=jnp.int64)
    return {"z": z, "edge_index": edge_index}


def reference(z, edge_index):
    # InnerProductDecoder.forward with sigmoid=True
    src = jnp.take(z, edge_index[0], axis=0)
    dst = jnp.take(z, edge_index[1], axis=0)
    value = jnp.sum(src * dst, axis=1)
    return jax.nn.sigmoid(value)

if __name__ == "__main__":
    import jax
    _d = setup_inputs()
    print(jax.jit(kernel)(*tuple(_d.values())))

</pallas_src>

<mosaic_0001>
#map = affine_map<(d0, d1) -> (0, 0)>
#map1 = affine_map<(d0, d1) -> (0)>
module attributes {stable_mosaic.version = 14 : i64} {
  func.func @_ipd(%arg0: i32, %arg1: i32, %arg2: memref<10000x128xf32, #tpu.memory_space<hbm>>, %arg3: memref<320000xi32, #tpu.memory_space<hbm>>, %arg4: memref<320000xi32, #tpu.memory_space<hbm>>, %arg5: memref<320000xf32, #tpu.memory_space<hbm>>, %arg6: memref<10000xi32, #tpu.memory_space<vmem>>, %arg7: memref<10000xi32, #tpu.memory_space<vmem>>, %arg8: memref<160x64xi32, #tpu.memory_space<vmem>>, %arg9: memref<160x64xi32, #tpu.memory_space<vmem>>, %arg10: memref<160x64xi32, #tpu.memory_space<vmem>>, %arg11: memref<160x64xi32, #tpu.memory_space<vmem>>, %arg12: memref<10000xf32, #tpu.memory_space<vmem>>, %arg13: memref<80x128xf32, #tpu.memory_space<vmem>>, %arg14: memref<10000x64xi32, #tpu.memory_space<vmem_shared>>, %arg15: memref<!tpu.dma_semaphore, #tpu.memory_space<semaphore_mem>>, %arg16: memref<!tpu.dma_semaphore, #tpu.memory_space<semaphore_mem>>) attributes {dimension_semantics = [#tpu.dimension_semantics<core_parallel>, #tpu.dimension_semantics<subcore_parallel>], iteration_bounds = array<i64: 2, 16>, scalar_prefetch = 0 : i64, scratch_operands = 11 : i64, tpu.core_type = #tpu.core_type<sc_vector_subcore>, window_params = [{transform_indices = #map}, {transform_indices = #map1}, {transform_indices = #map1}, {transform_indices = #map1}]} {
    %mul3A = arith.constant 2 : i32
    %mul3A_0 = arith.muli %arg1, %mul3A : i32
    %add3A = arith.addi %mul3A_0, %arg0 : i32
    %mul3A_1 = arith.constant 10000 : i32
    %mul3A_2 = arith.muli %add3A, %mul3A_1 : i32
    "tpu.region"() ({
      %run_scoped3A = tpu.sem_alloc : memref<!tpu.dma_semaphore, #tpu.memory_space<semaphore_mem>>
      %dma_start3A_33 = tpu.memref_slice %arg3[%mul3A_2] : memref<320000xi32, #tpu.memory_space<hbm>> -> memref<10000xi32, #tpu.memory_space<hbm>>
      %dma_start3A_34 = tpu.memref_slice %arg3[%mul3A_2] : memref<320000xi32, #tpu.memory_space<hbm>> -> memref<10000xi32, #tpu.memory_space<hbm>>
      tpu.enqueue_dma source(%dma_start3A_34 : memref<10000xi32, #tpu.memory_space<hbm>>) target(%arg6 : memref<10000xi32, #tpu.memory_space<vmem>>) target_semaphore(%run_scoped3A : memref<!tpu.dma_semaphore, #tpu.memory_space<semaphore_mem>>)
      %dma_wait3A = tpu.memref_slice %arg3[%mul3A_2] : memref<320000xi32, #tpu.memory_space<hbm>> -> memref<10000xi32, #tpu.memory_space<hbm>>
      %dma_wait3A_35 = tpu.memref_slice %arg3[%mul3A_2] : memref<320000xi32, #tpu.memory_space<hbm>> -> memref<10000xi32, #tpu.memory_space<hbm>>
      tpu.wait_dma2 semaphore(%run_scoped3A : memref<!tpu.dma_semaphore, #tpu.memory_space<semaphore_mem>>) src(%dma_wait3A_35 : memref<10000xi32, #tpu.memory_space<hbm>>) dst(%arg6 : memref<10000xi32, #tpu.memory_space<vmem>>)
      tpu.yield
    }) : () -> ()
    "tpu.region"() ({
      %run_scoped3A = tpu.sem_alloc : memref<!tpu.dma_semaphore, #tpu.memory_space<semaphore_mem>>
      %dma_start3A_33 = tpu.memref_slice %arg4[%mul3A_2] : memref<320000xi32, #tpu.memory_space<hbm>> -> memref<10000xi32, #tpu.memory_space<hbm>>
      %dma_start3A_34 = tpu.memref_slice %arg4[%mul3A_2] : memref<320000xi32, #tpu.memory_space<hbm>> -> memref<10000xi32, #tpu.memory_space<hbm>>
      tpu.enqueue_dma source(%dma_start3A_34 : memref<10000xi32, #tpu.memory_space<hbm>>) target(%arg7 : memref<10000xi32, #tpu.memory_space<vmem>>) target_semaphore(%run_scoped3A : memref<!tpu.dma_semaphore, #tpu.memory_space<semaphore_mem>>)
      %dma_wait3A = tpu.memref_slice %arg4[%mul3A_2] : memref<320000xi32, #tpu.memory_space<hbm>> -> memref<10000xi32, #tpu.memory_space<hbm>>
      %dma_wait3A_35 = tpu.memref_slice %arg4[%mul3A_2] : memref<320000xi32, #tpu.memory_space<hbm>> -> memref<10000xi32, #tpu.memory_space<hbm>>
      tpu.wait_dma2 semaphore(%run_scoped3A : memref<!tpu.dma_semaphore, #tpu.memory_space<semaphore_mem>>) src(%dma_wait3A_35 : memref<10000xi32, #tpu.memory_space<hbm>>) dst(%arg7 : memref<10000xi32, #tpu.memory_space<vmem>>)
      tpu.yield
    }) : () -> ()
    %iota3A = tpu.iota {dimensions = array<i32: 0>} : vector<16xi32>
    %lt3A = arith.constant 15 : i32
    %lt3A_3 = arith.cmpi slt, %arg1, %lt3A : i32
    %convert_element_type3A = arith.extui %lt3A_3 : i1 to i32
    %cond3A = arith.constant 0 : i32
    %cond3A_4 = arith.cmpi ne, %convert_element_type3A, %cond3A : i32
    scf.if %cond3A_4 {
      %scan3A_33 = arith.constant 0 : i32
      %scan3A_34 = arith.constant 0 : i32
      %scan3A_35 = arith.constant 8 : i32
      %scan3A_36 = arith.addi %scan3A_34, %scan3A_35 : i32
      %scan3A_37 = arith.constant 1 : i32
      scf.for %scan3A_39 = %scan3A_34 to %scan3A_36 step %scan3A_37  : i32 {
        %mul3A_40 = arith.constant 640 : i32
        %mul3A_41 = arith.muli %arg1, %mul3A_40 : i32
        %mul3A_42 = arith.constant 80 : i32
        %mul3A_43 = arith.muli %scan3A_39, %mul3A_42 : i32
        %add3A_44 = arith.addi %mul3A_41, %mul3A_43 : i32
        "tpu.region"() ({
          %run_scoped3A = tpu.sem_alloc : memref<!tpu.dma_semaphore, #tpu.memory_space<semaphore_mem>>
          %dma_start3A_51 = arith.constant 0 : i32
          %dma_start3A_52 = tpu.memref_slice %arg2[%add3A_44, %dma_start3A_51] : memref<10000x128xf32, #tpu.memory_space<hbm>> -> memref<80x128xf32, #tpu.memory_space<hbm>>
          %dma_start3A_53 = arith.constant 0 : i32
          %dma_start3A_54 = tpu.memref_slice %arg2[%add3A_44, %dma_start3A_53] : memref<10000x128xf32, #tpu.memory_space<hbm>> -> memref<80x128xf32, #tpu.memory_space<hbm>>
          tpu.enqueue_dma source(%dma_start3A_54 : memref<80x128xf32, #tpu.memory_space<hbm>>) target(%arg13 : memref<80x128xf32, #tpu.memory_space<vmem>>) target_semaphore(%run_scoped3A : memref<!tpu.dma_semaphore, #tpu.memory_space<semaphore_mem>>)
          %dma_wait3A = arith.constant 0 : i32
          %dma_wait3A_55 = tpu.memref_slice %arg2[%add3A_44, %dma_wait3A] : memref<10000x128xf32, #tpu.memory_space<hbm>> -> memref<80x128xf32, #tpu.memory_space<hbm>>
          %dma_wait3A_56 = arith.constant 0 : i32
          %dma_wait3A_57 = tpu.memref_slice %arg2[%add3A_44, %dma_wait3A_56] : memref<10000x128xf32, #tpu.memory_space<hbm>> -> memref<80x128xf32, #tpu.memory_space<hbm>>
          tpu.wait_dma2 semaphore(%run_scoped3A : memref<!tpu.dma_semaphore, #tpu.memory_space<semaphore_mem>>) src(%dma_wait3A_57 : memref<80x128xf32, #tpu.memory_space<hbm>>) dst(%arg13 : memref<80x128xf32, #tpu.memory_space<vmem>>)
          tpu.yield
        }) : () -> ()
        %scan3A_45 = arith.constant 0 : i32
        %scan3A_46 = arith.constant 0 : i32
        %scan3A_47 = arith.constant 80 : i32
        %scan3A_48 = arith.addi %scan3A_46, %scan3A_47 : i32
        %scan3A_49 = arith.constant 1 : i32
        scf.for %scan3A_51 = %scan3A_46 to %scan3A_48 step %scan3A_49  : i32 {
          %scan3A_52 = arith.constant 0 : i32
          %mul3A_53 = arith.constant 16 : i32
          %mul3A_54 = arith.muli %scan3A_52, %mul3A_53 : i32
          %add3A_55 = vector.broadcast %mul3A_54 : i32 to vector<16xi32>
          %add3A_56 = arith.addi %add3A_55, %iota3A : vector<16xi32>
          %broadcast_in_dim3A = vector.broadcast %scan3A_51 : i32 to vector<16xi32>
          %mul3A_57 = arith.constant 2 : i32
          %mul3A_58 = vector.broadcast %mul3A_57 : i32 to vector<16xi32>
          %mul3A_59 = arith.muli %mul3A_58, %add3A_56 : vector<16xi32>
          %gather3A = tpu.vector_load_idx %arg13[%broadcast_in_dim3A, %mul3A_59] : memref<80x128xf32, #tpu.memory_space<vmem>>[vector<16xi32>, vector<16xi32>], vector<16xf32>,
          %broadcast_in_dim3A_60 = vector.broadcast %scan3A_51 : i32 to vector<16xi32>
          %mul3A_61 = arith.constant 2 : i32
          %mul3A_62 = vector.broadcast %mul3A_61 : i32 to vector<16xi32>
          %mul3A_63 = arith.muli %mul3A_62, %add3A_56 : vector<16xi32>
          %add3A_64 = arith.constant 1 : i32
          %add3A_65 = vector.broadcast %add3A_64 : i32 to vector<16xi32>
          %add3A_66 = arith.addi %mul3A_63, %add3A_65 : vector<16xi32>
          %gather3A_67 = tpu.vector_load_idx %arg13[%broadcast_in_dim3A_60, %add3A_66] : memref<80x128xf32, #tpu.memory_space<vmem>>[vector<16xi32>, vector<16xi32>], vector<16xf32>,
          %pack3A = tpu.pack_subelements %gather3A, %gather3A_67 {pack_format = #tpu.pack_format<interleaved>, positions = array<i32: 0, 1>} : vector<16xf32>, vector<16xf32> -> vector<32xbf16>
          %bitcast3A = vector.bitcast %pack3A : vector<32xbf16> to vector<16xi32>
          %mul3A_68 = arith.constant 16 : i32
          %mul3A_69 = arith.muli %scan3A_52, %mul3A_68 : i32
          %swap3A = arith.index_cast %scan3A_51 : i32 to index
          %swap3A_70 = arith.index_cast %mul3A_69 : i32 to index
          %swap3A_71 = tpu.vector_load %arg8[%swap3A, %swap3A_70] {strides = array<i32>} : memref<160x64xi32, #tpu.memory_space<vmem>>, vector<16xi32>,
          tpu.vector_store %arg8[%swap3A, %swap3A_70], %bitcast3A {strides = array<i32>} : memref<160x64xi32, #tpu.memory_space<vmem>>, vector<16xi32>,
          %scan3A_72 = arith.constant 1 : i32
          %mul3A_73 = arith.constant 16 : i32
          %mul3A_74 = arith.muli %scan3A_72, %mul3A_73 : i32
          %add3A_75 = vector.broadcast %mul3A_74 : i32 to vector<16xi32>
          %add3A_76 = arith.addi %add3A_75, %iota3A : vector<16xi32>
          %broadcast_in_dim3A_77 = vector.broadcast %scan3A_51 : i32 to vector<16xi32>
          %mul3A_78 = arith.constant 2 : i32
          %mul3A_79 = vector.broadcast %mul3A_78 : i32 to vector<16xi32>
          %mul3A_80 = arith.muli %mul3A_79, %add3A_76 : vector<16xi32>
          %gather3A_81 = tpu.vector_load_idx %arg13[%broadcast_in_dim3A_77, %mul3A_80] : memref<80x128xf32, #tpu.memory_space<vmem>>[vector<16xi32>, vector<16xi32>], vector<16xf32>,
          %broadcast_in_dim3A_82 = vector.broadcast %scan3A_51 : i32 to vector<16xi32>
          %mul3A_83 = arith.constant 2 : i32
          %mul3A_84 = vector.broadcast %mul3A_83 : i32 to vector<16xi32>
          %mul3A_85 = arith.muli %mul3A_84, %add3A_76 : vector<16xi32>
          %add3A_86 = arith.constant 1 : i32
          %add3A_87 = vector.broadcast %add3A_86 : i32 to vector<16xi32>
          %add3A_88 = arith.addi %mul3A_85, %add3A_87 : vector<16xi32>
          %gather3A_89 = tpu.vector_load_idx %arg13[%broadcast_in_dim3A_82, %add3A_88] : memref<80x128xf32, #tpu.memory_space<vmem>>[vector<16xi32>, vector<16xi32>], vector<16xf32>,
          %pack3A_90 = tpu.pack_subelements %gather3A_81, %gather3A_89 {pack_format = #tpu.pack_format<interleaved>, positions = array<i32: 0, 1>} : vector<16xf32>, vector<16xf32> -> vector<32xbf16>
          %bitcast3A_91 = vector.bitcast %pack3A_90 : vector<32xbf16> to vector<16xi32>
          %mul3A_92 = arith.constant 16 : i32
          %mul3A_93 = arith.muli %scan3A_72, %mul3A_92 : i32
          %swap3A_94 = arith.index_cast %scan3A_51 : i32 to index
          %swap3A_95 = arith.index_cast %mul3A_93 : i32 to index
          %swap3A_96 = tpu.vector_load %arg8[%swap3A_94, %swap3A_95] {strides = array<i32>} : memref<160x64xi32, #tpu.memory_space<vmem>>, vector<16xi32>,
          tpu.vector_store %arg8[%swap3A_94, %swap3A_95], %bitcast3A_91 {strides = array<i32>} : memref<160x64xi32, #tpu.memory_space<vmem>>, vector<16xi32>,
          %scan3A_97 = arith.constant 2 : i32
          %mul3A_98 = arith.constant 16 : i32
          %mul3A_99 = arith.muli %scan3A_97, %mul3A_98 : i32
          %add3A_100 = vector.broadcast %mul3A_99 : i32 to vector<16xi32>
          %add3A_101 = arith.addi %add3A_100, %iota3A : vector<16xi32>
          %broadcast_in_dim3A_102 = vector.broadcast %scan3A_51 : i32 to vector<16xi32>
          %mul3A_103 = arith.constant 2 : i32
          %mul3A_104 = vector.broadcast %mul3A_103 : i32 to vector<16xi32>
          %mul3A_105 = arith.muli %mul3A_104, %add3A_101 : vector<16xi32>
          %gather3A_106 = tpu.vector_load_idx %arg13[%broadcast_in_dim3A_102, %mul3A_105] : memref<80x128xf32, #tpu.memory_space<vmem>>[vector<16xi32>, vector<16xi32>], vector<16xf32>,
          %broadcast_in_dim3A_107 = vector.broadcast %scan3A_51 : i32 to vector<16xi32>
          %mul3A_108 = arith.constant 2 : i32
          %mul3A_109 = vector.broadcast %mul3A_108 : i32 to vector<16xi32>
          %mul3A_110 = arith.muli %mul3A_109, %add3A_101 : vector<16xi32>
          %add3A_111 = arith.constant 1 : i32
          %add3A_112 = vector.broadcast %add3A_111 : i32 to vector<16xi32>
          %add3A_113 = arith.addi %mul3A_110, %add3A_112 : vector<16xi32>
          %gather3A_114 = tpu.vector_load_idx %arg13[%broadcast_in_dim3A_107, %add3A_113] : memref<80x128xf32, #tpu.memory_space<vmem>>[vector<16xi32>, vector<16xi32>], vector<16xf32>,
          %pack3A_115 = tpu.pack_subelements %gather3A_106, %gather3A_114 {pack_format = #tpu.pack_format<interleaved>, positions = array<i32: 0, 1>} : vector<16xf32>, vector<16xf32> -> vector<32xbf16>
          %bitcast3A_116 = vector.bitcast %pack3A_115 : vector<32xbf16> to vector<16xi32>
          %mul3A_117 = arith.constant 16 : i32
          %mul3A_118 = arith.muli %scan3A_97, %mul3A_117 : i32
          %swap3A_119 = arith.index_cast %scan3A_51 : i32 to index
          %swap3A_120 = arith.index_cast %mul3A_118 : i32 to index
          %swap3A_121 = tpu.vector_load %arg8[%swap3A_119, %swap3A_120] {strides = array<i32>} : memref<160x64xi32, #tpu.memory_space<vmem>>, vector<16xi32>,
          tpu.vector_store %arg8[%swap3A_119, %swap3A_120], %bitcast3A_116 {strides = array<i32>} : memref<160x64xi32, #tpu.memory_space<vmem>>, vector<16xi32>,
          %scan3A_122 = arith.constant 3 : i32
          %mul3A_123 = arith.constant 16 : i32
          %mul3A_124 = arith.muli %scan3A_122, %mul3A_123 : i32
          %add3A_125 = vector.broadcast %mul3A_124 : i32 to vector<16xi32>
          %add3A_126 = arith.addi %add3A_125, %iota3A : vector<16xi32>
          %broadcast_in_dim3A_127 = vector.broadcast %scan3A_51 : i32 to vector<16xi32>
          %mul3A_128 = arith.constant 2 : i32
          %mul3A_129 = vector.broadcast %mul3A_128 : i32 to vector<16xi32>
          %mul3A_130 = arith.muli %mul3A_129, %add3A_126 : vector<16xi32>
          %gather3A_131 = tpu.vector_load_idx %arg13[%broadcast_in_dim3A_127, %mul3A_130] : memref<80x128xf32, #tpu.memory_space<vmem>>[vector<16xi32>, vector<16xi32>], vector<16xf32>,
          %broadcast_in_dim3A_132 = vector.broadcast %scan3A_51 : i32 to vector<16xi32>
          %mul3A_133 = arith.constant 2 : i32
          %mul3A_134 = vector.broadcast %mul3A_133 : i32 to vector<16xi32>
          %mul3A_135 = arith.muli %mul3A_134, %add3A_126 : vector<16xi32>
          %add3A_136 = arith.constant 1 : i32
          %add3A_137 = vector.broadcast %add3A_136 : i32 to vector<16xi32>
          %add3A_138 = arith.addi %mul3A_135, %add3A_137 : vector<16xi32>
          %gather3A_139 = tpu.vector_load_idx %arg13[%broadcast_in_dim3A_132, %add3A_138] : memref<80x128xf32, #tpu.memory_space<vmem>>[vector<16xi32>, vector<16xi32>], vector<16xf32>,
          %pack3A_140 = tpu.pack_subelements %gather3A_131, %gather3A_139 {pack_format = #tpu.pack_format<interleaved>, positions = array<i32: 0, 1>} : vector<16xf32>, vector<16xf32> -> vector<32xbf16>
          %bitcast3A_141 = vector.bitcast %pack3A_140 : vector<32xbf16> to vector<16xi32>
          %mul3A_142 = arith.constant 16 : i32
          %mul3A_143 = arith.muli %scan3A_122, %mul3A_142 : i32
          %swap3A_144 = arith.index_cast %scan3A_51 : i32 to index
          %swap3A_145 = arith.index_cast %mul3A_143 : i32 to index
          %swap3A_146 = tpu.vector_load %arg8[%swap3A_144, %swap3A_145] {strides = array<i32>} : memref<160x64xi32, #tpu.memory_space<vmem>>, vector<16xi32>,
          tpu.vector_store %arg8[%swap3A_144, %swap3A_145], %bitcast3A_141 {strides = array<i32>} : memref<160x64xi32, #tpu.memory_space<vmem>>, vector<16xi32>,
          %scan3A_147 = arith.constant 4 : i32
        }
        %scan3A_50 = arith.constant 80 : i32
        "tpu.region"() ({
          %run_scoped3A = tpu.sem_alloc : memref<!tpu.dma_semaphore, #tpu.memory_space<semaphore_mem>>
          %dma_start3A_51 = arith.constant 0 : i32
          %dma_start3A_52 = arith.constant 0 : i32
          %dma_start3A_53 = tpu.memref_slice %arg8[%dma_start3A_51, %dma_start3A_52] : memref<160x64xi32, #tpu.memory_space<vmem>> -> memref<80x64xi32, #tpu.memory_space<vmem>>
          %dma_start3A_54 = arith.constant 0 : i32
          %dma_start3A_55 = tpu.memref_slice %arg14[%add3A_44, %dma_start3A_54] : memref<10000x64xi32, #tpu.memory_space<vmem_shared>> -> memref<80x64xi32, #tpu.memory_space<vmem_shared>>
          %dma_start3A_56 = arith.constant 0 : i32
          %dma_start3A_57 = tpu.memref_slice %arg14[%add3A_44, %dma_start3A_56] : memref<10000x64xi32, #tpu.memory_space<vmem_shared>> -> memref<80x64xi32, #tpu.memory_space<vmem_shared>>
          %dma_start3A_58 = arith.constant 0 : i32
          %dma_start3A_59 = arith.constant 0 : i32
          %dma_start3A_60 = tpu.memref_slice %arg8[%dma_start3A_58, %dma_start3A_59] : memref<160x64xi32, #tpu.memory_space<vmem>> -> memref<80x64xi32, #tpu.memory_space<vmem>>
          tpu.enqueue_dma source(%dma_start3A_60 : memref<80x64xi32, #tpu.memory_space<vmem>>) target(%dma_start3A_57 : memref<80x64xi32, #tpu.memory_space<vmem_shared>>) target_semaphore(%run_scoped3A : memref<!tpu.dma_semaphore, #tpu.memory_space<semaphore_mem>>)
          %dma_wait3A = arith.constant 0 : i32
          %dma_wait3A_61 = arith.constant 0 : i32
          %dma_wait3A_62 = tpu.memref_slice %arg8[%dma_wait3A, %dma_wait3A_61] : memref<160x64xi32, #tpu.memory_space<vmem>> -> memref<80x64xi32, #tpu.memory_space<vmem>>
          %dma_wait3A_63 = arith.constant 0 : i32
          %dma_wait3A_64 = tpu.memref_slice %arg14[%add3A_44, %dma_wait3A_63] : memref<10000x64xi32, #tpu.memory_space<vmem_shared>> -> memref<80x64xi32, #tpu.memory_space<vmem_shared>>
          %dma_wait3A_65 = arith.constant 0 : i32
          %dma_wait3A_66 = tpu.memref_slice %arg14[%add3A_44, %dma_wait3A_65] : memref<10000x64xi32, #tpu.memory_space<vmem_shared>> -> memref<80x64xi32, #tpu.memory_space<vmem_shared>>
          %dma_wait3A_67 = arith.constant 0 : i32
          %dma_wait3A_68 = arith.constant 0 : i32
          %dma_wait3A_69 = tpu.memref_slice %arg8[%dma_wait3A_67, %dma_wait3A_68] : memref<160x64xi32, #tpu.memory_space<vmem>> -> memref<80x64xi32, #tpu.memory_space<vmem>>
          tpu.wait_dma2 semaphore(%run_scoped3A : memref<!tpu.dma_semaphore, #tpu.memory_space<semaphore_mem>>) src(%dma_wait3A_69 : memref<80x64xi32, #tpu.memory_space<vmem>>) dst(%dma_wait3A_66 : memref<80x64xi32, #tpu.memory_space<vmem_shared>>)
          tpu.yield
        }) : () -> ()
      }
      %scan3A_38 = arith.constant 8 : i32
    } else {
    }
    %eq3A = arith.constant 15 : i32
    %eq3A_5 = arith.cmpi eq, %arg1, %eq3A : i32
    %convert_element_type3A_6 = arith.extui %eq3A_5 : i1 to i32
    %cond3A_7 = arith.constant 0 : i32
    %cond3A_8 = arith.cmpi ne, %convert_element_type3A_6, %cond3A_7 : i32
    scf.if %cond3A_8 {
      %scan3A_33 = arith.constant 0 : i32
      %scan3A_34 = arith.constant 0 : i32
      %scan3A_35 = arith.constant 5 : i32
      %scan3A_36 = arith.addi %scan3A_34, %scan3A_35 : i32
      %scan3A_37 = arith.constant 1 : i32
      scf.for %scan3A_39 = %scan3A_34 to %scan3A_36 step %scan3A_37  : i32 {
        %mul3A_40 = arith.constant 640 : i32
        %mul3A_41 = arith.muli %arg1, %mul3A_40 : i32
        %mul3A_42 = arith.constant 80 : i32
        %mul3A_43 = arith.muli %scan3A_39, %mul3A_42 : i32
        %add3A_44 = arith.addi %mul3A_41, %mul3A_43 : i32
        "tpu.region"() ({
          %run_scoped3A = tpu.sem_alloc : memref<!tpu.dma_semaphore, #tpu.memory_space<semaphore_mem>>
          %dma_start3A_51 = arith.constant 0 : i32
          %dma_start3A_52 = tpu.memref_slice %arg2[%add3A_44, %dma_start3A_51] : memref<10000x128xf32, #tpu.memory_space<hbm>> -> memref<80x128xf32, #tpu.memory_space<hbm>>
          %dma_start3A_53 = arith.constant 0 : i32
          %dma_start3A_54 = tpu.memref_slice %arg2[%add3A_44, %dma_start3A_53] : memref<10000x128xf32, #tpu.memory_space<hbm>> -> memref<80x128xf32, #tpu.memory_space<hbm>>
          tpu.enqueue_dma source(%dma_start3A_54 : memref<80x128xf32, #tpu.memory_space<hbm>>) target(%arg13 : memref<80x128xf32, #tpu.memory_space<vmem>>) target_semaphore(%run_scoped3A : memref<!tpu.dma_semaphore, #tpu.memory_space<semaphore_mem>>)
          %dma_wait3A = arith.constant 0 : i32
          %dma_wait3A_55 = tpu.memref_slice %arg2[%add3A_44, %dma_wait3A] : memref<10000x128xf32, #tpu.memory_space<hbm>> -> memref<80x128xf32, #tpu.memory_space<hbm>>
          %dma_wait3A_56 = arith.constant 0 : i32
          %dma_wait3A_57 = tpu.memref_slice %arg2[%add3A_44, %dma_wait3A_56] : memref<10000x128xf32, #tpu.memory_space<hbm>> -> memref<80x128xf32, #tpu.memory_space<hbm>>
          tpu.wait_dma2 semaphore(%run_scoped3A : memref<!tpu.dma_semaphore, #tpu.memory_space<semaphore_mem>>) src(%dma_wait3A_57 : memref<80x128xf32, #tpu.memory_space<hbm>>) dst(%arg13 : memref<80x128xf32, #tpu.memory_space<vmem>>)
          tpu.yield
        }) : () -> ()
        %scan3A_45 = arith.constant 0 : i32
        %scan3A_46 = arith.constant 0 : i32
        %scan3A_47 = arith.constant 80 : i32
        %scan3A_48 = arith.addi %scan3A_46, %scan3A_47 : i32
        %scan3A_49 = arith.constant 1 : i32
        scf.for %scan3A_51 = %scan3A_46 to %scan3A_48 step %scan3A_49  : i32 {
          %scan3A_52 = arith.constant 0 : i32
          %mul3A_53 = arith.constant 16 : i32
          %mul3A_54 = arith.muli %scan3A_52, %mul3A_53 : i32
          %add3A_55 = vector.broadcast %mul3A_54 : i32 to vector<16xi32>
          %add3A_56 = arith.addi %add3A_55, %iota3A : vector<16xi32>
          %broadcast_in_dim3A = vector.broadcast %scan3A_51 : i32 to vector<16xi32>
          %mul3A_57 = arith.constant 2 : i32
          %mul3A_58 = vector.broadcast %mul3A_57 : i32 to vector<16xi32>
          %mul3A_59 = arith.muli %mul3A_58, %add3A_56 : vector<16xi32>
          %gather3A = tpu.vector_load_idx %arg13[%broadcast_in_dim3A, %mul3A_59] : memref<80x128xf32, #tpu.memory_space<vmem>>[vector<16xi32>, vector<16xi32>], vector<16xf32>,
          %broadcast_in_dim3A_60 = vector.broadcast %scan3A_51 : i32 to vector<16xi32>
          %mul3A_61 = arith.constant 2 : i32
          %mul3A_62 = vector.broadcast %mul3A_61 : i32 to vector<16xi32>
          %mul3A_63 = arith.muli %mul3A_62, %add3A_56 : vector<16xi32>
          %add3A_64 = arith.constant 1 : i32
          %add3A_65 = vector.broadcast %add3A_64 : i32 to vector<16xi32>
          %add3A_66 = arith.addi %mul3A_63, %add3A_65 : vector<16xi32>
          %gather3A_67 = tpu.vector_load_idx %arg13[%broadcast_in_dim3A_60, %add3A_66] : memref<80x128xf32, #tpu.memory_space<vmem>>[vector<16xi32>, vector<16xi32>], vector<16xf32>,
          %pack3A = tpu.pack_subelements %gather3A, %gather3A_67 {pack_format = #tpu.pack_format<interleaved>, positions = array<i32: 0, 1>} : vector<16xf32>, vector<16xf32> -> vector<32xbf16>
          %bitcast3A = vector.bitcast %pack3A : vector<32xbf16> to vector<16xi32>
          %mul3A_68 = arith.constant 16 : i32
          %mul3A_69 = arith.muli %scan3A_52, %mul3A_68 : i32
          %swap3A = arith.index_cast %scan3A_51 : i32 to index
          %swap3A_70 = arith.index_cast %mul3A_69 : i32 to index
          %swap3A_71 = tpu.vector_load %arg8[%swap3A, %swap3A_70] {strides = array<i32>} : memref<160x64xi32, #tpu.memory_space<vmem>>, vector<16xi32>,
          tpu.vector_store %arg8[%swap3A, %swap3A_70], %bitcast3A {strides = array<i32>} : memref<160x64xi32, #tpu.memory_space<vmem>>, vector<16xi32>,
          %scan3A_72 = arith.constant 1 : i32
          %mul3A_73 = arith.constant 16 : i32
          %mul3A_74 = arith.muli %scan3A_72, %mul3A_73 : i32
          %add3A_75 = vector.broadcast %mul3A_74 : i32 to vector<16xi32>
          %add3A_76 = arith.addi %add3A_75, %iota3A : vector<16xi32>
          %broadcast_in_dim3A_77 = vector.broadcast %scan3A_51 : i32 to vector<16xi32>
          %mul3A_78 = arith.constant 2 : i32
          %mul3A_79 = vector.broadcast %mul3A_78 : i32 to vector<16xi32>
          %mul3A_80 = arith.muli %mul3A_79, %add3A_76 : vector<16xi32>
          %gather3A_81 = tpu.vector_load_idx %arg13[%broadcast_in_dim3A_77, %mul3A_80] : memref<80x128xf32, #tpu.memory_space<vmem>>[vector<16xi32>, vector<16xi32>], vector<16xf32>,
          %broadcast_in_dim3A_82 = vector.broadcast %scan3A_51 : i32 to vector<16xi32>
          %mul3A_83 = arith.constant 2 : i32
          %mul3A_84 = vector.broadcast %mul3A_83 : i32 to vector<16xi32>
          %mul3A_85 = arith.muli %mul3A_84, %add3A_76 : vector<16xi32>
          %add3A_86 = arith.constant 1 : i32
          %add3A_87 = vector.broadcast %add3A_86 : i32 to vector<16xi32>
          %add3A_88 = arith.addi %mul3A_85, %add3A_87 : vector<16xi32>
          %gather3A_89 = tpu.vector_load_idx %arg13[%broadcast_in_dim3A_82, %add3A_88] : memref<80x128xf32, #tpu.memory_space<vmem>>[vector<16xi32>, vector<16xi32>], vector<16xf32>,
          %pack3A_90 = tpu.pack_subelements %gather3A_81, %gather3A_89 {pack_format = #tpu.pack_format<interleaved>, positions = array<i32: 0, 1>} : vector<16xf32>, vector<16xf32> -> vector<32xbf16>
          %bitcast3A_91 = vector.bitcast %pack3A_90 : vector<32xbf16> to vector<16xi32>
          %mul3A_92 = arith.constant 16 : i32
          %mul3A_93 = arith.muli %scan3A_72, %mul3A_92 : i32
          %swap3A_94 = arith.index_cast %scan3A_51 : i32 to index
          %swap3A_95 = arith.index_cast %mul3A_93 : i32 to index
          %swap3A_96 = tpu.vector_load %arg8[%swap3A_94, %swap3A_95] {strides = array<i32>} : memref<160x64xi32, #tpu.memory_space<vmem>>, vector<16xi32>,
          tpu.vector_store %arg8[%swap3A_94, %swap3A_95], %bitcast3A_91 {strides = array<i32>} : memref<160x64xi32, #tpu.memory_space<vmem>>, vector<16xi32>,
          %scan3A_97 = arith.constant 2 : i32
          %mul3A_98 = arith.constant 16 : i32
          %mul3A_99 = arith.muli %scan3A_97, %mul3A_98 : i32
          %add3A_100 = vector.broadcast %mul3A_99 : i32 to vector<16xi32>
          %add3A_101 = arith.addi %add3A_100, %iota3A : vector<16xi32>
          %broadcast_in_dim3A_102 = vector.broadcast %scan3A_51 : i32 to vector<16xi32>
          %mul3A_103 = arith.constant 2 : i32
          %mul3A_104 = vector.broadcast %mul3A_103 : i32 to vector<16xi32>
          %mul3A_105 = arith.muli %mul3A_104, %add3A_101 : vector<16xi32>
          %gather3A_106 = tpu.vector_load_idx %arg13[%broadcast_in_dim3A_102, %mul3A_105] : memref<80x128xf32, #tpu.memory_space<vmem>>[vector<16xi32>, vector<16xi32>], vector<16xf32>,
          %broadcast_in_dim3A_107 = vector.broadcast %scan3A_51 : i32 to vector<16xi32>
          %mul3A_108 = arith.constant 2 : i32
          %mul3A_109 = vector.broadcast %mul3A_108 : i32 to vector<16xi32>
          %mul3A_110 = arith.muli %mul3A_109, %add3A_101 : vector<16xi32>
          %add3A_111 = arith.constant 1 : i32
          %add3A_112 = vector.broadcast %add3A_111 : i32 to vector<16xi32>
          %add3A_113 = arith.addi %mul3A_110, %add3A_112 : vector<16xi32>
          %gather3A_114 = tpu.vector_load_idx %arg13[%broadcast_in_dim3A_107, %add3A_113] : memref<80x128xf32, #tpu.memory_space<vmem>>[vector<16xi32>, vector<16xi32>], vector<16xf32>,
          %pack3A_115 = tpu.pack_subelements %gather3A_106, %gather3A_114 {pack_format = #tpu.pack_format<interleaved>, positions = array<i32: 0, 1>} : vector<16xf32>, vector<16xf32> -> vector<32xbf16>
          %bitcast3A_116 = vector.bitcast %pack3A_115 : vector<32xbf16> to vector<16xi32>
          %mul3A_117 = arith.constant 16 : i32
          %mul3A_118 = arith.muli %scan3A_97, %mul3A_117 : i32
          %swap3A_119 = arith.index_cast %scan3A_51 : i32 to index
          %swap3A_120 = arith.index_cast %mul3A_118 : i32 to index
          %swap3A_121 = tpu.vector_load %arg8[%swap3A_119, %swap3A_120] {strides = array<i32>} : memref<160x64xi32, #tpu.memory_space<vmem>>, vector<16xi32>,
          tpu.vector_store %arg8[%swap3A_119, %swap3A_120], %bitcast3A_116 {strides = array<i32>} : memref<160x64xi32, #tpu.memory_space<vmem>>, vector<16xi32>,
          %scan3A_122 = arith.constant 3 : i32
          %mul3A_123 = arith.constant 16 : i32
          %mul3A_124 = arith.muli %scan3A_122, %mul3A_123 : i32
          %add3A_125 = vector.broadcast %mul3A_124 : i32 to vector<16xi32>
          %add3A_126 = arith.addi %add3A_125, %iota3A : vector<16xi32>
          %broadcast_in_dim3A_127 = vector.broadcast %scan3A_51 : i32 to vector<16xi32>
          %mul3A_128 = arith.constant 2 : i32
          %mul3A_129 = vector.broadcast %mul3A_128 : i32 to vector<16xi32>
          %mul3A_130 = arith.muli %mul3A_129, %add3A_126 : vector<16xi32>
          %gather3A_131 = tpu.vector_load_idx %arg13[%broadcast_in_dim3A_127, %mul3A_130] : memref<80x128xf32, #tpu.memory_space<vmem>>[vector<16xi32>, vector<16xi32>], vector<16xf32>,
          %broadcast_in_dim3A_132 = vector.broadcast %scan3A_51 : i32 to vector<16xi32>
          %mul3A_133 = arith.constant 2 : i32
          %mul3A_134 = vector.broadcast %mul3A_133 : i32 to vector<16xi32>
          %mul3A_135 = arith.muli %mul3A_134, %add3A_126 : vector<16xi32>
          %add3A_136 = arith.constant 1 : i32
          %add3A_137 = vector.broadcast %add3A_136 : i32 to vector<16xi32>
          %add3A_138 = arith.addi %mul3A_135, %add3A_137 : vector<16xi32>
          %gather3A_139 = tpu.vector_load_idx %arg13[%broadcast_in_dim3A_132, %add3A_138] : memref<80x128xf32, #tpu.memory_space<vmem>>[vector<16xi32>, vector<16xi32>], vector<16xf32>,
          %pack3A_140 = tpu.pack_subelements %gather3A_131, %gather3A_139 {pack_format = #tpu.pack_format<interleaved>, positions = array<i32: 0, 1>} : vector<16xf32>, vector<16xf32> -> vector<32xbf16>
          %bitcast3A_141 = vector.bitcast %pack3A_140 : vector<32xbf16> to vector<16xi32>
          %mul3A_142 = arith.constant 16 : i32
          %mul3A_143 = arith.muli %scan3A_122, %mul3A_142 : i32
          %swap3A_144 = arith.index_cast %scan3A_51 : i32 to index
          %swap3A_145 = arith.index_cast %mul3A_143 : i32 to index
          %swap3A_146 = tpu.vector_load %arg8[%swap3A_144, %swap3A_145] {strides = array<i32>} : memref<160x64xi32, #tpu.memory_space<vmem>>, vector<16xi32>,
          tpu.vector_store %arg8[%swap3A_144, %swap3A_145], %bitcast3A_141 {strides = array<i32>} : memref<160x64xi32, #tpu.memory_space<vmem>>, vector<16xi32>,
          %scan3A_147 = arith.constant 4 : i32
        }
        %scan3A_50 = arith.constant 80 : i32
        "tpu.region"() ({
          %run_scoped3A = tpu.sem_alloc : memref<!tpu.dma_semaphore, #tpu.memory_space<semaphore_mem>>
          %dma_start3A_51 = arith.constant 0 : i32
          %dma_start3A_52 = arith.constant 0 : i32
          %dma_start3A_53 = tpu.memref_slice %arg8[%dma_start3A_51, %dma_start3A_52] : memref<160x64xi32, #tpu.memory_space<vmem>> -> memref<80x64xi32, #tpu.memory_space<vmem>>
          %dma_start3A_54 = arith.constant 0 : i32
          %dma_start3A_55 = tpu.memref_slice %arg14[%add3A_44, %dma_start3A_54] : memref<10000x64xi32, #tpu.memory_space<vmem_shared>> -> memref<80x64xi32, #tpu.memory_space<vmem_shared>>
          %dma_start3A_56 = arith.constant 0 : i32
          %dma_start3A_57 = tpu.memref_slice %arg14[%add3A_44, %dma_start3A_56] : memref<10000x64xi32, #tpu.memory_space<vmem_shared>> -> memref<80x64xi32, #tpu.memory_space<vmem_shared>>
          %dma_start3A_58 = arith.constant 0 : i32
          %dma_start3A_59 = arith.constant 0 : i32
          %dma_start3A_60 = tpu.memref_slice %arg8[%dma_start3A_58, %dma_start3A_59] : memref<160x64xi32, #tpu.memory_space<vmem>> -> memref<80x64xi32, #tpu.memory_space<vmem>>
          tpu.enqueue_dma source(%dma_start3A_60 : memref<80x64xi32, #tpu.memory_space<vmem>>) target(%dma_start3A_57 : memref<80x64xi32, #tpu.memory_space<vmem_shared>>) target_semaphore(%run_scoped3A : memref<!tpu.dma_semaphore, #tpu.memory_space<semaphore_mem>>)
          %dma_wait3A = arith.constant 0 : i32
          %dma_wait3A_61 = arith.constant 0 : i32
          %dma_wait3A_62 = tpu.memref_slice %arg8[%dma_wait3A, %dma_wait3A_61] : memref<160x64xi32, #tpu.memory_space<vmem>> -> memref<80x64xi32, #tpu.memory_space<vmem>>
          %dma_wait3A_63 = arith.constant 0 : i32
          %dma_wait3A_64 = tpu.memref_slice %arg14[%add3A_44, %dma_wait3A_63] : memref<10000x64xi32, #tpu.memory_space<vmem_shared>> -> memref<80x64xi32, #tpu.memory_space<vmem_shared>>
          %dma_wait3A_65 = arith.constant 0 : i32
          %dma_wait3A_66 = tpu.memref_slice %arg14[%add3A_44, %dma_wait3A_65] : memref<10000x64xi32, #tpu.memory_space<vmem_shared>> -> memref<80x64xi32, #tpu.memory_space<vmem_shared>>
          %dma_wait3A_67 = arith.constant 0 : i32
          %dma_wait3A_68 = arith.constant 0 : i32
          %dma_wait3A_69 = tpu.memref_slice %arg8[%dma_wait3A_67, %dma_wait3A_68] : memref<160x64xi32, #tpu.memory_space<vmem>> -> memref<80x64xi32, #tpu.memory_space<vmem>>
          tpu.wait_dma2 semaphore(%run_scoped3A : memref<!tpu.dma_semaphore, #tpu.memory_space<semaphore_mem>>) src(%dma_wait3A_69 : memref<80x64xi32, #tpu.memory_space<vmem>>) dst(%dma_wait3A_66 : memref<80x64xi32, #tpu.memory_space<vmem_shared>>)
          tpu.yield
        }) : () -> ()
      }
      %scan3A_38 = arith.constant 5 : i32
    } else {
    }
    %barrier3A = arith.constant 0 : index
    tpu.barrier barrier_id(%barrier3A)
    %dma_start3A = arith.constant 0 : i32
    %dma_start3A_9 = tpu.memref_slice %arg6[%dma_start3A] : memref<10000xi32, #tpu.memory_space<vmem>> -> memref<160xi32, #tpu.memory_space<vmem>>
    %dma_start3A_10 = arith.constant 0 : i32
    %dma_start3A_11 = arith.constant 0 : i32
    %dma_start3A_12 = tpu.memref_slice %arg14[%dma_start3A_10, %dma_start3A_11] : memref<10000x64xi32, #tpu.memory_space<vmem_shared>> -> memref<10000x64xi32, #tpu.memory_space<vmem_shared>>
    tpu.enqueue_indirect_dma source(%dma_start3A_12 : memref<10000x64xi32, #tpu.memory_space<vmem_shared>>) target(%arg8 : memref<160x64xi32, #tpu.memory_space<vmem>>) offsets(%dma_start3A_9 : memref<160xi32, #tpu.memory_space<vmem>>) semaphore(%arg15 : memref<!tpu.dma_semaphore, #tpu.memory_space<semaphore_mem>>)
    %dma_start3A_13 = arith.constant 0 : i32
    %dma_start3A_14 = tpu.memref_slice %arg7[%dma_start3A_13] : memref<10000xi32, #tpu.memory_space<vmem>> -> memref<160xi32, #tpu.memory_space<vmem>>
    %dma_start3A_15 = arith.constant 0 : i32
    %dma_start3A_16 = arith.constant 0 : i32
    %dma_start3A_17 = tpu.memref_slice %arg14[%dma_start3A_15, %dma_start3A_16] : memref<10000x64xi32, #tpu.memory_space<vmem_shared>> -> memref<10000x64xi32, #tpu.memory_space<vmem_shared>>
    tpu.enqueue_indirect_dma source(%dma_start3A_17 : memref<10000x64xi32, #tpu.memory_space<vmem_shared>>) target(%arg10 : memref<160x64xi32, #tpu.memory_space<vmem>>) offsets(%dma_start3A_14 : memref<160xi32, #tpu.memory_space<vmem>>) semaphore(%arg15 : memref<!tpu.dma_semaphore, #tpu.memory_space<semaphore_mem>>)
    %dma_start3A_18 = arith.constant 160 : i32
    %dma_start3A_19 = tpu.memref_slice %arg6[%dma_start3A_18] : memref<10000xi32, #tpu.memory_space<vmem>> -> memref<160xi32, #tpu.memory_space<vmem>>
    %dma_start3A_20 = arith.constant 0 : i32
    %dma_start3A_21 = arith.constant 0 : i32
    %dma_start3A_22 = tpu.memref_slice %arg14[%dma_start3A_20, %dma_start3A_21] : memref<10000x64xi32, #tpu.memory_space<vmem_shared>> -> memref<10000x64xi32, #tpu.memory_space<vmem_shared>>
    tpu.enqueue_indirect_dma source(%dma_start3A_22 : memref<10000x64xi32, #tpu.memory_space<vmem_shared>>) target(%arg9 : memref<160x64xi32, #tpu.memory_space<vmem>>) offsets(%dma_start3A_19 : memref<160xi32, #tpu.memory_space<vmem>>) semaphore(%arg16 : memref<!tpu.dma_semaphore, #tpu.memory_space<semaphore_mem>>)
    %dma_start3A_23 = arith.constant 160 : i32
    %dma_start3A_24 = tpu.memref_slice %arg7[%dma_start3A_23] : memref<10000xi32, #tpu.memory_space<vmem>> -> memref<160xi32, #tpu.memory_space<vmem>>
    %dma_start3A_25 = arith.constant 0 : i32
    %dma_start3A_26 = arith.constant 0 : i32
    %dma_start3A_27 = tpu.memref_slice %arg14[%dma_start3A_25, %dma_start3A_26] : memref<10000x64xi32, #tpu.memory_space<vmem_shared>> -> memref<10000x64xi32, #tpu.memory_space<vmem_shared>>
    tpu.enqueue_indirect_dma source(%dma_start3A_27 : memref<10000x64xi32, #tpu.memory_space<vmem_shared>>) target(%arg11 : memref<160x64xi32, #tpu.memory_space<vmem>>) offsets(%dma_start3A_24 : memref<160xi32, #tpu.memory_space<vmem>>) semaphore(%arg16 : memref<!tpu.dma_semaphore, #tpu.memory_space<semaphore_mem>>)
    %scan3A = arith.constant 0 : i32
    %scan3A_28 = arith.constant 0 : i32
    %scan3A_29 = arith.constant 63 : i32
    %scan3A_30 = arith.addi %scan3A_28, %scan3A_29 : i32
    %scan3A_31 = arith.constant 1 : i32
    scf.for %scan3A_33 = %scan3A_28 to %scan3A_30 step %scan3A_31  : i32 {
      %jit3A = arith.constant 2 : i32
      %eq3A_34 = arith.constant 0 : i32
      %eq3A_35 = arith.cmpi eq, %jit3A, %eq3A_34 : i32
      %jit3A_36 = arith.constant 1 : i32
      %select_n3A = arith.select %eq3A_35, %jit3A_36, %jit3A : i32
      %rem3A = arith.remsi %scan3A_33, %select_n3A : i32
      %ne3A = arith.constant 0 : i32
      %ne3A_37 = arith.cmpi ne, %rem3A, %ne3A : i32
      %lt3A_38 = arith.constant 0 : i32
      %lt3A_39 = arith.cmpi slt, %rem3A, %lt3A_38 : i32
      %lt3A_40 = arith.constant 0 : i32
      %lt3A_41 = arith.cmpi slt, %select_n3A, %lt3A_40 : i32
      %ne3A_42 = arith.xori %lt3A_39, %lt3A_41 : i1
      %and3A = arith.andi %ne3A_42, %ne3A_37 : i1
      %add3A_43 = arith.addi %rem3A, %select_n3A : i32
      %select_n3A_44 = arith.select %and3A, %add3A_43, %rem3A : i32
      %eq3A_45 = arith.constant 0 : i32
      %eq3A_46 = arith.cmpi eq, %select_n3A_44, %eq3A_45 : i32
      %convert_element_type3A_47 = arith.extui %eq3A_46 : i1 to i32
      %cond3A_48 = arith.constant 0 : i32
      %cond3A_49 = arith.cmpi ne, %convert_element_type3A_47, %cond3A_48 : i32
      scf.if %cond3A_49 {
        %lt3A_71 = arith.constant 62 : i32
        %lt3A_72 = arith.cmpi slt, %scan3A_33, %lt3A_71 : i32
        %convert_element_type3A_73 = arith.extui %lt3A_72 : i1 to i32
        %cond3A_74 = arith.constant 0 : i32
        %cond3A_75 = arith.cmpi ne, %convert_element_type3A_73, %cond3A_74 : i32
        scf.if %cond3A_75 {
          %dma_wait3A = arith.constant 0 : i32
          %dma_wait3A_95 = arith.constant 0 : i32
          %dma_wait3A_96 = tpu.memref_slice %arg14[%dma_wait3A, %dma_wait3A_95] : memref<10000x64xi32, #tpu.memory_space<vmem_shared>> -> memref<160x64xi32, #tpu.memory_space<vmem_shared>>
          %dma_wait3A_97 = arith.constant 0 : i32
          %dma_wait3A_98 = arith.constant 0 : i32
          %dma_wait3A_99 = tpu.memref_slice %arg14[%dma_wait3A_97, %dma_wait3A_98] : memref<10000x64xi32, #tpu.memory_space<vmem_shared>> -> memref<160x64xi32, #tpu.memory_space<vmem_shared>>
          tpu.wait_dma2 semaphore(%arg15 : memref<!tpu.dma_semaphore, #tpu.memory_space<semaphore_mem>>) src(%dma_wait3A_99 : memref<160x64xi32, #tpu.memory_space<vmem_shared>>) dst(%arg8 : memref<160x64xi32, #tpu.memory_space<vmem>>)
          %dma_wait3A_100 = arith.constant 0 : i32
          %dma_wait3A_101 = arith.constant 0 : i32
          %dma_wait3A_102 = tpu.memref_slice %arg14[%dma_wait3A_100, %dma_wait3A_101] : memref<10000x64xi32, #tpu.memory_space<vmem_shared>> -> memref<160x64xi32, #tpu.memory_space<vmem_shared>>
          %dma_wait3A_103 = arith.constant 0 : i32
          %dma_wait3A_104 = arith.constant 0 : i32
          %dma_wait3A_105 = tpu.memref_slice %arg14[%dma_wait3A_103, %dma_wait3A_104] : memref<10000x64xi32, #tpu.memory_space<vmem_shared>> -> memref<160x64xi32, #tpu.memory_space<vmem_shared>>
          tpu.wait_dma2 semaphore(%arg15 : memref<!tpu.dma_semaphore, #tpu.memory_space<semaphore_mem>>) src(%dma_wait3A_105 : memref<160x64xi32, #tpu.memory_space<vmem_shared>>) dst(%arg10 : memref<160x64xi32, #tpu.memory_space<vmem>>)
          %broadcast_in_dim3A = arith.constant 0 : i32
          %broadcast_in_dim3A_106 = vector.broadcast %broadcast_in_dim3A : i32 to vector<16xi32>
          %scan3A_107 = arith.constant 0 : i32
          %scan3A_108 = arith.constant 0 : i32
          %scan3A_109 = arith.constant 10 : i32
          %scan3A_110 = arith.addi %scan3A_108, %scan3A_109 : i32
          %scan3A_111 = arith.constant 1 : i32
          scf.for %scan3A_113 = %scan3A_108 to %scan3A_110 step %scan3A_111  : i32 {
            %mul3A_114 = arith.constant 16 : i32
            %mul3A_115 = arith.muli %scan3A_113, %mul3A_114 : i32
            %add3A_116 = vector.broadcast %mul3A_115 : i32 to vector<16xi32>
            %add3A_117 = arith.addi %add3A_116, %iota3A : vector<16xi32>
            %mul3A_118 = arith.constant 64 : i32
            %mul3A_119 = vector.broadcast %mul3A_118 : i32 to vector<16xi32>
            %mul3A_120 = arith.muli %add3A_117, %mul3A_119 : vector<16xi32>
            %broadcast_in_dim3A_121 = arith.constant 0.000000e+00 : f32
            %broadcast_in_dim3A_122 = vector.broadcast %broadcast_in_dim3A_121 : f32 to vector<16xf32>
            %scan3A_123 = arith.constant 0 : i32
            %scan3A_124 = arith.constant 64 : i32
            %scan3A_125 = arith.addi %scan3A_123, %scan3A_124 : i32
            %scan3A_126 = arith.constant 16 : i32
            %scan3A_127:2 = scf.for %scan3A_143 = %scan3A_123 to %scan3A_125 step %scan3A_126 iter_args(%scan3A_144 = %broadcast_in_dim3A_122, %scan3A_145 = %broadcast_in_dim3A_122) -> (vector<16xf32>, vector<16xf32>)  : i32 {
              %add3A_146 = vector.broadcast %scan3A_143 : i32 to vector<16xi32>
              %add3A_147 = arith.addi %iota3A, %add3A_146 : vector<16xi32>
              %and3A_148 = arith.constant 63 : i32
              %and3A_149 = vector.broadcast %and3A_148 : i32 to vector<16xi32>
              %and3A_150 = arith.andi %add3A_147, %and3A_149 : vector<16xi32>
              %add3A_151 = arith.addi %mul3A_120, %and3A_150 : vector<16xi32>
              %gather3A = tpu.vector_load_idx %arg8[%broadcast_in_dim3A_106, %add3A_151] : memref<160x64xi32, #tpu.memory_space<vmem>>[vector<16xi32>, vector<16xi32>], vector<16xi32>,
              %gather3A_152 = tpu.vector_load_idx %arg10[%broadcast_in_dim3A_106, %add3A_151] : memref<160x64xi32, #tpu.memory_space<vmem>>[vector<16xi32>, vector<16xi32>], vector<16xi32>,
              %bitcast3A = vector.bitcast %gather3A : vector<16xi32> to vector<32xbf16>
              %bitcast3A_153 = vector.bitcast %gather3A_152 : vector<16xi32> to vector<32xbf16>
              %mul3A_154 = arith.mulf %bitcast3A, %bitcast3A_153 : vector<32xbf16>
              %unpack3A = tpu.unpack_subelements %mul3A_154, 0 {pack_format = #tpu.pack_format<interleaved>} : vector<32xbf16> -> vector<16xf32>
              %unpack3A_155 = tpu.unpack_subelements %mul3A_154, 1 {pack_format = #tpu.pack_format<interleaved>} : vector<32xbf16> -> vector<16xf32>
              %add3A_156 = arith.addf %scan3A_144, %unpack3A : vector<16xf32>
              %add3A_157 = arith.addf %scan3A_145, %unpack3A_155 : vector<16xf32>
              %scan3A_158 = arith.constant 1 : i32
              %scan3A_159 = arith.addi %scan3A_143, %scan3A_158 : i32
              %add3A_160 = vector.broadcast %scan3A_159 : i32 to vector<16xi32>
              %add3A_161 = arith.addi %iota3A, %add3A_160 : vector<16xi32>
              %and3A_162 = arith.constant 63 : i32
              %and3A_163 = vector.broadcast %and3A_162 : i32 to vector<16xi32>
              %and3A_164 = arith.andi %add3A_161, %and3A_163 : vector<16xi32>
              %add3A_165 = arith.addi %mul3A_120, %and3A_164 : vector<16xi32>
              %gather3A_166 = tpu.vector_load_idx %arg8[%broadcast_in_dim3A_106, %add3A_165] : memref<160x64xi32, #tpu.memory_space<vmem>>[vector<16xi32>, vector<16xi32>], vector<16xi32>,
              %gather3A_167 = tpu.vector_load_idx %arg10[%broadcast_in_dim3A_106, %add3A_165] : memref<160x64xi32, #tpu.memory_space<vmem>>[vector<16xi32>, vector<16xi32>], vector<16xi32>,
              %bitcast3A_168 = vector.bitcast %gather3A_166 : vector<16xi32> to vector<32xbf16>
              %bitcast3A_169 = vector.bitcast %gather3A_167 : vector<16xi32> to vector<32xbf16>
              %mul3A_170 = arith.mulf %bitcast3A_168, %bitcast3A_169 : vector<32xbf16>
              %unpack3A_171 = tpu.unpack_subelements %mul3A_170, 0 {pack_format = #tpu.pack_format<interleaved>} : vector<32xbf16> -> vector<16xf32>
              %unpack3A_172 = tpu.unpack_subelements %mul3A_170, 1 {pack_format = #tpu.pack_format<interleaved>} : vector<32xbf16> -> vector<16xf32>
              %add3A_173 = arith.addf %add3A_156, %unpack3A_171 : vector<16xf32>
              %add3A_174 = arith.addf %add3A_157, %unpack3A_172 : vector<16xf32>
              %scan3A_175 = arith.constant 2 : i32
              %scan3A_176 = arith.addi %scan3A_143, %scan3A_175 : i32
              %add3A_177 = vector.broadcast %scan3A_176 : i32 to vector<16xi32>
              %add3A_178 = arith.addi %iota3A, %add3A_177 : vector<16xi32>
              %and3A_179 = arith.constant 63 : i32
              %and3A_180 = vector.broadcast %and3A_179 : i32 to vector<16xi32>
              %and3A_181 = arith.andi %add3A_178, %and3A_180 : vector<16xi32>
              %add3A_182 = arith.addi %mul3A_120, %and3A_181 : vector<16xi32>
              %gather3A_183 = tpu.vector_load_idx %arg8[%broadcast_in_dim3A_106, %add3A_182] : memref<160x64xi32, #tpu.memory_space<vmem>>[vector<16xi32>, vector<16xi32>], vector<16xi32>,
              %gather3A_184 = tpu.vector_load_idx %arg10[%broadcast_in_dim3A_106, %add3A_182] : memref<160x64xi32, #tpu.memory_space<vmem>>[vector<16xi32>, vector<16xi32>], vector<16xi32>,
              %bitcast3A_185 = vector.bitcast %gather3A_183 : vector<16xi32> to vector<32xbf16>
              %bitcast3A_186 = vector.bitcast %gather3A_184 : vector<16xi32> to vector<32xbf16>
              %mul3A_187 = arith.mulf %bitcast3A_185, %bitcast3A_186 : vector<32xbf16>
              %unpack3A_188 = tpu.unpack_subelements %mul3A_187, 0 {pack_format = #tpu.pack_format<interleaved>} : vector<32xbf16> -> vector<16xf32>
              %unpack3A_189 = tpu.unpack_subelements %mul3A_187, 1 {pack_format = #tpu.pack_format<interleaved>} : vector<32xbf16> -> vector<16xf32>
              %add3A_190 = arith.addf %add3A_173, %unpack3A_188 : vector<16xf32>
              %add3A_191 = arith.addf %add3A_174, %unpack3A_189 : vector<16xf32>
              %scan3A_192 = arith.constant 3 : i32
              %scan3A_193 = arith.addi %scan3A_143, %scan3A_192 : i32
              %add3A_194 = vector.broadcast %scan3A_193 : i32 to vector<16xi32>
              %add3A_195 = arith.addi %iota3A, %add3A_194 : vector<16xi32>
              %and3A_196 = arith.constant 63 : i32
              %and3A_197 = vector.broadcast %and3A_196 : i32 to vector<16xi32>
              %and3A_198 = arith.andi %add3A_195, %and3A_197 : vector<16xi32>
              %add3A_199 = arith.addi %mul3A_120, %and3A_198 : vector<16xi32>
              %gather3A_200 = tpu.vector_load_idx %arg8[%broadcast_in_dim3A_106, %add3A_199] : memref<160x64xi32, #tpu.memory_space<vmem>>[vector<16xi32>, vector<16xi32>], vector<16xi32>,
              %gather3A_201 = tpu.vector_load_idx %arg10[%broadcast_in_dim3A_106, %add3A_199] : memref<160x64xi32, #tpu.memory_space<vmem>>[vector<16xi32>, vector<16xi32>], vector<16xi32>,
              %bitcast3A_202 = vector.bitcast %gather3A_200 : vector<16xi32> to vector<32xbf16>
              %bitcast3A_203 = vector.bitcast %gather3A_201 : vector<16xi32> to vector<32xbf16>
              %mul3A_204 = arith.mulf %bitcast3A_202, %bitcast3A_203 : vector<32xbf16>
              %unpack3A_205 = tpu.unpack_subelements %mul3A_204, 0 {pack_format = #tpu.pack_format<interleaved>} : vector<32xbf16> -> vector<16xf32>
              %unpack3A_206 = tpu.unpack_subelements %mul3A_204, 1 {pack_format = #tpu.pack_format<interleaved>} : vector<32xbf16> -> vector<16xf32>
              %add3A_207 = arith.addf %add3A_190, %unpack3A_205 : vector<16xf32>
              %add3A_208 = arith.addf %add3A_191, %unpack3A_206 : vector<16xf32>
              %scan3A_209 = arith.constant 4 : i32
              %scan3A_210 = arith.addi %scan3A_143, %scan3A_209 : i32
              %add3A_211 = vector.broadcast %scan3A_210 : i32 to vector<16xi32>
              %add3A_212 = arith.addi %iota3A, %add3A_211 : vector<16xi32>
              %and3A_213 = arith.constant 63 : i32
              %and3A_214 = vector.broadcast %and3A_213 : i32 to vector<16xi32>
              %and3A_215 = arith.andi %add3A_212, %and3A_214 : vector<16xi32>
              %add3A_216 = arith.addi %mul3A_120, %and3A_215 : vector<16xi32>
              %gather3A_217 = tpu.vector_load_idx %arg8[%broadcast_in_dim3A_106, %add3A_216] : memref<160x64xi32, #tpu.memory_space<vmem>>[vector<16xi32>, vector<16xi32>], vector<16xi32>,
              %gather3A_218 = tpu.vector_load_idx %arg10[%broadcast_in_dim3A_106, %add3A_216] : memref<160x64xi32, #tpu.memory_space<vmem>>[vector<16xi32>, vector<16xi32>], vector<16xi32>,
              %bitcast3A_219 = vector.bitcast %gather3A_217 : vector<16xi32> to vector<32xbf16>
              %bitcast3A_220 = vector.bitcast %gather3A_218 : vector<16xi32> to vector<32xbf16>
              %mul3A_221 = arith.mulf %bitcast3A_219, %bitcast3A_220 : vector<32xbf16>
              %unpack3A_222 = tpu.unpack_subelements %mul3A_221, 0 {pack_format = #tpu.pack_format<interleaved>} : vector<32xbf16> -> vector<16xf32>
              %unpack3A_223 = tpu.unpack_subelements %mul3A_221, 1 {pack_format = #tpu.pack_format<interleaved>} : vector<32xbf16> -> vector<16xf32>
              %add3A_224 = arith.addf %add3A_207, %unpack3A_222 : vector<16xf32>
              %add3A_225 = arith.addf %add3A_208, %unpack3A_223 : vector<16xf32>
              %scan3A_226 = arith.constant 5 : i32
              %scan3A_227 = arith.addi %scan3A_143, %scan3A_226 : i32
              %add3A_228 = vector.broadcast %scan3A_227 : i32 to vector<16xi32>
              %add3A_229 = arith.addi %iota3A, %add3A_228 : vector<16xi32>
              %and3A_230 = arith.constant 63 : i32
              %and3A_231 = vector.broadcast %and3A_230 : i32 to vector<16xi32>
              %and3A_232 = arith.andi %add3A_229, %and3A_231 : vector<16xi32>
              %add3A_233 = arith.addi %mul3A_120, %and3A_232 : vector<16xi32>
              %gather3A_234 = tpu.vector_load_idx %arg8[%broadcast_in_dim3A_106, %add3A_233] : memref<160x64xi32, #tpu.memory_space<vmem>>[vector<16xi32>, vector<16xi32>], vector<16xi32>,
              %gather3A_235 = tpu.vector_load_idx %arg10[%broadcast_in_dim3A_106, %add3A_233] : memref<160x64xi32, #tpu.memory_space<vmem>>[vector<16xi32>, vector<16xi32>], vector<16xi32>,
              %bitcast3A_236 = vector.bitcast %gather3A_234 : vector<16xi32> to vector<32xbf16>
              %bitcast3A_237 = vector.bitcast %gather3A_235 : vector<16xi32> to vector<32xbf16>
              %mul3A_238 = arith.mulf %bitcast3A_236, %bitcast3A_237 : vector<32xbf16>
              %unpack3A_239 = tpu.unpack_subelements %mul3A_238, 0 {pack_format = #tpu.pack_format<interleaved>} : vector<32xbf16> -> vector<16xf32>
              %unpack3A_240 = tpu.unpack_subelements %mul3A_238, 1 {pack_format = #tpu.pack_format<interleaved>} : vector<32xbf16> -> vector<16xf32>
              %add3A_241 = arith.addf %add3A_224, %unpack3A_239 : vector<16xf32>
              %add3A_242 = arith.addf %add3A_225, %unpack3A_240 : vector<16xf32>
              %scan3A_243 = arith.constant 6 : i32
              %scan3A_244 = arith.addi %scan3A_143, %scan3A_243 : i32
              %add3A_245 = vector.broadcast %scan3A_244 : i32 to vector<16xi32>
              %add3A_246 = arith.addi %iota3A, %add3A_245 : vector<16xi32>
              %and3A_247 = arith.constant 63 : i32
              %and3A_248 = vector.broadcast %and3A_247 : i32 to vector<16xi32>
              %and3A_249 = arith.andi %add3A_246, %and3A_248 : vector<16xi32>
              %add3A_250 = arith.addi %mul3A_120, %and3A_249 : vector<16xi32>
              %gather3A_251 = tpu.vector_load_idx %arg8[%broadcast_in_dim3A_106, %add3A_250] : memref<160x64xi32, #tpu.memory_space<vmem>>[vector<16xi32>, vector<16xi32>], vector<16xi32>,
              %gather3A_252 = tpu.vector_load_idx %arg10[%broadcast_in_dim3A_106, %add3A_250] : memref<160x64xi32, #tpu.memory_space<vmem>>[vector<16xi32>, vector<16xi32>], vector<16xi32>,
              %bitcast3A_253 = vector.bitcast %gather3A_251 : vector<16xi32> to vector<32xbf16>
              %bitcast3A_254 = vector.bitcast %gather3A_252 : vector<16xi32> to vector<32xbf16>
              %mul3A_255 = arith.mulf %bitcast3A_253, %bitcast3A_254 : vector<32xbf16>
              %unpack3A_256 = tpu.unpack_subelements %mul3A_255, 0 {pack_format = #tpu.pack_format<interleaved>} : vector<32xbf16> -> vector<16xf32>
              %unpack3A_257 = tpu.unpack_subelements %mul3A_255, 1 {pack_format = #tpu.pack_format<interleaved>} : vector<32xbf16> -> vector<16xf32>
              %add3A_258 = arith.addf %add3A_241, %unpack3A_256 : vector<16xf32>
              %add3A_259 = arith.addf %add3A_242, %unpack3A_257 : vector<16xf32>
              %scan3A_260 = arith.constant 7 : i32
              %scan3A_261 = arith.addi %scan3A_143, %scan3A_260 : i32
              %add3A_262 = vector.broadcast %scan3A_261 : i32 to vector<16xi32>
              %add3A_263 = arith.addi %iota3A, %add3A_262 : vector<16xi32>
              %and3A_264 = arith.constant 63 : i32
              %and3A_265 = vector.broadcast %and3A_264 : i32 to vector<16xi32>
              %and3A_266 = arith.andi %add3A_263, %and3A_265 : vector<16xi32>
              %add3A_267 = arith.addi %mul3A_120, %and3A_266 : vector<16xi32>
              %gather3A_268 = tpu.vector_load_idx %arg8[%broadcast_in_dim3A_106, %add3A_267] : memref<160x64xi32, #tpu.memory_space<vmem>>[vector<16xi32>, vector<16xi32>], vector<16xi32>,
              %gather3A_269 = tpu.vector_load_idx %arg10[%broadcast_in_dim3A_106, %add3A_267] : memref<160x64xi32, #tpu.memory_space<vmem>>[vector<16xi32>, vector<16xi32>], vector<16xi32>,
              %bitcast3A_270 = vector.bitcast %gather3A_268 : vector<16xi32> to vector<32xbf16>
              %bitcast3A_271 = vector.bitcast %gather3A_269 : vector<16xi32> to vector<32xbf16>
              %mul3A_272 = arith.mulf %bitcast3A_270, %bitcast3A_271 : vector<32xbf16>
              %unpack3A_273 = tpu.unpack_subelements %mul3A_272, 0 {pack_format = #tpu.pack_format<interleaved>} : vector<32xbf16> -> vector<16xf32>
              %unpack3A_274 = tpu.unpack_subelements %mul3A_272, 1 {pack_format = #tpu.pack_format<interleaved>} : vector<32xbf16> -> vector<16xf32>
              %add3A_275 = arith.addf %add3A_258, %unpack3A_273 : vector<16xf32>
              %add3A_276 = arith.addf %add3A_259, %unpack3A_274 : vector<16xf32>
              %scan3A_277 = arith.constant 8 : i32
              %scan3A_278 = arith.addi %scan3A_143, %scan3A_277 : i32
              %add3A_279 = vector.broadcast %scan3A_278 : i32 to vector<16xi32>
              %add3A_280 = arith.addi %iota3A, %add3A_279 : vector<16xi32>
              %and3A_281 = arith.constant 63 : i32
              %and3A_282 = vector.broadcast %and3A_281 : i32 to vector<16xi32>
              %and3A_283 = arith.andi %add3A_280, %and3A_282 : vector<16xi32>
              %add3A_284 = arith.addi %mul3A_120, %and3A_283 : vector<16xi32>
              %gather3A_285 = tpu.vector_load_idx %arg8[%broadcast_in_dim3A_106, %add3A_284] : memref<160x64xi32, #tpu.memory_space<vmem>>[vector<16xi32>, vector<16xi32>], vector<16xi32>,
              %gather3A_286 = tpu.vector_load_idx %arg10[%broadcast_in_dim3A_106, %add3A_284] : memref<160x64xi32, #tpu.memory_space<vmem>>[vector<16xi32>, vector<16xi32>], vector<16xi32>,
              %bitcast3A_287 = vector.bitcast %gather3A_285 : vector<16xi32> to vector<32xbf16>
              %bitcast3A_288 = vector.bitcast %gather3A_286 : vector<16xi32> to vector<32xbf16>
              %mul3A_289 = arith.mulf %bitcast3A_287, %bitcast3A_288 : vector<32xbf16>
              %unpack3A_290 = tpu.unpack_subelements %mul3A_289, 0 {pack_format = #tpu.pack_format<interleaved>} : vector<32xbf16> -> vector<16xf32>
              %unpack3A_291 = tpu.unpack_subelements %mul3A_289, 1 {pack_format = #tpu.pack_format<interleaved>} : vector<32xbf16> -> vector<16xf32>
              %add3A_292 = arith.addf %add3A_275, %unpack3A_290 : vector<16xf32>
              %add3A_293 = arith.addf %add3A_276, %unpack3A_291 : vector<16xf32>
              %scan3A_294 = arith.constant 9 : i32
              %scan3A_295 = arith.addi %scan3A_143, %scan3A_294 : i32
              %add3A_296 = vector.broadcast %scan3A_295 : i32 to vector<16xi32>
              %add3A_297 = arith.addi %iota3A, %add3A_296 : vector<16xi32>
              %and3A_298 = arith.constant 63 : i32
              %and3A_299 = vector.broadcast %and3A_298 : i32 to vector<16xi32>
              %and3A_300 = arith.andi %add3A_297, %and3A_299 : vector<16xi32>
              %add3A_301 = arith.addi %mul3A_120, %and3A_300 : vector<16xi32>
              %gather3A_302 = tpu.vector_load_idx %arg8[%broadcast_in_dim3A_106, %add3A_301] : memref<160x64xi32, #tpu.memory_space<vmem>>[vector<16xi32>, vector<16xi32>], vector<16xi32>,
              %gather3A_303 = tpu.vector_load_idx %arg10[%broadcast_in_dim3A_106, %add3A_301] : memref<160x64xi32, #tpu.memory_space<vmem>>[vector<16xi32>, vector<16xi32>], vector<16xi32>,
              %bitcast3A_304 = vector.bitcast %gather3A_302 : vector<16xi32> to vector<32xbf16>
              %bitcast3A_305 = vector.bitcast %gather3A_303 : vector<16xi32> to vector<32xbf16>
              %mul3A_306 = arith.mulf %bitcast3A_304, %bitcast3A_305 : vector<32xbf16>
              %unpack3A_307 = tpu.unpack_subelements %mul3A_306, 0 {pack_format = #tpu.pack_format<interleaved>} : vector<32xbf16> -> vector<16xf32>
              %unpack3A_308 = tpu.unpack_subelements %mul3A_306, 1 {pack_format = #tpu.pack_format<interleaved>} : vector<32xbf16> -> vector<16xf32>
              %add3A_309 = arith.addf %add3A_292, %unpack3A_307 : vector<16xf32>
              %add3A_310 = arith.addf %add3A_293, %unpack3A_308 : vector<16xf32>
              %scan3A_311 = arith.constant 10 : i32
              %scan3A_312 = arith.addi %scan3A_143, %scan3A_311 : i32
              %add3A_313 = vector.broadcast %scan3A_312 : i32 to vector<16xi32>
              %add3A_314 = arith.addi %iota3A, %add3A_313 : vector<16xi32>
              %and3A_315 = arith.constant 63 : i32
              %and3A_316 = vector.broadcast %and3A_315 : i32 to vector<16xi32>
              %and3A_317 = arith.andi %add3A_314, %and3A_316 : vector<16xi32>
              %add3A_318 = arith.addi %mul3A_120, %and3A_317 : vector<16xi32>
              %gather3A_319 = tpu.vector_load_idx %arg8[%broadcast_in_dim3A_106, %add3A_318] : memref<160x64xi32, #tpu.memory_space<vmem>>[vector<16xi32>, vector<16xi32>], vector<16xi32>,
              %gather3A_320 = tpu.vector_load_idx %arg10[%broadcast_in_dim3A_106, %add3A_318] : memref<160x64xi32, #tpu.memory_space<vmem>>[vector<16xi32>, vector<16xi32>], vector<16xi32>,
              %bitcast3A_321 = vector.bitcast %gather3A_319 : vector<16xi32> to vector<32xbf16>
              %bitcast3A_322 = vector.bitcast %gather3A_320 : vector<16xi32> to vector<32xbf16>
              %mul3A_323 = arith.mulf %bitcast3A_321, %bitcast3A_322 : vector<32xbf16>
              %unpack3A_324 = tpu.unpack_subelements %mul3A_323, 0 {pack_format = #tpu.pack_format<interleaved>} : vector<32xbf16> -> vector<16xf32>
              %unpack3A_325 = tpu.unpack_subelements %mul3A_323, 1 {pack_format = #tpu.pack_format<interleaved>} : vector<32xbf16> -> vector<16xf32>
              %add3A_326 = arith.addf %add3A_309, %unpack3A_324 : vector<16xf32>
              %add3A_327 = arith.addf %add3A_310, %unpack3A_325 : vector<16xf32>
              %scan3A_328 = arith.constant 11 : i32
              %scan3A_329 = arith.addi %scan3A_143, %scan3A_328 : i32
              %add3A_330 = vector.broadcast %scan3A_329 : i32 to vector<16xi32>
              %add3A_331 = arith.addi %iota3A, %add3A_330 : vector<16xi32>
              %and3A_332 = arith.constant 63 : i32
              %and3A_333 = vector.broadcast %and3A_332 : i32 to vector<16xi32>
              %and3A_334 = arith.andi %add3A_331, %and3A_333 : vector<16xi32>
              %add3A_335 = arith.addi %mul3A_120, %and3A_334 : vector<16xi32>
              %gather3A_336 = tpu.vector_load_idx %arg8[%broadcast_in_dim3A_106, %add3A_335] : memref<160x64xi32, #tpu.memory_space<vmem>>[vector<16xi32>, vector<16xi32>], vector<16xi32>,
              %gather3A_337 = tpu.vector_load_idx %arg10[%broadcast_in_dim3A_106, %add3A_335] : memref<160x64xi32, #tpu.memory_space<vmem>>[vector<16xi32>, vector<16xi32>], vector<16xi32>,
              %bitcast3A_338 = vector.bitcast %gather3A_336 : vector<16xi32> to vector<32xbf16>
              %bitcast3A_339 = vector.bitcast %gather3A_337 : vector<16xi32> to vector<32xbf16>
              %mul3A_340 = arith.mulf %bitcast3A_338, %bitcast3A_339 : vector<32xbf16>
              %unpack3A_341 = tpu.unpack_subelements %mul3A_340, 0 {pack_format = #tpu.pack_format<interleaved>} : vector<32xbf16> -> vector<16xf32>
              %unpack3A_342 = tpu.unpack_subelements %mul3A_340, 1 {pack_format = #tpu.pack_format<interleaved>} : vector<32xbf16> -> vector<16xf32>
              %add3A_343 = arith.addf %add3A_326, %unpack3A_341 : vector<16xf32>
              %add3A_344 = arith.addf %add3A_327, %unpack3A_342 : vector<16xf32>
              %scan3A_345 = arith.constant 12 : i32
              %scan3A_346 = arith.addi %scan3A_143, %scan3A_345 : i32
              %add3A_347 = vector.broadcast %scan3A_346 : i32 to vector<16xi32>
              %add3A_348 = arith.addi %iota3A, %add3A_347 : vector<16xi32>
              %and3A_349 = arith.constant 63 : i32
              %and3A_350 = vector.broadcast %and3A_349 : i32 to vector<16xi32>
              %and3A_351 = arith.andi %add3A_348, %and3A_350 : vector<16xi32>
              %add3A_352 = arith.addi %mul3A_120, %and3A_351 : vector<16xi32>
              %gather3A_353 = tpu.vector_load_idx %arg8[%broadcast_in_dim3A_106, %add3A_352] : memref<160x64xi32, #tpu.memory_space<vmem>>[vector<16xi32>, vector<16xi32>], vector<16xi32>,
              %gather3A_354 = tpu.vector_load_idx %arg10[%broadcast_in_dim3A_106, %add3A_352] : memref<160x64xi32, #tpu.memory_space<vmem>>[vector<16xi32>, vector<16xi32>], vector<16xi32>,
              %bitcast3A_355 = vector.bitcast %gather3A_353 : vector<16xi32> to vector<32xbf16>
              %bitcast3A_356 = vector.bitcast %gather3A_354 : vector<16xi32> to vector<32xbf16>
              %mul3A_357 = arith.mulf %bitcast3A_355, %bitcast3A_356 : vector<32xbf16>
              %unpack3A_358 = tpu.unpack_subelements %mul3A_357, 0 {pack_format = #tpu.pack_format<interleaved>} : vector<32xbf16> -> vector<16xf32>
              %unpack3A_359 = tpu.unpack_subelements %mul3A_357, 1 {pack_format = #tpu.pack_format<interleaved>} : vector<32xbf16> -> vector<16xf32>
              %add3A_360 = arith.addf %add3A_343, %unpack3A_358 : vector<16xf32>
              %add3A_361 = arith.addf %add3A_344, %unpack3A_359 : vector<16xf32>
              %scan3A_362 = arith.constant 13 : i32
              %scan3A_363 = arith.addi %scan3A_143, %scan3A_362 : i32
              %add3A_364 = vector.broadcast %scan3A_363 : i32 to vector<16xi32>
              %add3A_365 = arith.addi %iota3A, %add3A_364 : vector<16xi32>
              %and3A_366 = arith.constant 63 : i32
              %and3A_367 = vector.broadcast %and3A_366 : i32 to vector<16xi32>
              %and3A_368 = arith.andi %add3A_365, %and3A_367 : vector<16xi32>
              %add3A_369 = arith.addi %mul3A_120, %and3A_368 : vector<16xi32>
              %gather3A_370 = tpu.vector_load_idx %arg8[%broadcast_in_dim3A_106, %add3A_369] : memref<160x64xi32, #tpu.memory_space<vmem>>[vector<16xi32>, vector<16xi32>], vector<16xi32>,
              %gather3A_371 = tpu.vector_load_idx %arg10[%broadcast_in_dim3A_106, %add3A_369] : memref<160x64xi32, #tpu.memory_space<vmem>>[vector<16xi32>, vector<16xi32>], vector<16xi32>,
              %bitcast3A_372 = vector.bitcast %gather3A_370 : vector<16xi32> to vector<32xbf16>
              %bitcast3A_373 = vector.bitcast %gather3A_371 : vector<16xi32> to vector<32xbf16>
              %mul3A_374 = arith.mulf %bitcast3A_372, %bitcast3A_373 : vector<32xbf16>
              %unpack3A_375 = tpu.unpack_subelements %mul3A_374, 0 {pack_format = #tpu.pack_format<interleaved>} : vector<32xbf16> -> vector<16xf32>
              %unpack3A_376 = tpu.unpack_subelements %mul3A_374, 1 {pack_format = #tpu.pack_format<interleaved>} : vector<32xbf16> -> vector<16xf32>
              %add3A_377 = arith.addf %add3A_360, %unpack3A_375 : vector<16xf32>
              %add3A_378 = arith.addf %add3A_361, %unpack3A_376 : vector<16xf32>
              %scan3A_379 = arith.constant 14 : i32
              %scan3A_380 = arith.addi %scan3A_143, %scan3A_379 : i32
              %add3A_381 = vector.broadcast %scan3A_380 : i32 to vector<16xi32>
              %add3A_382 = arith.addi %iota3A, %add3A_381 : vector<16xi32>
              %and3A_383 = arith.constant 63 : i32
              %and3A_384 = vector.broadcast %and3A_383 : i32 to vector<16xi32>
              %and3A_385 = arith.andi %add3A_382, %and3A_384 : vector<16xi32>
              %add3A_386 = arith.addi %mul3A_120, %and3A_385 : vector<16xi32>
              %gather3A_387 = tpu.vector_load_idx %arg8[%broadcast_in_dim3A_106, %add3A_386] : memref<160x64xi32, #tpu.memory_space<vmem>>[vector<16xi32>, vector<16xi32>], vector<16xi32>,
              %gather3A_388 = tpu.vector_load_idx %arg10[%broadcast_in_dim3A_106, %add3A_386] : memref<160x64xi32, #tpu.memory_space<vmem>>[vector<16xi32>, vector<16xi32>], vector<16xi32>,
              %bitcast3A_389 = vector.bitcast %gather3A_387 : vector<16xi32> to vector<32xbf16>
              %bitcast3A_390 = vector.bitcast %gather3A_388 : vector<16xi32> to vector<32xbf16>
              %mul3A_391 = arith.mulf %bitcast3A_389, %bitcast3A_390 : vector<32xbf16>
              %unpack3A_392 = tpu.unpack_subelements %mul3A_391, 0 {pack_format = #tpu.pack_format<interleaved>} : vector<32xbf16> -> vector<16xf32>
              %unpack3A_393 = tpu.unpack_subelements %mul3A_391, 1 {pack_format = #tpu.pack_format<interleaved>} : vector<32xbf16> -> vector<16xf32>
              %add3A_394 = arith.addf %add3A_377, %unpack3A_392 : vector<16xf32>
              %add3A_395 = arith.addf %add3A_378, %unpack3A_393 : vector<16xf32>
              %scan3A_396 = arith.constant 15 : i32
              %scan3A_397 = arith.addi %scan3A_143, %scan3A_396 : i32
              %add3A_398 = vector.broadcast %scan3A_397 : i32 to vector<16xi32>
              %add3A_399 = arith.addi %iota3A, %add3A_398 : vector<16xi32>
              %and3A_400 = arith.constant 63 : i32
              %and3A_401 = vector.broadcast %and3A_400 : i32 to vector<16xi32>
              %and3A_402 = arith.andi %add3A_399, %and3A_401 : vector<16xi32>
              %add3A_403 = arith.addi %mul3A_120, %and3A_402 : vector<16xi32>
              %gather3A_404 = tpu.vector_load_idx %arg8[%broadcast_in_dim3A_106, %add3A_403] : memref<160x64xi32, #tpu.memory_space<vmem>>[vector<16xi32>, vector<16xi32>], vector<16xi32>,
              %gather3A_405 = tpu.vector_load_idx %arg10[%broadcast_in_dim3A_106, %add3A_403] : memref<160x64xi32, #tpu.memory_space<vmem>>[vector<16xi32>, vector<16xi32>], vector<16xi32>,
              %bitcast3A_406 = vector.bitcast %gather3A_404 : vector<16xi32> to vector<32xbf16>
              %bitcast3A_407 = vector.bitcast %gather3A_405 : vector<16xi32> to vector<32xbf16>
              %mul3A_408 = arith.mulf %bitcast3A_406, %bitcast3A_407 : vector<32xbf16>
              %unpack3A_409 = tpu.unpack_subelements %mul3A_408, 0 {pack_format = #tpu.pack_format<interleaved>} : vector<32xbf16> -> vector<16xf32>
              %unpack3A_410 = tpu.unpack_subelements %mul3A_408, 1 {pack_format = #tpu.pack_format<interleaved>} : vector<32xbf16> -> vector<16xf32>
              %add3A_411 = arith.addf %add3A_394, %unpack3A_409 : vector<16xf32>
              %add3A_412 = arith.addf %add3A_395, %unpack3A_410 : vector<16xf32>
              scf.yield %add3A_411, %add3A_412 : vector<16xf32>, vector<16xf32>
            }
            %scan3A_128 = arith.constant 64 : i32
            %add3A_129 = arith.addf %scan3A_127#0, %scan3A_127#1 : vector<16xf32>
            %neg3A = arith.constant 0.000000e+00 : f32
            %neg3A_130 = vector.broadcast %neg3A : f32 to vector<16xf32>
            %neg3A_131 = arith.subf %neg3A_130, %add3A_129 : vector<16xf32>
            %exp3A = math.exp %neg3A_131 : vector<16xf32>
            %add3A_132 = arith.constant 1.000000e+00 : f32
            %add3A_133 = vector.broadcast %add3A_132 : f32 to vector<16xf32>
            %add3A_134 = arith.addf %add3A_133, %exp3A : vector<16xf32>
            %div3A = arith.constant 1.000000e+00 : f32
            %div3A_135 = vector.broadcast %div3A : f32 to vector<16xf32>
            %div3A_136 = arith.divf %div3A_135, %add3A_134 : vector<16xf32>
            %mul3A_137 = arith.constant 160 : i32
            %mul3A_138 = arith.muli %scan3A_33, %mul3A_137 : i32
            %mul3A_139 = arith.constant 16 : i32
            %mul3A_140 = arith.muli %scan3A_113, %mul3A_139 : i32
            %add3A_141 = arith.addi %mul3A_138, %mul3A_140 : i32
            %swap3A = arith.index_cast %add3A_141 : i32 to index
            %swap3A_142 = tpu.vector_load %arg12[%swap3A] {strides = array<i32>} : memref<10000xf32, #tpu.memory_space<vmem>>, vector<16xf32>,
            tpu.vector_store %arg12[%swap3A], %div3A_136 {strides = array<i32>} : memref<10000xf32, #tpu.memory_space<vmem>>, vector<16xf32>,
          }
          %scan3A_112 = arith.constant 10 : i32
        } else {
        }
        %eq3A_76 = arith.constant 62 : i32
        %eq3A_77 = arith.cmpi eq, %scan3A_33, %eq3A_76 : i32
        %convert_element_type3A_78 = arith.extui %eq3A_77 : i1 to i32
        %cond3A_79 = arith.constant 0 : i32
        %cond3A_80 = arith.cmpi ne, %convert_element_type3A_78, %cond3A_79 : i32
        scf.if %cond3A_80 {
          %dma_wait3A = arith.constant 0 : i32
          %dma_wait3A_95 = arith.constant 0 : i32
          %dma_wait3A_96 = tpu.memref_slice %arg8[%dma_wait3A, %dma_wait3A_95] : memref<160x64xi32, #tpu.memory_space<vmem>> -> memref<80x64xi32, #tpu.memory_space<vmem>>
          %dma_wait3A_97 = arith.constant 0 : i32
          %dma_wait3A_98 = arith.constant 0 : i32
          %dma_wait3A_99 = tpu.memref_slice %arg14[%dma_wait3A_97, %dma_wait3A_98] : memref<10000x64xi32, #tpu.memory_space<vmem_shared>> -> memref<80x64xi32, #tpu.memory_space<vmem_shared>>
          %dma_wait3A_100 = arith.constant 0 : i32
          %dma_wait3A_101 = arith.constant 0 : i32
          %dma_wait3A_102 = tpu.memref_slice %arg8[%dma_wait3A_100, %dma_wait3A_101] : memref<160x64xi32, #tpu.memory_space<vmem>> -> memref<80x64xi32, #tpu.memory_space<vmem>>
          %dma_wait3A_103 = arith.constant 0 : i32
          %dma_wait3A_104 = arith.constant 0 : i32
          %dma_wait3A_105 = tpu.memref_slice %arg14[%dma_wait3A_103, %dma_wait3A_104] : memref<10000x64xi32, #tpu.memory_space<vmem_shared>> -> memref<80x64xi32, #tpu.memory_space<vmem_shared>>
          tpu.wait_dma2 semaphore(%arg15 : memref<!tpu.dma_semaphore, #tpu.memory_space<semaphore_mem>>) src(%dma_wait3A_105 : memref<80x64xi32, #tpu.memory_space<vmem_shared>>) dst(%dma_wait3A_102 : memref<80x64xi32, #tpu.memory_space<vmem>>)
          %dma_wait3A_106 = arith.constant 0 : i32
          %dma_wait3A_107 = arith.constant 0 : i32
          %dma_wait3A_108 = tpu.memref_slice %arg10[%dma_wait3A_106, %dma_wait3A_107] : memref<160x64xi32, #tpu.memory_space<vmem>> -> memref<80x64xi32, #tpu.memory_space<vmem>>
          %dma_wait3A_109 = arith.constant 0 : i32
          %dma_wait3A_110 = arith.constant 0 : i32
          %dma_wait3A_111 = tpu.memref_slice %arg14[%dma_wait3A_109, %dma_wait3A_110] : memref<10000x64xi32, #tpu.memory_space<vmem_shared>> -> memref<80x64xi32, #tpu.memory_space<vmem_shared>>
          %dma_wait3A_112 = arith.constant 0 : i32
          %dma_wait3A_113 = arith.constant 0 : i32
          %dma_wait3A_114 = tpu.memref_slice %arg10[%dma_wait3A_112, %dma_wait3A_113] : memref<160x64xi32, #tpu.memory_space<vmem>> -> memref<80x64xi32, #tpu.memory_space<vmem>>
          %dma_wait3A_115 = arith.constant 0 : i32
          %dma_wait3A_116 = arith.constant 0 : i32
          %dma_wait3A_117 = tpu.memref_slice %arg14[%dma_wait3A_115, %dma_wait3A_116] : memref<10000x64xi32, #tpu.memory_space<vmem_shared>> -> memref<80x64xi32, #tpu.memory_space<vmem_shared>>
          tpu.wait_dma2 semaphore(%arg15 : memref<!tpu.dma_semaphore, #tpu.memory_space<semaphore_mem>>) src(%dma_wait3A_117 : memref<80x64xi32, #tpu.memory_space<vmem_shared>>) dst(%dma_wait3A_114 : memref<80x64xi32, #tpu.memory_space<vmem>>)
          %broadcast_in_dim3A = arith.constant 0 : i32
          %broadcast_in_dim3A_118 = vector.broadcast %broadcast_in_dim3A : i32 to vector<16xi32>
          %scan3A_119 = arith.constant 0 : i32
          %scan3A_120 = arith.constant 0 : i32
          %scan3A_121 = arith.constant 5 : i32
          %scan3A_122 = arith.addi %scan3A_120, %scan3A_121 : i32
          %scan3A_123 = arith.constant 1 : i32
          scf.for %scan3A_125 = %scan3A_120 to %scan3A_122 step %scan3A_123  : i32 {
            %mul3A_126 = arith.constant 16 : i32
            %mul3A_127 = arith.muli %scan3A_125, %mul3A_126 : i32
            %add3A_128 = vector.broadcast %mul3A_127 : i32 to vector<16xi32>
            %add3A_129 = arith.addi %add3A_128, %iota3A : vector<16xi32>
            %mul3A_130 = arith.constant 64 : i32
            %mul3A_131 = vector.broadcast %mul3A_130 : i32 to vector<16xi32>
            %mul3A_132 = arith.muli %add3A_129, %mul3A_131 : vector<16xi32>
            %broadcast_in_dim3A_133 = arith.constant 0.000000e+00 : f32
            %broadcast_in_dim3A_134 = vector.broadcast %broadcast_in_dim3A_133 : f32 to vector<16xf32>
            %scan3A_135 = arith.constant 0 : i32
            %scan3A_136 = arith.constant 64 : i32
            %scan3A_137 = arith.addi %scan3A_135, %scan3A_136 : i32
            %scan3A_138 = arith.constant 16 : i32
            %scan3A_139:2 = scf.for %scan3A_155 = %scan3A_135 to %scan3A_137 step %scan3A_138 iter_args(%scan3A_156 = %broadcast_in_dim3A_134, %scan3A_157 = %broadcast_in_dim3A_134) -> (vector<16xf32>, vector<16xf32>)  : i32 {
              %add3A_158 = vector.broadcast %scan3A_155 : i32 to vector<16xi32>
              %add3A_159 = arith.addi %iota3A, %add3A_158 : vector<16xi32>
              %and3A_160 = arith.constant 63 : i32
              %and3A_161 = vector.broadcast %and3A_160 : i32 to vector<16xi32>
              %and3A_162 = arith.andi %add3A_159, %and3A_161 : vector<16xi32>
              %add3A_163 = arith.addi %mul3A_132, %and3A_162 : vector<16xi32>
              %gather3A = tpu.vector_load_idx %arg8[%broadcast_in_dim3A_118, %add3A_163] : memref<160x64xi32, #tpu.memory_space<vmem>>[vector<16xi32>, vector<16xi32>], vector<16xi32>,
              %gather3A_164 = tpu.vector_load_idx %arg10[%broadcast_in_dim3A_118, %add3A_163] : memref<160x64xi32, #tpu.memory_space<vmem>>[vector<16xi32>, vector<16xi32>], vector<16xi32>,
              %bitcast3A = vector.bitcast %gather3A : vector<16xi32> to vector<32xbf16>
              %bitcast3A_165 = vector.bitcast %gather3A_164 : vector<16xi32> to vector<32xbf16>
              %mul3A_166 = arith.mulf %bitcast3A, %bitcast3A_165 : vector<32xbf16>
              %unpack3A = tpu.unpack_subelements %mul3A_166, 0 {pack_format = #tpu.pack_format<interleaved>} : vector<32xbf16> -> vector<16xf32>
              %unpack3A_167 = tpu.unpack_subelements %mul3A_166, 1 {pack_format = #tpu.pack_format<interleaved>} : vector<32xbf16> -> vector<16xf32>
              %add3A_168 = arith.addf %scan3A_156, %unpack3A : vector<16xf32>
              %add3A_169 = arith.addf %scan3A_157, %unpack3A_167 : vector<16xf32>
              %scan3A_170 = arith.constant 1 : i32
              %scan3A_171 = arith.addi %scan3A_155, %scan3A_170 : i32
              %add3A_172 = vector.broadcast %scan3A_171 : i32 to vector<16xi32>
              %add3A_173 = arith.addi %iota3A, %add3A_172 : vector<16xi32>
              %and3A_174 = arith.constant 63 : i32
              %and3A_175 = vector.broadcast %and3A_174 : i32 to vector<16xi32>
              %and3A_176 = arith.andi %add3A_173, %and3A_175 : vector<16xi32>
              %add3A_177 = arith.addi %mul3A_132, %and3A_176 : vector<16xi32>
              %gather3A_178 = tpu.vector_load_idx %arg8[%broadcast_in_dim3A_118, %add3A_177] : memref<160x64xi32, #tpu.memory_space<vmem>>[vector<16xi32>, vector<16xi32>], vector<16xi32>,
              %gather3A_179 = tpu.vector_load_idx %arg10[%broadcast_in_dim3A_118, %add3A_177] : memref<160x64xi32, #tpu.memory_space<vmem>>[vector<16xi32>, vector<16xi32>], vector<16xi32>,
              %bitcast3A_180 = vector.bitcast %gather3A_178 : vector<16xi32> to vector<32xbf16>
              %bitcast3A_181 = vector.bitcast %gather3A_179 : vector<16xi32> to vector<32xbf16>
              %mul3A_182 = arith.mulf %bitcast3A_180, %bitcast3A_181 : vector<32xbf16>
              %unpack3A_183 = tpu.unpack_subelements %mul3A_182, 0 {pack_format = #tpu.pack_format<interleaved>} : vector<32xbf16> -> vector<16xf32>
              %unpack3A_184 = tpu.unpack_subelements %mul3A_182, 1 {pack_format = #tpu.pack_format<interleaved>} : vector<32xbf16> -> vector<16xf32>
              %add3A_185 = arith.addf %add3A_168, %unpack3A_183 : vector<16xf32>
              %add3A_186 = arith.addf %add3A_169, %unpack3A_184 : vector<16xf32>
              %scan3A_187 = arith.constant 2 : i32
              %scan3A_188 = arith.addi %scan3A_155, %scan3A_187 : i32
              %add3A_189 = vector.broadcast %scan3A_188 : i32 to vector<16xi32>
              %add3A_190 = arith.addi %iota3A, %add3A_189 : vector<16xi32>
              %and3A_191 = arith.constant 63 : i32
              %and3A_192 = vector.broadcast %and3A_191 : i32 to vector<16xi32>
              %and3A_193 = arith.andi %add3A_190, %and3A_192 : vector<16xi32>
              %add3A_194 = arith.addi %mul3A_132, %and3A_193 : vector<16xi32>
              %gather3A_195 = tpu.vector_load_idx %arg8[%broadcast_in_dim3A_118, %add3A_194] : memref<160x64xi32, #tpu.memory_space<vmem>>[vector<16xi32>, vector<16xi32>], vector<16xi32>,
              %gather3A_196 = tpu.vector_load_idx %arg10[%broadcast_in_dim3A_118, %add3A_194] : memref<160x64xi32, #tpu.memory_space<vmem>>[vector<16xi32>, vector<16xi32>], vector<16xi32>,
              %bitcast3A_197 = vector.bitcast %gather3A_195 : vector<16xi32> to vector<32xbf16>
              %bitcast3A_198 = vector.bitcast %gather3A_196 : vector<16xi32> to vector<32xbf16>
              %mul3A_199 = arith.mulf %bitcast3A_197, %bitcast3A_198 : vector<32xbf16>
              %unpack3A_200 = tpu.unpack_subelements %mul3A_199, 0 {pack_format = #tpu.pack_format<interleaved>} : vector<32xbf16> -> vector<16xf32>
              %unpack3A_201 = tpu.unpack_subelements %mul3A_199, 1 {pack_format = #tpu.pack_format<interleaved>} : vector<32xbf16> -> vector<16xf32>
              %add3A_202 = arith.addf %add3A_185, %unpack3A_200 : vector<16xf32>
              %add3A_203 = arith.addf %add3A_186, %unpack3A_201 : vector<16xf32>
              %scan3A_204 = arith.constant 3 : i32
              %scan3A_205 = arith.addi %scan3A_155, %scan3A_204 : i32
              %add3A_206 = vector.broadcast %scan3A_205 : i32 to vector<16xi32>
              %add3A_207 = arith.addi %iota3A, %add3A_206 : vector<16xi32>
              %and3A_208 = arith.constant 63 : i32
              %and3A_209 = vector.broadcast %and3A_208 : i32 to vector<16xi32>
              %and3A_210 = arith.andi %add3A_207, %and3A_209 : vector<16xi32>
              %add3A_211 = arith.addi %mul3A_132, %and3A_210 : vector<16xi32>
              %gather3A_212 = tpu.vector_load_idx %arg8[%broadcast_in_dim3A_118, %add3A_211] : memref<160x64xi32, #tpu.memory_space<vmem>>[vector<16xi32>, vector<16xi32>], vector<16xi32>,
              %gather3A_213 = tpu.vector_load_idx %arg10[%broadcast_in_dim3A_118, %add3A_211] : memref<160x64xi32, #tpu.memory_space<vmem>>[vector<16xi32>, vector<16xi32>], vector<16xi32>,
              %bitcast3A_214 = vector.bitcast %gather3A_212 : vector<16xi32> to vector<32xbf16>
              %bitcast3A_215 = vector.bitcast %gather3A_213 : vector<16xi32> to vector<32xbf16>
              %mul3A_216 = arith.mulf %bitcast3A_214, %bitcast3A_215 : vector<32xbf16>
              %unpack3A_217 = tpu.unpack_subelements %mul3A_216, 0 {pack_format = #tpu.pack_format<interleaved>} : vector<32xbf16> -> vector<16xf32>
              %unpack3A_218 = tpu.unpack_subelements %mul3A_216, 1 {pack_format = #tpu.pack_format<interleaved>} : vector<32xbf16> -> vector<16xf32>
              %add3A_219 = arith.addf %add3A_202, %unpack3A_217 : vector<16xf32>
              %add3A_220 = arith.addf %add3A_203, %unpack3A_218 : vector<16xf32>
              %scan3A_221 = arith.constant 4 : i32
              %scan3A_222 = arith.addi %scan3A_155, %scan3A_221 : i32
              %add3A_223 = vector.broadcast %scan3A_222 : i32 to vector<16xi32>
              %add3A_224 = arith.addi %iota3A, %add3A_223 : vector<16xi32>
              %and3A_225 = arith.constant 63 : i32
              %and3A_226 = vector.broadcast %and3A_225 : i32 to vector<16xi32>
              %and3A_227 = arith.andi %add3A_224, %and3A_226 : vector<16xi32>
              %add3A_228 = arith.addi %mul3A_132, %and3A_227 : vector<16xi32>
              %gather3A_229 = tpu.vector_load_idx %arg8[%broadcast_in_dim3A_118, %add3A_228] : memref<160x64xi32, #tpu.memory_space<vmem>>[vector<16xi32>, vector<16xi32>], vector<16xi32>,
              %gather3A_230 = tpu.vector_load_idx %arg10[%broadcast_in_dim3A_118, %add3A_228] : memref<160x64xi32, #tpu.memory_space<vmem>>[vector<16xi32>, vector<16xi32>], vector<16xi32>,
              %bitcast3A_231 = vector.bitcast %gather3A_229 : vector<16xi32> to vector<32xbf16>
              %bitcast3A_232 = vector.bitcast %gather3A_230 : vector<16xi32> to vector<32xbf16>
              %mul3A_233 = arith.mulf %bitcast3A_231, %bitcast3A_232 : vector<32xbf16>
              %unpack3A_234 = tpu.unpack_subelements %mul3A_233, 0 {pack_format = #tpu.pack_format<interleaved>} : vector<32xbf16> -> vector<16xf32>
              %unpack3A_235 = tpu.unpack_subelements %mul3A_233, 1 {pack_format = #tpu.pack_format<interleaved>} : vector<32xbf16> -> vector<16xf32>
              %add3A_236 = arith.addf %add3A_219, %unpack3A_234 : vector<16xf32>
              %add3A_237 = arith.addf %add3A_220, %unpack3A_235 : vector<16xf32>
              %scan3A_238 = arith.constant 5 : i32
              %scan3A_239 = arith.addi %scan3A_155, %scan3A_238 : i32
              %add3A_240 = vector.broadcast %scan3A_239 : i32 to vector<16xi32>
              %add3A_241 = arith.addi %iota3A, %add3A_240 : vector<16xi32>
              %and3A_242 = arith.constant 63 : i32
              %and3A_243 = vector.broadcast %and3A_242 : i32 to vector<16xi32>
              %and3A_244 = arith.andi %add3A_241, %and3A_243 : vector<16xi32>
              %add3A_245 = arith.addi %mul3A_132, %and3A_244 : vector<16xi32>
              %gather3A_246 = tpu.vector_load_idx %arg8[%broadcast_in_dim3A_118, %add3A_245] : memref<160x64xi32, #tpu.memory_space<vmem>>[vector<16xi32>, vector<16xi32>], vector<16xi32>,
              %gather3A_247 = tpu.vector_load_idx %arg10[%broadcast_in_dim3A_118, %add3A_245] : memref<160x64xi32, #tpu.memory_space<vmem>>[vector<16xi32>, vector<16xi32>], vector<16xi32>,
              %bitcast3A_248 = vector.bitcast %gather3A_246 : vector<16xi32> to vector<32xbf16>
              %bitcast3A_249 = vector.bitcast %gather3A_247 : vector<16xi32> to vector<32xbf16>
              %mul3A_250 = arith.mulf %bitcast3A_248, %bitcast3A_249 : vector<32xbf16>
              %unpack3A_251 = tpu.unpack_subelements %mul3A_250, 0 {pack_format = #tpu.pack_format<interleaved>} : vector<32xbf16> -> vector<16xf32>
              %unpack3A_252 = tpu.unpack_subelements %mul3A_250, 1 {pack_format = #tpu.pack_format<interleaved>} : vector<32xbf16> -> vector<16xf32>
              %add3A_253 = arith.addf %add3A_236, %unpack3A_251 : vector<16xf32>
              %add3A_254 = arith.addf %add3A_237, %unpack3A_252 : vector<16xf32>
              %scan3A_255 = arith.constant 6 : i32
              %scan3A_256 = arith.addi %scan3A_155, %scan3A_255 : i32
              %add3A_257 = vector.broadcast %scan3A_256 : i32 to vector<16xi32>
              %add3A_258 = arith.addi %iota3A, %add3A_257 : vector<16xi32>
              %and3A_259 = arith.constant 63 : i32
              %and3A_260 = vector.broadcast %and3A_259 : i32 to vector<16xi32>
              %and3A_261 = arith.andi %add3A_258, %and3A_260 : vector<16xi32>
              %add3A_262 = arith.addi %mul3A_132, %and3A_261 : vector<16xi32>
              %gather3A_263 = tpu.vector_load_idx %arg8[%broadcast_in_dim3A_118, %add3A_262] : memref<160x64xi32, #tpu.memory_space<vmem>>[vector<16xi32>, vector<16xi32>], vector<16xi32>,
              %gather3A_264 = tpu.vector_load_idx %arg10[%broadcast_in_dim3A_118, %add3A_262] : memref<160x64xi32, #tpu.memory_space<vmem>>[vector<16xi32>, vector<16xi32>], vector<16xi32>,
              %bitcast3A_265 = vector.bitcast %gather3A_263 : vector<16xi32> to vector<32xbf16>
              %bitcast3A_266 = vector.bitcast %gather3A_264 : vector<16xi32> to vector<32xbf16>
              %mul3A_267 = arith.mulf %bitcast3A_265, %bitcast3A_266 : vector<32xbf16>
              %unpack3A_268 = tpu.unpack_subelements %mul3A_267, 0 {pack_format = #tpu.pack_format<interleaved>} : vector<32xbf16> -> vector<16xf32>
              %unpack3A_269 = tpu.unpack_subelements %mul3A_267, 1 {pack_format = #tpu.pack_format<interleaved>} : vector<32xbf16> -> vector<16xf32>
              %add3A_270 = arith.addf %add3A_253, %unpack3A_268 : vector<16xf32>
              %add3A_271 = arith.addf %add3A_254, %unpack3A_269 : vector<16xf32>
              %scan3A_272 = arith.constant 7 : i32
              %scan3A_273 = arith.addi %scan3A_155, %scan3A_272 : i32
              %add3A_274 = vector.broadcast %scan3A_273 : i32 to vector<16xi32>
              %add3A_275 = arith.addi %iota3A, %add3A_274 : vector<16xi32>
              %and3A_276 = arith.constant 63 : i32
              %and3A_277 = vector.broadcast %and3A_276 : i32 to vector<16xi32>
              %and3A_278 = arith.andi %add3A_275, %and3A_277 : vector<16xi32>
              %add3A_279 = arith.addi %mul3A_132, %and3A_278 : vector<16xi32>
              %gather3A_280 = tpu.vector_load_idx %arg8[%broadcast_in_dim3A_118, %add3A_279] : memref<160x64xi32, #tpu.memory_space<vmem>>[vector<16xi32>, vector<16xi32>], vector<16xi32>,
              %gather3A_281 = tpu.vector_load_idx %arg10[%broadcast_in_dim3A_118, %add3A_279] : memref<160x64xi32, #tpu.memory_space<vmem>>[vector<16xi32>, vector<16xi32>], vector<16xi32>,
              %bitcast3A_282 = vector.bitcast %gather3A_280 : vector<16xi32> to vector<32xbf16>
              %bitcast3A_283 = vector.bitcast %gather3A_281 : vector<16xi32> to vector<32xbf16>
              %mul3A_284 = arith.mulf %bitcast3A_282, %bitcast3A_283 : vector<32xbf16>
              %unpack3A_285 = tpu.unpack_subelements %mul3A_284, 0 {pack_format = #tpu.pack_format<interleaved>} : vector<32xbf16> -> vector<16xf32>
              %unpack3A_286 = tpu.unpack_subelements %mul3A_284, 1 {pack_format = #tpu.pack_format<interleaved>} : vector<32xbf16> -> vector<16xf32>
              %add3A_287 = arith.addf %add3A_270, %unpack3A_285 : vector<16xf32>
              %add3A_288 = arith.addf %add3A_271, %unpack3A_286 : vector<16xf32>
              %scan3A_289 = arith.constant 8 : i32
              %scan3A_290 = arith.addi %scan3A_155, %scan3A_289 : i32
              %add3A_291 = vector.broadcast %scan3A_290 : i32 to vector<16xi32>
              %add3A_292 = arith.addi %iota3A, %add3A_291 : vector<16xi32>
              %and3A_293 = arith.constant 63 : i32
              %and3A_294 = vector.broadcast %and3A_293 : i32 to vector<16xi32>
              %and3A_295 = arith.andi %add3A_292, %and3A_294 : vector<16xi32>
              %add3A_296 = arith.addi %mul3A_132, %and3A_295 : vector<16xi32>
              %gather3A_297 = tpu.vector_load_idx %arg8[%broadcast_in_dim3A_118, %add3A_296] : memref<160x64xi32, #tpu.memory_space<vmem>>[vector<16xi32>, vector<16xi32>], vector<16xi32>,
              %gather3A_298 = tpu.vector_load_idx %arg10[%broadcast_in_dim3A_118, %add3A_296] : memref<160x64xi32, #tpu.memory_space<vmem>>[vector<16xi32>, vector<16xi32>], vector<16xi32>,
              %bitcast3A_299 = vector.bitcast %gather3A_297 : vector<16xi32> to vector<32xbf16>
              %bitcast3A_300 = vector.bitcast %gather3A_298 : vector<16xi32> to vector<32xbf16>
              %mul3A_301 = arith.mulf %bitcast3A_299, %bitcast3A_300 : vector<32xbf16>
              %unpack3A_302 = tpu.unpack_subelements %mul3A_301, 0 {pack_format = #tpu.pack_format<interleaved>} : vector<32xbf16> -> vector<16xf32>
              %unpack3A_303 = tpu.unpack_subelements %mul3A_301, 1 {pack_format = #tpu.pack_format<interleaved>} : vector<32xbf16> -> vector<16xf32>
              %add3A_304 = arith.addf %add3A_287, %unpack3A_302 : vector<16xf32>
              %add3A_305 = arith.addf %add3A_288, %unpack3A_303 : vector<16xf32>
              %scan3A_306 = arith.constant 9 : i32
              %scan3A_307 = arith.addi %scan3A_155, %scan3A_306 : i32
              %add3A_308 = vector.broadcast %scan3A_307 : i32 to vector<16xi32>
              %add3A_309 = arith.addi %iota3A, %add3A_308 : vector<16xi32>
              %and3A_310 = arith.constant 63 : i32
              %and3A_311 = vector.broadcast %and3A_310 : i32 to vector<16xi32>
              %and3A_312 = arith.andi %add3A_309, %and3A_311 : vector<16xi32>
              %add3A_313 = arith.addi %mul3A_132, %and3A_312 : vector<16xi32>
              %gather3A_314 = tpu.vector_load_idx %arg8[%broadcast_in_dim3A_118, %add3A_313] : memref<160x64xi32, #tpu.memory_space<vmem>>[vector<16xi32>, vector<16xi32>], vector<16xi32>,
              %gather3A_315 = tpu.vector_load_idx %arg10[%broadcast_in_dim3A_118, %add3A_313] : memref<160x64xi32, #tpu.memory_space<vmem>>[vector<16xi32>, vector<16xi32>], vector<16xi32>,
              %bitcast3A_316 = vector.bitcast %gather3A_314 : vector<16xi32> to vector<32xbf16>
              %bitcast3A_317 = vector.bitcast %gather3A_315 : vector<16xi32> to vector<32xbf16>
              %mul3A_318 = arith.mulf %bitcast3A_316, %bitcast3A_317 : vector<32xbf16>
              %unpack3A_319 = tpu.unpack_subelements %mul3A_318, 0 {pack_format = #tpu.pack_format<interleaved>} : vector<32xbf16> -> vector<16xf32>
              %unpack3A_320 = tpu.unpack_subelements %mul3A_318, 1 {pack_format = #tpu.pack_format<interleaved>} : vector<32xbf16> -> vector<16xf32>
              %add3A_321 = arith.addf %add3A_304, %unpack3A_319 : vector<16xf32>
              %add3A_322 = arith.addf %add3A_305, %unpack3A_320 : vector<16xf32>
              %scan3A_323 = arith.constant 10 : i32
              %scan3A_324 = arith.addi %scan3A_155, %scan3A_323 : i32
              %add3A_325 = vector.broadcast %scan3A_324 : i32 to vector<16xi32>
              %add3A_326 = arith.addi %iota3A, %add3A_325 : vector<16xi32>
              %and3A_327 = arith.constant 63 : i32
              %and3A_328 = vector.broadcast %and3A_327 : i32 to vector<16xi32>
              %and3A_329 = arith.andi %add3A_326, %and3A_328 : vector<16xi32>
              %add3A_330 = arith.addi %mul3A_132, %and3A_329 : vector<16xi32>
              %gather3A_331 = tpu.vector_load_idx %arg8[%broadcast_in_dim3A_118, %add3A_330] : memref<160x64xi32, #tpu.memory_space<vmem>>[vector<16xi32>, vector<16xi32>], vector<16xi32>,
              %gather3A_332 = tpu.vector_load_idx %arg10[%broadcast_in_dim3A_118, %add3A_330] : memref<160x64xi32, #tpu.memory_space<vmem>>[vector<16xi32>, vector<16xi32>], vector<16xi32>,
              %bitcast3A_333 = vector.bitcast %gather3A_331 : vector<16xi32> to vector<32xbf16>
              %bitcast3A_334 = vector.bitcast %gather3A_332 : vector<16xi32> to vector<32xbf16>
              %mul3A_335 = arith.mulf %bitcast3A_333, %bitcast3A_334 : vector<32xbf16>
              %unpack3A_336 = tpu.unpack_subelements %mul3A_335, 0 {pack_format = #tpu.pack_format<interleaved>} : vector<32xbf16> -> vector<16xf32>
              %unpack3A_337 = tpu.unpack_subelements %mul3A_335, 1 {pack_format = #tpu.pack_format<interleaved>} : vector<32xbf16> -> vector<16xf32>
              %add3A_338 = arith.addf %add3A_321, %unpack3A_336 : vector<16xf32>
              %add3A_339 = arith.addf %add3A_322, %unpack3A_337 : vector<16xf32>
              %scan3A_340 = arith.constant 11 : i32
              %scan3A_341 = arith.addi %scan3A_155, %scan3A_340 : i32
              %add3A_342 = vector.broadcast %scan3A_341 : i32 to vector<16xi32>
              %add3A_343 = arith.addi %iota3A, %add3A_342 : vector<16xi32>
              %and3A_344 = arith.constant 63 : i32
              %and3A_345 = vector.broadcast %and3A_344 : i32 to vector<16xi32>
              %and3A_346 = arith.andi %add3A_343, %and3A_345 : vector<16xi32>
              %add3A_347 = arith.addi %mul3A_132, %and3A_346 : vector<16xi32>
              %gather3A_348 = tpu.vector_load_idx %arg8[%broadcast_in_dim3A_118, %add3A_347] : memref<160x64xi32, #tpu.memory_space<vmem>>[vector<16xi32>, vector<16xi32>], vector<16xi32>,
              %gather3A_349 = tpu.vector_load_idx %arg10[%broadcast_in_dim3A_118, %add3A_347] : memref<160x64xi32, #tpu.memory_space<vmem>>[vector<16xi32>, vector<16xi32>], vector<16xi32>,
              %bitcast3A_350 = vector.bitcast %gather3A_348 : vector<16xi32> to vector<32xbf16>
              %bitcast3A_351 = vector.bitcast %gather3A_349 : vector<16xi32> to vector<32xbf16>
              %mul3A_352 = arith.mulf %bitcast3A_350, %bitcast3A_351 : vector<32xbf16>
              %unpack3A_353 = tpu.unpack_subelements %mul3A_352, 0 {pack_format = #tpu.pack_format<interleaved>} : vector<32xbf16> -> vector<16xf32>
              %unpack3A_354 = tpu.unpack_subelements %mul3A_352, 1 {pack_format = #tpu.pack_format<interleaved>} : vector<32xbf16> -> vector<16xf32>
              %add3A_355 = arith.addf %add3A_338, %unpack3A_353 : vector<16xf32>
              %add3A_356 = arith.addf %add3A_339, %unpack3A_354 : vector<16xf32>
              %scan3A_357 = arith.constant 12 : i32
              %scan3A_358 = arith.addi %scan3A_155, %scan3A_357 : i32
              %add3A_359 = vector.broadcast %scan3A_358 : i32 to vector<16xi32>
              %add3A_360 = arith.addi %iota3A, %add3A_359 : vector<16xi32>
              %and3A_361 = arith.constant 63 : i32
              %and3A_362 = vector.broadcast %and3A_361 : i32 to vector<16xi32>
              %and3A_363 = arith.andi %add3A_360, %and3A_362 : vector<16xi32>
              %add3A_364 = arith.addi %mul3A_132, %and3A_363 : vector<16xi32>
              %gather3A_365 = tpu.vector_load_idx %arg8[%broadcast_in_dim3A_118, %add3A_364] : memref<160x64xi32, #tpu.memory_space<vmem>>[vector<16xi32>, vector<16xi32>], vector<16xi32>,
              %gather3A_366 = tpu.vector_load_idx %arg10[%broadcast_in_dim3A_118, %add3A_364] : memref<160x64xi32, #tpu.memory_space<vmem>>[vector<16xi32>, vector<16xi32>], vector<16xi32>,
              %bitcast3A_367 = vector.bitcast %gather3A_365 : vector<16xi32> to vector<32xbf16>
              %bitcast3A_368 = vector.bitcast %gather3A_366 : vector<16xi32> to vector<32xbf16>
              %mul3A_369 = arith.mulf %bitcast3A_367, %bitcast3A_368 : vector<32xbf16>
              %unpack3A_370 = tpu.unpack_subelements %mul3A_369, 0 {pack_format = #tpu.pack_format<interleaved>} : vector<32xbf16> -> vector<16xf32>
              %unpack3A_371 = tpu.unpack_subelements %mul3A_369, 1 {pack_format = #tpu.pack_format<interleaved>} : vector<32xbf16> -> vector<16xf32>
              %add3A_372 = arith.addf %add3A_355, %unpack3A_370 : vector<16xf32>
              %add3A_373 = arith.addf %add3A_356, %unpack3A_371 : vector<16xf32>
              %scan3A_374 = arith.constant 13 : i32
              %scan3A_375 = arith.addi %scan3A_155, %scan3A_374 : i32
              %add3A_376 = vector.broadcast %scan3A_375 : i32 to vector<16xi32>
              %add3A_377 = arith.addi %iota3A, %add3A_376 : vector<16xi32>
              %and3A_378 = arith.constant 63 : i32
              %and3A_379 = vector.broadcast %and3A_378 : i32 to vector<16xi32>
              %and3A_380 = arith.andi %add3A_377, %and3A_379 : vector<16xi32>
              %add3A_381 = arith.addi %mul3A_132, %and3A_380 : vector<16xi32>
              %gather3A_382 = tpu.vector_load_idx %arg8[%broadcast_in_dim3A_118, %add3A_381] : memref<160x64xi32, #tpu.memory_space<vmem>>[vector<16xi32>, vector<16xi32>], vector<16xi32>,
              %gather3A_383 = tpu.vector_load_idx %arg10[%broadcast_in_dim3A_118, %add3A_381] : memref<160x64xi32, #tpu.memory_space<vmem>>[vector<16xi32>, vector<16xi32>], vector<16xi32>,
              %bitcast3A_384 = vector.bitcast %gather3A_382 : vector<16xi32> to vector<32xbf16>
              %bitcast3A_385 = vector.bitcast %gather3A_383 : vector<16xi32> to vector<32xbf16>
              %mul3A_386 = arith.mulf %bitcast3A_384, %bitcast3A_385 : vector<32xbf16>
              %unpack3A_387 = tpu.unpack_subelements %mul3A_386, 0 {pack_format = #tpu.pack_format<interleaved>} : vector<32xbf16> -> vector<16xf32>
              %unpack3A_388 = tpu.unpack_subelements %mul3A_386, 1 {pack_format = #tpu.pack_format<interleaved>} : vector<32xbf16> -> vector<16xf32>
              %add3A_389 = arith.addf %add3A_372, %unpack3A_387 : vector<16xf32>
              %add3A_390 = arith.addf %add3A_373, %unpack3A_388 : vector<16xf32>
              %scan3A_391 = arith.constant 14 : i32
              %scan3A_392 = arith.addi %scan3A_155, %scan3A_391 : i32
              %add3A_393 = vector.broadcast %scan3A_392 : i32 to vector<16xi32>
              %add3A_394 = arith.addi %iota3A, %add3A_393 : vector<16xi32>
              %and3A_395 = arith.constant 63 : i32
              %and3A_396 = vector.broadcast %and3A_395 : i32 to vector<16xi32>
              %and3A_397 = arith.andi %add3A_394, %and3A_396 : vector<16xi32>
              %add3A_398 = arith.addi %mul3A_132, %and3A_397 : vector<16xi32>
              %gather3A_399 = tpu.vector_load_idx %arg8[%broadcast_in_dim3A_118, %add3A_398] : memref<160x64xi32, #tpu.memory_space<vmem>>[vector<16xi32>, vector<16xi32>], vector<16xi32>,
              %gather3A_400 = tpu.vector_load_idx %arg10[%broadcast_in_dim3A_118, %add3A_398] : memref<160x64xi32, #tpu.memory_space<vmem>>[vector<16xi32>, vector<16xi32>], vector<16xi32>,
              %bitcast3A_401 = vector.bitcast %gather3A_399 : vector<16xi32> to vector<32xbf16>
              %bitcast3A_402 = vector.bitcast %gather3A_400 : vector<16xi32> to vector<32xbf16>
              %mul3A_403 = arith.mulf %bitcast3A_401, %bitcast3A_402 : vector<32xbf16>
              %unpack3A_404 = tpu.unpack_subelements %mul3A_403, 0 {pack_format = #tpu.pack_format<interleaved>} : vector<32xbf16> -> vector<16xf32>
              %unpack3A_405 = tpu.unpack_subelements %mul3A_403, 1 {pack_format = #tpu.pack_format<interleaved>} : vector<32xbf16> -> vector<16xf32>
              %add3A_406 = arith.addf %add3A_389, %unpack3A_404 : vector<16xf32>
              %add3A_407 = arith.addf %add3A_390, %unpack3A_405 : vector<16xf32>
              %scan3A_408 = arith.constant 15 : i32
              %scan3A_409 = arith.addi %scan3A_155, %scan3A_408 : i32
              %add3A_410 = vector.broadcast %scan3A_409 : i32 to vector<16xi32>
              %add3A_411 = arith.addi %iota3A, %add3A_410 : vector<16xi32>
              %and3A_412 = arith.constant 63 : i32
              %and3A_413 = vector.broadcast %and3A_412 : i32 to vector<16xi32>
              %and3A_414 = arith.andi %add3A_411, %and3A_413 : vector<16xi32>
              %add3A_415 = arith.addi %mul3A_132, %and3A_414 : vector<16xi32>
              %gather3A_416 = tpu.vector_load_idx %arg8[%broadcast_in_dim3A_118, %add3A_415] : memref<160x64xi32, #tpu.memory_space<vmem>>[vector<16xi32>, vector<16xi32>], vector<16xi32>,
              %gather3A_417 = tpu.vector_load_idx %arg10[%broadcast_in_dim3A_118, %add3A_415] : memref<160x64xi32, #tpu.memory_space<vmem>>[vector<16xi32>, vector<16xi32>], vector<16xi32>,
              %bitcast3A_418 = vector.bitcast %gather3A_416 : vector<16xi32> to vector<32xbf16>
              %bitcast3A_419 = vector.bitcast %gather3A_417 : vector<16xi32> to vector<32xbf16>
              %mul3A_420 = arith.mulf %bitcast3A_418, %bitcast3A_419 : vector<32xbf16>
              %unpack3A_421 = tpu.unpack_subelements %mul3A_420, 0 {pack_format = #tpu.pack_format<interleaved>} : vector<32xbf16> -> vector<16xf32>
              %unpack3A_422 = tpu.unpack_subelements %mul3A_420, 1 {pack_format = #tpu.pack_format<interleaved>} : vector<32xbf16> -> vector<16xf32>
              %add3A_423 = arith.addf %add3A_406, %unpack3A_421 : vector<16xf32>
              %add3A_424 = arith.addf %add3A_407, %unpack3A_422 : vector<16xf32>
              scf.yield %add3A_423, %add3A_424 : vector<16xf32>, vector<16xf32>
            }
            %scan3A_140 = arith.constant 64 : i32
            %add3A_141 = arith.addf %scan3A_139#0, %scan3A_139#1 : vector<16xf32>
            %neg3A = arith.constant 0.000000e+00 : f32
            %neg3A_142 = vector.broadcast %neg3A : f32 to vector<16xf32>
            %neg3A_143 = arith.subf %neg3A_142, %add3A_141 : vector<16xf32>
            %exp3A = math.exp %neg3A_143 : vector<16xf32>
            %add3A_144 = arith.constant 1.000000e+00 : f32
            %add3A_145 = vector.broadcast %add3A_144 : f32 to vector<16xf32>
            %add3A_146 = arith.addf %add3A_145, %exp3A : vector<16xf32>
            %div3A = arith.constant 1.000000e+00 : f32
            %div3A_147 = vector.broadcast %div3A : f32 to vector<16xf32>
            %div3A_148 = arith.divf %div3A_147, %add3A_146 : vector<16xf32>
            %mul3A_149 = arith.constant 160 : i32
            %mul3A_150 = arith.muli %scan3A_33, %mul3A_149 : i32
            %mul3A_151 = arith.constant 16 : i32
            %mul3A_152 = arith.muli %scan3A_125, %mul3A_151 : i32
            %add3A_153 = arith.addi %mul3A_150, %mul3A_152 : i32
            %swap3A = arith.index_cast %add3A_153 : i32 to index
            %swap3A_154 = tpu.vector_load %arg12[%swap3A] {strides = array<i32>} : memref<10000xf32, #tpu.memory_space<vmem>>, vector<16xf32>,
            tpu.vector_store %arg12[%swap3A], %div3A_148 {strides = array<i32>} : memref<10000xf32, #tpu.memory_space<vmem>>, vector<16xf32>,
          }
          %scan3A_124 = arith.constant 5 : i32
        } else {
        }
        %add3A_81 = arith.constant 2 : i32
        %add3A_82 = arith.addi %scan3A_33, %add3A_81 : i32
        %lt3A_83 = arith.constant 62 : i32
        %lt3A_84 = arith.cmpi slt, %add3A_82, %lt3A_83 : i32
        %convert_element_type3A_85 = arith.extui %lt3A_84 : i1 to i32
        %cond3A_86 = arith.constant 0 : i32
        %cond3A_87 = arith.cmpi ne, %convert_element_type3A_85, %cond3A_86 : i32
        scf.if %cond3A_87 {
          %add3A_95 = arith.constant 2 : i32
          %add3A_96 = arith.addi %scan3A_33, %add3A_95 : i32
          %mul3A_97 = arith.constant 160 : i32
          %mul3A_98 = arith.muli %add3A_96, %mul3A_97 : i32
          %dma_start3A_99 = tpu.memref_slice %arg6[%mul3A_98] : memref<10000xi32, #tpu.memory_space<vmem>> -> memref<160xi32, #tpu.memory_space<vmem>>
          %dma_start3A_100 = arith.constant 0 : i32
          %dma_start3A_101 = arith.constant 0 : i32
          %dma_start3A_102 = tpu.memref_slice %arg14[%dma_start3A_100, %dma_start3A_101] : memref<10000x64xi32, #tpu.memory_space<vmem_shared>> -> memref<10000x64xi32, #tpu.memory_space<vmem_shared>>
          tpu.enqueue_indirect_dma source(%dma_start3A_102 : memref<10000x64xi32, #tpu.memory_space<vmem_shared>>) target(%arg8 : memref<160x64xi32, #tpu.memory_space<vmem>>) offsets(%dma_start3A_99 : memref<160xi32, #tpu.memory_space<vmem>>) semaphore(%arg15 : memref<!tpu.dma_semaphore, #tpu.memory_space<semaphore_mem>>)
          %mul3A_103 = arith.constant 160 : i32
          %mul3A_104 = arith.muli %add3A_96, %mul3A_103 : i32
          %dma_start3A_105 = tpu.memref_slice %arg7[%mul3A_104] : memref<10000xi32, #tpu.memory_space<vmem>> -> memref<160xi32, #tpu.memory_space<vmem>>
          %dma_start3A_106 = arith.constant 0 : i32
          %dma_start3A_107 = arith.constant 0 : i32
          %dma_start3A_108 = tpu.memref_slice %arg14[%dma_start3A_106, %dma_start3A_107] : memref<10000x64xi32, #tpu.memory_space<vmem_shared>> -> memref<10000x64xi32, #tpu.memory_space<vmem_shared>>
          tpu.enqueue_indirect_dma source(%dma_start3A_108 : memref<10000x64xi32, #tpu.memory_space<vmem_shared>>) target(%arg10 : memref<160x64xi32, #tpu.memory_space<vmem>>) offsets(%dma_start3A_105 : memref<160xi32, #tpu.memory_space<vmem>>) semaphore(%arg15 : memref<!tpu.dma_semaphore, #tpu.memory_space<semaphore_mem>>)
        } else {
        }
        %add3A_88 = arith.constant 2 : i32
        %add3A_89 = arith.addi %scan3A_33, %add3A_88 : i32
        %eq3A_90 = arith.constant 62 : i32
        %eq3A_91 = arith.cmpi eq, %add3A_89, %eq3A_90 : i32
        %convert_element_type3A_92 = arith.extui %eq3A_91 : i1 to i32
        %cond3A_93 = arith.constant 0 : i32
        %cond3A_94 = arith.cmpi ne, %convert_element_type3A_92, %cond3A_93 : i32
        scf.if %cond3A_94 {
          %add3A_95 = arith.constant 2 : i32
          %add3A_96 = arith.addi %scan3A_33, %add3A_95 : i32
          %mul3A_97 = arith.constant 160 : i32
          %mul3A_98 = arith.muli %add3A_96, %mul3A_97 : i32
          %dma_start3A_99 = arith.constant 0 : i32
          %dma_start3A_100 = arith.constant 0 : i32
          %dma_start3A_101 = tpu.memref_slice %arg8[%dma_start3A_99, %dma_start3A_100] : memref<160x64xi32, #tpu.memory_space<vmem>> -> memref<80x64xi32, #tpu.memory_space<vmem>>
          %dma_start3A_102 = tpu.memref_slice %arg6[%mul3A_98] : memref<10000xi32, #tpu.memory_space<vmem>> -> memref<80xi32, #tpu.memory_space<vmem>>
          %dma_start3A_103 = arith.constant 0 : i32
          %dma_start3A_104 = arith.constant 0 : i32
          %dma_start3A_105 = tpu.memref_slice %arg14[%dma_start3A_103, %dma_start3A_104] : memref<10000x64xi32, #tpu.memory_space<vmem_shared>> -> memref<10000x64xi32, #tpu.memory_space<vmem_shared>>
          tpu.enqueue_indirect_dma source(%dma_start3A_105 : memref<10000x64xi32, #tpu.memory_space<vmem_shared>>) target(%dma_start3A_101 : memref<80x64xi32, #tpu.memory_space<vmem>>) offsets(%dma_start3A_102 : memref<80xi32, #tpu.memory_space<vmem>>) semaphore(%arg15 : memref<!tpu.dma_semaphore, #tpu.memory_space<semaphore_mem>>)
          %mul3A_106 = arith.constant 160 : i32
          %mul3A_107 = arith.muli %add3A_96, %mul3A_106 : i32
          %dma_start3A_108 = arith.constant 0 : i32
          %dma_start3A_109 = arith.constant 0 : i32
          %dma_start3A_110 = tpu.memref_slice %arg10[%dma_start3A_108, %dma_start3A_109] : memref<160x64xi32, #tpu.memory_space<vmem>> -> memref<80x64xi32, #tpu.memory_space<vmem>>
          %dma_start3A_111 = tpu.memref_slice %arg7[%mul3A_107] : memref<10000xi32, #tpu.memory_space<vmem>> -> memref<80xi32, #tpu.memory_space<vmem>>
          %dma_start3A_112 = arith.constant 0 : i32
          %dma_start3A_113 = arith.constant 0 : i32
          %dma_start3A_114 = tpu.memref_slice %arg14[%dma_start3A_112, %dma_start3A_113] : memref<10000x64xi32, #tpu.memory_space<vmem_shared>> -> memref<10000x64xi32, #tpu.memory_space<vmem_shared>>
          tpu.enqueue_indirect_dma source(%dma_start3A_114 : memref<10000x64xi32, #tpu.memory_space<vmem_shared>>) target(%dma_start3A_110 : memref<80x64xi32, #tpu.memory_space<vmem>>) offsets(%dma_start3A_111 : memref<80xi32, #tpu.memory_space<vmem>>) semaphore(%arg15 : memref<!tpu.dma_semaphore, #tpu.memory_space<semaphore_mem>>)
        } else {
        }
      } else {
      }
      %jit3A_50 = arith.constant 2 : i32
      %eq3A_51 = arith.constant 0 : i32
      %eq3A_52 = arith.cmpi eq, %jit3A_50, %eq3A_51 : i32
      %jit3A_53 = arith.constant 1 : i32
      %select_n3A_54 = arith.select %eq3A_52, %jit3A_53, %jit3A_50 : i32
      %rem3A_55 = arith.remsi %scan3A_33, %select_n3A_54 : i32
      %ne3A_56 = arith.constant 0 : i32
      %ne3A_57 = arith.cmpi ne, %rem3A_55, %ne3A_56 : i32
      %lt3A_58 = arith.constant 0 : i32
      %lt3A_59 = arith.cmpi slt, %rem3A_55, %lt3A_58 : i32
      %lt3A_60 = arith.constant 0 : i32
      %lt3A_61 = arith.cmpi slt, %select_n3A_54, %lt3A_60 : i32
      %ne3A_62 = arith.xori %lt3A_59, %lt3A_61 : i1
      %and3A_63 = arith.andi %ne3A_62, %ne3A_57 : i1
      %add3A_64 = arith.addi %rem3A_55, %select_n3A_54 : i32
      %select_n3A_65 = arith.select %and3A_63, %add3A_64, %rem3A_55 : i32
      %eq3A_66 = arith.constant 1 : i32
      %eq3A_67 = arith.cmpi eq, %select_n3A_65, %eq3A_66 : i32
      %convert_element_type3A_68 = arith.extui %eq3A_67 : i1 to i32
      %cond3A_69 = arith.constant 0 : i32
      %cond3A_70 = arith.cmpi ne, %convert_element_type3A_68, %cond3A_69 : i32
      scf.if %cond3A_70 {
        %lt3A_71 = arith.constant 62 : i32
        %lt3A_72 = arith.cmpi slt, %scan3A_33, %lt3A_71 : i32
        %convert_element_type3A_73 = arith.extui %lt3A_72 : i1 to i32
        %cond3A_74 = arith.constant 0 : i32
        %cond3A_75 = arith.cmpi ne, %convert_element_type3A_73, %cond3A_74 : i32
        scf.if %cond3A_75 {
          %dma_wait3A = arith.constant 0 : i32
          %dma_wait3A_95 = arith.constant 0 : i32
          %dma_wait3A_96 = tpu.memref_slice %arg14[%dma_wait3A, %dma_wait3A_95] : memref<10000x64xi32, #tpu.memory_space<vmem_shared>> -> memref<160x64xi32, #tpu.memory_space<vmem_shared>>
          %dma_wait3A_97 = arith.constant 0 : i32
          %dma_wait3A_98 = arith.constant 0 : i32
          %dma_wait3A_99 = tpu.memref_slice %arg14[%dma_wait3A_97, %dma_wait3A_98] : memref<10000x64xi32, #tpu.memory_space<vmem_shared>> -> memref<160x64xi32, #tpu.memory_space<vmem_shared>>
          tpu.wait_dma2 semaphore(%arg16 : memref<!tpu.dma_semaphore, #tpu.memory_space<semaphore_mem>>) src(%dma_wait3A_99 : memref<160x64xi32, #tpu.memory_space<vmem_shared>>) dst(%arg9 : memref<160x64xi32, #tpu.memory_space<vmem>>)
          %dma_wait3A_100 = arith.constant 0 : i32
          %dma_wait3A_101 = arith.constant 0 : i32
          %dma_wait3A_102 = tpu.memref_slice %arg14[%dma_wait3A_100, %dma_wait3A_101] : memref<10000x64xi32, #tpu.memory_space<vmem_shared>> -> memref<160x64xi32, #tpu.memory_space<vmem_shared>>
          %dma_wait3A_103 = arith.constant 0 : i32
          %dma_wait3A_104 = arith.constant 0 : i32
          %dma_wait3A_105 = tpu.memref_slice %arg14[%dma_wait3A_103, %dma_wait3A_104] : memref<10000x64xi32, #tpu.memory_space<vmem_shared>> -> memref<160x64xi32, #tpu.memory_space<vmem_shared>>
          tpu.wait_dma2 semaphore(%arg16 : memref<!tpu.dma_semaphore, #tpu.memory_space<semaphore_mem>>) src(%dma_wait3A_105 : memref<160x64xi32, #tpu.memory_space<vmem_shared>>) dst(%arg11 : memref<160x64xi32, #tpu.memory_space<vmem>>)
          %broadcast_in_dim3A = arith.constant 0 : i32
          %broadcast_in_dim3A_106 = vector.broadcast %broadcast_in_dim3A : i32 to vector<16xi32>
          %scan3A_107 = arith.constant 0 : i32
          %scan3A_108 = arith.constant 0 : i32
          %scan3A_109 = arith.constant 10 : i32
          %scan3A_110 = arith.addi %scan3A_108, %scan3A_109 : i32
          %scan3A_111 = arith.constant 1 : i32
          scf.for %scan3A_113 = %scan3A_108 to %scan3A_110 step %scan3A_111  : i32 {
            %mul3A_114 = arith.constant 16 : i32
            %mul3A_115 = arith.muli %scan3A_113, %mul3A_114 : i32
            %add3A_116 = vector.broadcast %mul3A_115 : i32 to vector<16xi32>
            %add3A_117 = arith.addi %add3A_116, %iota3A : vector<16xi32>
            %mul3A_118 = arith.constant 64 : i32
            %mul3A_119 = vector.broadcast %mul3A_118 : i32 to vector<16xi32>
            %mul3A_120 = arith.muli %add3A_117, %mul3A_119 : vector<16xi32>
            %broadcast_in_dim3A_121 = arith.constant 0.000000e+00 : f32
            %broadcast_in_dim3A_122 = vector.broadcast %broadcast_in_dim3A_121 : f32 to vector<16xf32>
            %scan3A_123 = arith.constant 0 : i32
            %scan3A_124 = arith.constant 64 : i32
            %scan3A_125 = arith.addi %scan3A_123, %scan3A_124 : i32
            %scan3A_126 = arith.constant 16 : i32
            %scan3A_127:2 = scf.for %scan3A_143 = %scan3A_123 to %scan3A_125 step %scan3A_126 iter_args(%scan3A_144 = %broadcast_in_dim3A_122, %scan3A_145 = %broadcast_in_dim3A_122) -> (vector<16xf32>, vector<16xf32>)  : i32 {
              %add3A_146 = vector.broadcast %scan3A_143 : i32 to vector<16xi32>
              %add3A_147 = arith.addi %iota3A, %add3A_146 : vector<16xi32>
              %and3A_148 = arith.constant 63 : i32
              %and3A_149 = vector.broadcast %and3A_148 : i32 to vector<16xi32>
              %and3A_150 = arith.andi %add3A_147, %and3A_149 : vector<16xi32>
              %add3A_151 = arith.addi %mul3A_120, %and3A_150 : vector<16xi32>
              %gather3A = tpu.vector_load_idx %arg9[%broadcast_in_dim3A_106, %add3A_151] : memref<160x64xi32, #tpu.memory_space<vmem>>[vector<16xi32>, vector<16xi32>], vector<16xi32>,
              %gather3A_152 = tpu.vector_load_idx %arg11[%broadcast_in_dim3A_106, %add3A_151] : memref<160x64xi32, #tpu.memory_space<vmem>>[vector<16xi32>, vector<16xi32>], vector<16xi32>,
              %bitcast3A = vector.bitcast %gather3A : vector<16xi32> to vector<32xbf16>
              %bitcast3A_153 = vector.bitcast %gather3A_152 : vector<16xi32> to vector<32xbf16>
              %mul3A_154 = arith.mulf %bitcast3A, %bitcast3A_153 : vector<32xbf16>
              %unpack3A = tpu.unpack_subelements %mul3A_154, 0 {pack_format = #tpu.pack_format<interleaved>} : vector<32xbf16> -> vector<16xf32>
              %unpack3A_155 = tpu.unpack_subelements %mul3A_154, 1 {pack_format = #tpu.pack_format<interleaved>} : vector<32xbf16> -> vector<16xf32>
              %add3A_156 = arith.addf %scan3A_144, %unpack3A : vector<16xf32>
              %add3A_157 = arith.addf %scan3A_145, %unpack3A_155 : vector<16xf32>
              %scan3A_158 = arith.constant 1 : i32
              %scan3A_159 = arith.addi %scan3A_143, %scan3A_158 : i32
              %add3A_160 = vector.broadcast %scan3A_159 : i32 to vector<16xi32>
              %add3A_161 = arith.addi %iota3A, %add3A_160 : vector<16xi32>
              %and3A_162 = arith.constant 63 : i32
              %and3A_163 = vector.broadcast %and3A_162 : i32 to vector<16xi32>
              %and3A_164 = arith.andi %add3A_161, %and3A_163 : vector<16xi32>
              %add3A_165 = arith.addi %mul3A_120, %and3A_164 : vector<16xi32>
              %gather3A_166 = tpu.vector_load_idx %arg9[%broadcast_in_dim3A_106, %add3A_165] : memref<160x64xi32, #tpu.memory_space<vmem>>[vector<16xi32>, vector<16xi32>], vector<16xi32>,
              %gather3A_167 = tpu.vector_load_idx %arg11[%broadcast_in_dim3A_106, %add3A_165] : memref<160x64xi32, #tpu.memory_space<vmem>>[vector<16xi32>, vector<16xi32>], vector<16xi32>,
              %bitcast3A_168 = vector.bitcast %gather3A_166 : vector<16xi32> to vector<32xbf16>
              %bitcast3A_169 = vector.bitcast %gather3A_167 : vector<16xi32> to vector<32xbf16>
              %mul3A_170 = arith.mulf %bitcast3A_168, %bitcast3A_169 : vector<32xbf16>
              %unpack3A_171 = tpu.unpack_subelements %mul3A_170, 0 {pack_format = #tpu.pack_format<interleaved>} : vector<32xbf16> -> vector<16xf32>
              %unpack3A_172 = tpu.unpack_subelements %mul3A_170, 1 {pack_format = #tpu.pack_format<interleaved>} : vector<32xbf16> -> vector<16xf32>
              %add3A_173 = arith.addf %add3A_156, %unpack3A_171 : vector<16xf32>
              %add3A_174 = arith.addf %add3A_157, %unpack3A_172 : vector<16xf32>
              %scan3A_175 = arith.constant 2 : i32
              %scan3A_176 = arith.addi %scan3A_143, %scan3A_175 : i32
              %add3A_177 = vector.broadcast %scan3A_176 : i32 to vector<16xi32>
              %add3A_178 = arith.addi %iota3A, %add3A_177 : vector<16xi32>
              %and3A_179 = arith.constant 63 : i32
              %and3A_180 = vector.broadcast %and3A_179 : i32 to vector<16xi32>
              %and3A_181 = arith.andi %add3A_178, %and3A_180 : vector<16xi32>
              %add3A_182 = arith.addi %mul3A_120, %and3A_181 : vector<16xi32>
              %gather3A_183 = tpu.vector_load_idx %arg9[%broadcast_in_dim3A_106, %add3A_182] : memref<160x64xi32, #tpu.memory_space<vmem>>[vector<16xi32>, vector<16xi32>], vector<16xi32>,
              %gather3A_184 = tpu.vector_load_idx %arg11[%broadcast_in_dim3A_106, %add3A_182] : memref<160x64xi32, #tpu.memory_space<vmem>>[vector<16xi32>, vector<16xi32>], vector<16xi32>,
              %bitcast3A_185 = vector.bitcast %gather3A_183 : vector<16xi32> to vector<32xbf16>
              %bitcast3A_186 = vector.bitcast %gather3A_184 : vector<16xi32> to vector<32xbf16>
              %mul3A_187 = arith.mulf %bitcast3A_185, %bitcast3A_186 : vector<32xbf16>
              %unpack3A_188 = tpu.unpack_subelements %mul3A_187, 0 {pack_format = #tpu.pack_format<interleaved>} : vector<32xbf16> -> vector<16xf32>
              %unpack3A_189 = tpu.unpack_subelements %mul3A_187, 1 {pack_format = #tpu.pack_format<interleaved>} : vector<32xbf16> -> vector<16xf32>
              %add3A_190 = arith.addf %add3A_173, %unpack3A_188 : vector<16xf32>
              %add3A_191 = arith.addf %add3A_174, %unpack3A_189 : vector<16xf32>
              %scan3A_192 = arith.constant 3 : i32
              %scan3A_193 = arith.addi %scan3A_143, %scan3A_192 : i32
              %add3A_194 = vector.broadcast %scan3A_193 : i32 to vector<16xi32>
              %add3A_195 = arith.addi %iota3A, %add3A_194 : vector<16xi32>
              %and3A_196 = arith.constant 63 : i32
              %and3A_197 = vector.broadcast %and3A_196 : i32 to vector<16xi32>
              %and3A_198 = arith.andi %add3A_195, %and3A_197 : vector<16xi32>
              %add3A_199 = arith.addi %mul3A_120, %and3A_198 : vector<16xi32>
              %gather3A_200 = tpu.vector_load_idx %arg9[%broadcast_in_dim3A_106, %add3A_199] : memref<160x64xi32, #tpu.memory_space<vmem>>[vector<16xi32>, vector<16xi32>], vector<16xi32>,
              %gather3A_201 = tpu.vector_load_idx %arg11[%broadcast_in_dim3A_106, %add3A_199] : memref<160x64xi32, #tpu.memory_space<vmem>>[vector<16xi32>, vector<16xi32>], vector<16xi32>,
              %bitcast3A_202 = vector.bitcast %gather3A_200 : vector<16xi32> to vector<32xbf16>
              %bitcast3A_203 = vector.bitcast %gather3A_201 : vector<16xi32> to vector<32xbf16>
              %mul3A_204 = arith.mulf %bitcast3A_202, %bitcast3A_203 : vector<32xbf16>
              %unpack3A_205 = tpu.unpack_subelements %mul3A_204, 0 {pack_format = #tpu.pack_format<interleaved>} : vector<32xbf16> -> vector<16xf32>
              %unpack3A_206 = tpu.unpack_subelements %mul3A_204, 1 {pack_format = #tpu.pack_format<interleaved>} : vector<32xbf16> -> vector<16xf32>
              %add3A_207 = arith.addf %add3A_190, %unpack3A_205 : vector<16xf32>
              %add3A_208 = arith.addf %add3A_191, %unpack3A_206 : vector<16xf32>
              %scan3A_209 = arith.constant 4 : i32
              %scan3A_210 = arith.addi %scan3A_143, %scan3A_209 : i32
              %add3A_211 = vector.broadcast %scan3A_210 : i32 to vector<16xi32>
              %add3A_212 = arith.addi %iota3A, %add3A_211 : vector<16xi32>
              %and3A_213 = arith.constant 63 : i32
              %and3A_214 = vector.broadcast %and3A_213 : i32 to vector<16xi32>
              %and3A_215 = arith.andi %add3A_212, %and3A_214 : vector<16xi32>
              %add3A_216 = arith.addi %mul3A_120, %and3A_215 : vector<16xi32>
              %gather3A_217 = tpu.vector_load_idx %arg9[%broadcast_in_dim3A_106, %add3A_216] : memref<160x64xi32, #tpu.memory_space<vmem>>[vector<16xi32>, vector<16xi32>], vector<16xi32>,
              %gather3A_218 = tpu.vector_load_idx %arg11[%broadcast_in_dim3A_106, %add3A_216] : memref<160x64xi32, #tpu.memory_space<vmem>>[vector<16xi32>, vector<16xi32>], vector<16xi32>,
              %bitcast3A_219 = vector.bitcast %gather3A_217 : vector<16xi32> to vector<32xbf16>
              %bitcast3A_220 = vector.bitcast %gather3A_218 : vector<16xi32> to vector<32xbf16>
              %mul3A_221 = arith.mulf %bitcast3A_219, %bitcast3A_220 : vector<32xbf16>
              %unpack3A_222 = tpu.unpack_subelements %mul3A_221, 0 {pack_format = #tpu.pack_format<interleaved>} : vector<32xbf16> -> vector<16xf32>
              %unpack3A_223 = tpu.unpack_subelements %mul3A_221, 1 {pack_format = #tpu.pack_format<interleaved>} : vector<32xbf16> -> vector<16xf32>
              %add3A_224 = arith.addf %add3A_207, %unpack3A_222 : vector<16xf32>
              %add3A_225 = arith.addf %add3A_208, %unpack3A_223 : vector<16xf32>
              %scan3A_226 = arith.constant 5 : i32
              %scan3A_227 = arith.addi %scan3A_143, %scan3A_226 : i32
              %add3A_228 = vector.broadcast %scan3A_227 : i32 to vector<16xi32>
              %add3A_229 = arith.addi %iota3A, %add3A_228 : vector<16xi32>
              %and3A_230 = arith.constant 63 : i32
              %and3A_231 = vector.broadcast %and3A_230 : i32 to vector<16xi32>
              %and3A_232 = arith.andi %add3A_229, %and3A_231 : vector<16xi32>
              %add3A_233 = arith.addi %mul3A_120, %and3A_232 : vector<16xi32>
              %gather3A_234 = tpu.vector_load_idx %arg9[%broadcast_in_dim3A_106, %add3A_233] : memref<160x64xi32, #tpu.memory_space<vmem>>[vector<16xi32>, vector<16xi32>], vector<16xi32>,
              %gather3A_235 = tpu.vector_load_idx %arg11[%broadcast_in_dim3A_106, %add3A_233] : memref<160x64xi32, #tpu.memory_space<vmem>>[vector<16xi32>, vector<16xi32>], vector<16xi32>,
              %bitcast3A_236 = vector.bitcast %gather3A_234 : vector<16xi32> to vector<32xbf16>
              %bitcast3A_237 = vector.bitcast %gather3A_235 : vector<16xi32> to vector<32xbf16>
              %mul3A_238 = arith.mulf %bitcast3A_236, %bitcast3A_237 : vector<32xbf16>
              %unpack3A_239 = tpu.unpack_subelements %mul3A_238, 0 {pack_format = #tpu.pack_format<interleaved>} : vector<32xbf16> -> vector<16xf32>
              %unpack3A_240 = tpu.unpack_subelements %mul3A_238, 1 {pack_format = #tpu.pack_format<interleaved>} : vector<32xbf16> -> vector<16xf32>
              %add3A_241 = arith.addf %add3A_224, %unpack3A_239 : vector<16xf32>
              %add3A_242 = arith.addf %add3A_225, %unpack3A_240 : vector<16xf32>
              %scan3A_243 = arith.constant 6 : i32
              %scan3A_244 = arith.addi %scan3A_143, %scan3A_243 : i32
              %add3A_245 = vector.broadcast %scan3A_244 : i32 to vector<16xi32>
              %add3A_246 = arith.addi %iota3A, %add3A_245 : vector<16xi32>
              %and3A_247 = arith.constant 63 : i32
              %and3A_248 = vector.broadcast %and3A_247 : i32 to vector<16xi32>
              %and3A_249 = arith.andi %add3A_246, %and3A_248 : vector<16xi32>
              %add3A_250 = arith.addi %mul3A_120, %and3A_249 : vector<16xi32>
              %gather3A_251 = tpu.vector_load_idx %arg9[%broadcast_in_dim3A_106, %add3A_250] : memref<160x64xi32, #tpu.memory_space<vmem>>[vector<16xi32>, vector<16xi32>], vector<16xi32>,
              %gather3A_252 = tpu.vector_load_idx %arg11[%broadcast_in_dim3A_106, %add3A_250] : memref<160x64xi32, #tpu.memory_space<vmem>>[vector<16xi32>, vector<16xi32>], vector<16xi32>,
              %bitcast3A_253 = vector.bitcast %gather3A_251 : vector<16xi32> to vector<32xbf16>
              %bitcast3A_254 = vector.bitcast %gather3A_252 : vector<16xi32> to vector<32xbf16>
              %mul3A_255 = arith.mulf %bitcast3A_253, %bitcast3A_254 : vector<32xbf16>
              %unpack3A_256 = tpu.unpack_subelements %mul3A_255, 0 {pack_format = #tpu.pack_format<interleaved>} : vector<32xbf16> -> vector<16xf32>
              %unpack3A_257 = tpu.unpack_subelements %mul3A_255, 1 {pack_format = #tpu.pack_format<interleaved>} : vector<32xbf16> -> vector<16xf32>
              %add3A_258 = arith.addf %add3A_241, %unpack3A_256 : vector<16xf32>
              %add3A_259 = arith.addf %add3A_242, %unpack3A_257 : vector<16xf32>
              %scan3A_260 = arith.constant 7 : i32
              %scan3A_261 = arith.addi %scan3A_143, %scan3A_260 : i32
              %add3A_262 = vector.broadcast %scan3A_261 : i32 to vector<16xi32>
              %add3A_263 = arith.addi %iota3A, %add3A_262 : vector<16xi32>
              %and3A_264 = arith.constant 63 : i32
              %and3A_265 = vector.broadcast %and3A_264 : i32 to vector<16xi32>
              %and3A_266 = arith.andi %add3A_263, %and3A_265 : vector<16xi32>
              %add3A_267 = arith.addi %mul3A_120, %and3A_266 : vector<16xi32>
              %gather3A_268 = tpu.vector_load_idx %arg9[%broadcast_in_dim3A_106, %add3A_267] : memref<160x64xi32, #tpu.memory_space<vmem>>[vector<16xi32>, vector<16xi32>], vector<16xi32>,
              %gather3A_269 = tpu.vector_load_idx %arg11[%broadcast_in_dim3A_106, %add3A_267] : memref<160x64xi32, #tpu.memory_space<vmem>>[vector<16xi32>, vector<16xi32>], vector<16xi32>,
              %bitcast3A_270 = vector.bitcast %gather3A_268 : vector<16xi32> to vector<32xbf16>
              %bitcast3A_271 = vector.bitcast %gather3A_269 : vector<16xi32> to vector<32xbf16>
              %mul3A_272 = arith.mulf %bitcast3A_270, %bitcast3A_271 : vector<32xbf16>
              %unpack3A_273 = tpu.unpack_subelements %mul3A_272, 0 {pack_format = #tpu.pack_format<interleaved>} : vector<32xbf16> -> vector<16xf32>
              %unpack3A_274 = tpu.unpack_subelements %mul3A_272, 1 {pack_format = #tpu.pack_format<interleaved>} : vector<32xbf16> -> vector<16xf32>
              %add3A_275 = arith.addf %add3A_258, %unpack3A_273 : vector<16xf32>
              %add3A_276 = arith.addf %add3A_259, %unpack3A_274 : vector<16xf32>
              %scan3A_277 = arith.constant 8 : i32
              %scan3A_278 = arith.addi %scan3A_143, %scan3A_277 : i32
              %add3A_279 = vector.broadcast %scan3A_278 : i32 to vector<16xi32>
              %add3A_280 = arith.addi %iota3A, %add3A_279 : vector<16xi32>
              %and3A_281 = arith.constant 63 : i32
              %and3A_282 = vector.broadcast %and3A_281 : i32 to vector<16xi32>
              %and3A_283 = arith.andi %add3A_280, %and3A_282 : vector<16xi32>
              %add3A_284 = arith.addi %mul3A_120, %and3A_283 : vector<16xi32>
              %gather3A_285 = tpu.vector_load_idx %arg9[%broadcast_in_dim3A_106, %add3A_284] : memref<160x64xi32, #tpu.memory_space<vmem>>[vector<16xi32>, vector<16xi32>], vector<16xi32>,
              %gather3A_286 = tpu.vector_load_idx %arg11[%broadcast_in_dim3A_106, %add3A_284] : memref<160x64xi32, #tpu.memory_space<vmem>>[vector<16xi32>, vector<16xi32>], vector<16xi32>,
              %bitcast3A_287 = vector.bitcast %gather3A_285 : vector<16xi32> to vector<32xbf16>
              %bitcast3A_288 = vector.bitcast %gather3A_286 : vector<16xi32> to vector<32xbf16>
              %mul3A_289 = arith.mulf %bitcast3A_287, %bitcast3A_288 : vector<32xbf16>
              %unpack3A_290 = tpu.unpack_subelements %mul3A_289, 0 {pack_format = #tpu.pack_format<interleaved>} : vector<32xbf16> -> vector<16xf32>
              %unpack3A_291 = tpu.unpack_subelements %mul3A_289, 1 {pack_format = #tpu.pack_format<interleaved>} : vector<32xbf16> -> vector<16xf32>
              %add3A_292 = arith.addf %add3A_275, %unpack3A_290 : vector<16xf32>
              %add3A_293 = arith.addf %add3A_276, %unpack3A_291 : vector<16xf32>
              %scan3A_294 = arith.constant 9 : i32
              %scan3A_295 = arith.addi %scan3A_143, %scan3A_294 : i32
              %add3A_296 = vector.broadcast %scan3A_295 : i32 to vector<16xi32>
              %add3A_297 = arith.addi %iota3A, %add3A_296 : vector<16xi32>
              %and3A_298 = arith.constant 63 : i32
              %and3A_299 = vector.broadcast %and3A_298 : i32 to vector<16xi32>
              %and3A_300 = arith.andi %add3A_297, %and3A_299 : vector<16xi32>
              %add3A_301 = arith.addi %mul3A_120, %and3A_300 : vector<16xi32>
              %gather3A_302 = tpu.vector_load_idx %arg9[%broadcast_in_dim3A_106, %add3A_301] : memref<160x64xi32, #tpu.memory_space<vmem>>[vector<16xi32>, vector<16xi32>], vector<16xi32>,
              %gather3A_303 = tpu.vector_load_idx %arg11[%broadcast_in_dim3A_106, %add3A_301] : memref<160x64xi32, #tpu.memory_space<vmem>>[vector<16xi32>, vector<16xi32>], vector<16xi32>,
              %bitcast3A_304 = vector.bitcast %gather3A_302 : vector<16xi32> to vector<32xbf16>
              %bitcast3A_305 = vector.bitcast %gather3A_303 : vector<16xi32> to vector<32xbf16>
              %mul3A_306 = arith.mulf %bitcast3A_304, %bitcast3A_305 : vector<32xbf16>
              %unpack3A_307 = tpu.unpack_subelements %mul3A_306, 0 {pack_format = #tpu.pack_format<interleaved>} : vector<32xbf16> -> vector<16xf32>
              %unpack3A_308 = tpu.unpack_subelements %mul3A_306, 1 {pack_format = #tpu.pack_format<interleaved>} : vector<32xbf16> -> vector<16xf32>
              %add3A_309 = arith.addf %add3A_292, %unpack3A_307 : vector<16xf32>
              %add3A_310 = arith.addf %add3A_293, %unpack3A_308 : vector<16xf32>
              %scan3A_311 = arith.constant 10 : i32
              %scan3A_312 = arith.addi %scan3A_143, %scan3A_311 : i32
              %add3A_313 = vector.broadcast %scan3A_312 : i32 to vector<16xi32>
              %add3A_314 = arith.addi %iota3A, %add3A_313 : vector<16xi32>
              %and3A_315 = arith.constant 63 : i32
              %and3A_316 = vector.broadcast %and3A_315 : i32 to vector<16xi32>
              %and3A_317 = arith.andi %add3A_314, %and3A_316 : vector<16xi32>
              %add3A_318 = arith.addi %mul3A_120, %and3A_317 : vector<16xi32>
              %gather3A_319 = tpu.vector_load_idx %arg9[%broadcast_in_dim3A_106, %add3A_318] : memref<160x64xi32, #tpu.memory_space<vmem>>[vector<16xi32>, vector<16xi32>], vector<16xi32>,
              %gather3A_320 = tpu.vector_load_idx %arg11[%broadcast_in_dim3A_106, %add3A_318] : memref<160x64xi32, #tpu.memory_space<vmem>>[vector<16xi32>, vector<16xi32>], vector<16xi32>,
              %bitcast3A_321 = vector.bitcast %gather3A_319 : vector<16xi32> to vector<32xbf16>
              %bitcast3A_322 = vector.bitcast %gather3A_320 : vector<16xi32> to vector<32xbf16>
              %mul3A_323 = arith.mulf %bitcast3A_321, %bitcast3A_322 : vector<32xbf16>
              %unpack3A_324 = tpu.unpack_subelements %mul3A_323, 0 {pack_format = #tpu.pack_format<interleaved>} : vector<32xbf16> -> vector<16xf32>
              %unpack3A_325 = tpu.unpack_subelements %mul3A_323, 1 {pack_format = #tpu.pack_format<interleaved>} : vector<32xbf16> -> vector<16xf32>
              %add3A_326 = arith.addf %add3A_309, %unpack3A_324 : vector<16xf32>
              %add3A_327 = arith.addf %add3A_310, %unpack3A_325 : vector<16xf32>
              %scan3A_328 = arith.constant 11 : i32
              %scan3A_329 = arith.addi %scan3A_143, %scan3A_328 : i32
              %add3A_330 = vector.broadcast %scan3A_329 : i32 to vector<16xi32>
              %add3A_331 = arith.addi %iota3A, %add3A_330 : vector<16xi32>
              %and3A_332 = arith.constant 63 : i32
              %and3A_333 = vector.broadcast %and3A_332 : i32 to vector<16xi32>
              %and3A_334 = arith.andi %add3A_331, %and3A_333 : vector<16xi32>
              %add3A_335 = arith.addi %mul3A_120, %and3A_334 : vector<16xi32>
              %gather3A_336 = tpu.vector_load_idx %arg9[%broadcast_in_dim3A_106, %add3A_335] : memref<160x64xi32, #tpu.memory_space<vmem>>[vector<16xi32>, vector<16xi32>], vector<16xi32>,
              %gather3A_337 = tpu.vector_load_idx %arg11[%broadcast_in_dim3A_106, %add3A_335] : memref<160x64xi32, #tpu.memory_space<vmem>>[vector<16xi32>, vector<16xi32>], vector<16xi32>,
              %bitcast3A_338 = vector.bitcast %gather3A_336 : vector<16xi32> to vector<32xbf16>
              %bitcast3A_339 = vector.bitcast %gather3A_337 : vector<16xi32> to vector<32xbf16>
              %mul3A_340 = arith.mulf %bitcast3A_338, %bitcast3A_339 : vector<32xbf16>
              %unpack3A_341 = tpu.unpack_subelements %mul3A_340, 0 {pack_format = #tpu.pack_format<interleaved>} : vector<32xbf16> -> vector<16xf32>
              %unpack3A_342 = tpu.unpack_subelements %mul3A_340, 1 {pack_format = #tpu.pack_format<interleaved>} : vector<32xbf16> -> vector<16xf32>
              %add3A_343 = arith.addf %add3A_326, %unpack3A_341 : vector<16xf32>
              %add3A_344 = arith.addf %add3A_327, %unpack3A_342 : vector<16xf32>
              %scan3A_345 = arith.constant 12 : i32
              %scan3A_346 = arith.addi %scan3A_143, %scan3A_345 : i32
              %add3A_347 = vector.broadcast %scan3A_346 : i32 to vector<16xi32>
              %add3A_348 = arith.addi %iota3A, %add3A_347 : vector<16xi32>
              %and3A_349 = arith.constant 63 : i32
              %and3A_350 = vector.broadcast %and3A_349 : i32 to vector<16xi32>
              %and3A_351 = arith.andi %add3A_348, %and3A_350 : vector<16xi32>
              %add3A_352 = arith.addi %mul3A_120, %and3A_351 : vector<16xi32>
              %gather3A_353 = tpu.vector_load_idx %arg9[%broadcast_in_dim3A_106, %add3A_352] : memref<160x64xi32, #tpu.memory_space<vmem>>[vector<16xi32>, vector<16xi32>], vector<16xi32>,
              %gather3A_354 = tpu.vector_load_idx %arg11[%broadcast_in_dim3A_106, %add3A_352] : memref<160x64xi32, #tpu.memory_space<vmem>>[vector<16xi32>, vector<16xi32>], vector<16xi32>,
              %bitcast3A_355 = vector.bitcast %gather3A_353 : vector<16xi32> to vector<32xbf16>
              %bitcast3A_356 = vector.bitcast %gather3A_354 : vector<16xi32> to vector<32xbf16>
              %mul3A_357 = arith.mulf %bitcast3A_355, %bitcast3A_356 : vector<32xbf16>
              %unpack3A_358 = tpu.unpack_subelements %mul3A_357, 0 {pack_format = #tpu.pack_format<interleaved>} : vector<32xbf16> -> vector<16xf32>
              %unpack3A_359 = tpu.unpack_subelements %mul3A_357, 1 {pack_format = #tpu.pack_format<interleaved>} : vector<32xbf16> -> vector<16xf32>
              %add3A_360 = arith.addf %add3A_343, %unpack3A_358 : vector<16xf32>
              %add3A_361 = arith.addf %add3A_344, %unpack3A_359 : vector<16xf32>
              %scan3A_362 = arith.constant 13 : i32
              %scan3A_363 = arith.addi %scan3A_143, %scan3A_362 : i32
              %add3A_364 = vector.broadcast %scan3A_363 : i32 to vector<16xi32>
              %add3A_365 = arith.addi %iota3A, %add3A_364 : vector<16xi32>
              %and3A_366 = arith.constant 63 : i32
              %and3A_367 = vector.broadcast %and3A_366 : i32 to vector<16xi32>
              %and3A_368 = arith.andi %add3A_365, %and3A_367 : vector<16xi32>
              %add3A_369 = arith.addi %mul3A_120, %and3A_368 : vector<16xi32>
              %gather3A_370 = tpu.vector_load_idx %arg9[%broadcast_in_dim3A_106, %add3A_369] : memref<160x64xi32, #tpu.memory_space<vmem>>[vector<16xi32>, vector<16xi32>], vector<16xi32>,
              %gather3A_371 = tpu.vector_load_idx %arg11[%broadcast_in_dim3A_106, %add3A_369] : memref<160x64xi32, #tpu.memory_space<vmem>>[vector<16xi32>, vector<16xi32>], vector<16xi32>,
              %bitcast3A_372 = vector.bitcast %gather3A_370 : vector<16xi32> to vector<32xbf16>
              %bitcast3A_373 = vector.bitcast %gather3A_371 : vector<16xi32> to vector<32xbf16>
              %mul3A_374 = arith.mulf %bitcast3A_372, %bitcast3A_373 : vector<32xbf16>
              %unpack3A_375 = tpu.unpack_subelements %mul3A_374, 0 {pack_format = #tpu.pack_format<interleaved>} : vector<32xbf16> -> vector<16xf32>
              %unpack3A_376 = tpu.unpack_subelements %mul3A_374, 1 {pack_format = #tpu.pack_format<interleaved>} : vector<32xbf16> -> vector<16xf32>
              %add3A_377 = arith.addf %add3A_360, %unpack3A_375 : vector<16xf32>
              %add3A_378 = arith.addf %add3A_361, %unpack3A_376 : vector<16xf32>
              %scan3A_379 = arith.constant 14 : i32
              %scan3A_380 = arith.addi %scan3A_143, %scan3A_379 : i32
              %add3A_381 = vector.broadcast %scan3A_380 : i32 to vector<16xi32>
              %add3A_382 = arith.addi %iota3A, %add3A_381 : vector<16xi32>
              %and3A_383 = arith.constant 63 : i32
              %and3A_384 = vector.broadcast %and3A_383 : i32 to vector<16xi32>
              %and3A_385 = arith.andi %add3A_382, %and3A_384 : vector<16xi32>
              %add3A_386 = arith.addi %mul3A_120, %and3A_385 : vector<16xi32>
              %gather3A_387 = tpu.vector_load_idx %arg9[%broadcast_in_dim3A_106, %add3A_386] : memref<160x64xi32, #tpu.memory_space<vmem>>[vector<16xi32>, vector<16xi32>], vector<16xi32>,
              %gather3A_388 = tpu.vector_load_idx %arg11[%broadcast_in_dim3A_106, %add3A_386] : memref<160x64xi32, #tpu.memory_space<vmem>>[vector<16xi32>, vector<16xi32>], vector<16xi32>,
              %bitcast3A_389 = vector.bitcast %gather3A_387 : vector<16xi32> to vector<32xbf16>
              %bitcast3A_390 = vector.bitcast %gather3A_388 : vector<16xi32> to vector<32xbf16>
              %mul3A_391 = arith.mulf %bitcast3A_389, %bitcast3A_390 : vector<32xbf16>
              %unpack3A_392 = tpu.unpack_subelements %mul3A_391, 0 {pack_format = #tpu.pack_format<interleaved>} : vector<32xbf16> -> vector<16xf32>
              %unpack3A_393 = tpu.unpack_subelements %mul3A_391, 1 {pack_format = #tpu.pack_format<interleaved>} : vector<32xbf16> -> vector<16xf32>
              %add3A_394 = arith.addf %add3A_377, %unpack3A_392 : vector<16xf32>
              %add3A_395 = arith.addf %add3A_378, %unpack3A_393 : vector<16xf32>
              %scan3A_396 = arith.constant 15 : i32
              %scan3A_397 = arith.addi %scan3A_143, %scan3A_396 : i32
              %add3A_398 = vector.broadcast %scan3A_397 : i32 to vector<16xi32>
              %add3A_399 = arith.addi %iota3A, %add3A_398 : vector<16xi32>
              %and3A_400 = arith.constant 63 : i32
              %and3A_401 = vector.broadcast %and3A_400 : i32 to vector<16xi32>
              %and3A_402 = arith.andi %add3A_399, %and3A_401 : vector<16xi32>
              %add3A_403 = arith.addi %mul3A_120, %and3A_402 : vector<16xi32>
              %gather3A_404 = tpu.vector_load_idx %arg9[%broadcast_in_dim3A_106, %add3A_403] : memref<160x64xi32, #tpu.memory_space<vmem>>[vector<16xi32>, vector<16xi32>], vector<16xi32>,
              %gather3A_405 = tpu.vector_load_idx %arg11[%broadcast_in_dim3A_106, %add3A_403] : memref<160x64xi32, #tpu.memory_space<vmem>>[vector<16xi32>, vector<16xi32>], vector<16xi32>,
              %bitcast3A_406 = vector.bitcast %gather3A_404 : vector<16xi32> to vector<32xbf16>
              %bitcast3A_407 = vector.bitcast %gather3A_405 : vector<16xi32> to vector<32xbf16>
              %mul3A_408 = arith.mulf %bitcast3A_406, %bitcast3A_407 : vector<32xbf16>
              %unpack3A_409 = tpu.unpack_subelements %mul3A_408, 0 {pack_format = #tpu.pack_format<interleaved>} : vector<32xbf16> -> vector<16xf32>
              %unpack3A_410 = tpu.unpack_subelements %mul3A_408, 1 {pack_format = #tpu.pack_format<interleaved>} : vector<32xbf16> -> vector<16xf32>
              %add3A_411 = arith.addf %add3A_394, %unpack3A_409 : vector<16xf32>
              %add3A_412 = arith.addf %add3A_395, %unpack3A_410 : vector<16xf32>
              scf.yield %add3A_411, %add3A_412 : vector<16xf32>, vector<16xf32>
            }
            %scan3A_128 = arith.constant 64 : i32
            %add3A_129 = arith.addf %scan3A_127#0, %scan3A_127#1 : vector<16xf32>
            %neg3A = arith.constant 0.000000e+00 : f32
            %neg3A_130 = vector.broadcast %neg3A : f32 to vector<16xf32>
            %neg3A_131 = arith.subf %neg3A_130, %add3A_129 : vector<16xf32>
            %exp3A = math.exp %neg3A_131 : vector<16xf32>
            %add3A_132 = arith.constant 1.000000e+00 : f32
            %add3A_133 = vector.broadcast %add3A_132 : f32 to vector<16xf32>
            %add3A_134 = arith.addf %add3A_133, %exp3A : vector<16xf32>
            %div3A = arith.constant 1.000000e+00 : f32
            %div3A_135 = vector.broadcast %div3A : f32 to vector<16xf32>
            %div3A_136 = arith.divf %div3A_135, %add3A_134 : vector<16xf32>
            %mul3A_137 = arith.constant 160 : i32
            %mul3A_138 = arith.muli %scan3A_33, %mul3A_137 : i32
            %mul3A_139 = arith.constant 16 : i32
            %mul3A_140 = arith.muli %scan3A_113, %mul3A_139 : i32
            %add3A_141 = arith.addi %mul3A_138, %mul3A_140 : i32
            %swap3A = arith.index_cast %add3A_141 : i32 to index
            %swap3A_142 = tpu.vector_load %arg12[%swap3A] {strides = array<i32>} : memref<10000xf32, #tpu.memory_space<vmem>>, vector<16xf32>,
            tpu.vector_store %arg12[%swap3A], %div3A_136 {strides = array<i32>} : memref<10000xf32, #tpu.memory_space<vmem>>, vector<16xf32>,
          }
          %scan3A_112 = arith.constant 10 : i32
        } else {
        }
        %eq3A_76 = arith.constant 62 : i32
        %eq3A_77 = arith.cmpi eq, %scan3A_33, %eq3A_76 : i32
        %convert_element_type3A_78 = arith.extui %eq3A_77 : i1 to i32
        %cond3A_79 = arith.constant 0 : i32
        %cond3A_80 = arith.cmpi ne, %convert_element_type3A_78, %cond3A_79 : i32
        scf.if %cond3A_80 {
          %dma_wait3A = arith.constant 0 : i32
          %dma_wait3A_95 = arith.constant 0 : i32
          %dma_wait3A_96 = tpu.memref_slice %arg9[%dma_wait3A, %dma_wait3A_95] : memref<160x64xi32, #tpu.memory_space<vmem>> -> memref<80x64xi32, #tpu.memory_space<vmem>>
          %dma_wait3A_97 = arith.constant 0 : i32
          %dma_wait3A_98 = arith.constant 0 : i32
          %dma_wait3A_99 = tpu.memref_slice %arg14[%dma_wait3A_97, %dma_wait3A_98] : memref<10000x64xi32, #tpu.memory_space<vmem_shared>> -> memref<80x64xi32, #tpu.memory_space<vmem_shared>>
          %dma_wait3A_100 = arith.constant 0 : i32
          %dma_wait3A_101 = arith.constant 0 : i32
          %dma_wait3A_102 = tpu.memref_slice %arg9[%dma_wait3A_100, %dma_wait3A_101] : memref<160x64xi32, #tpu.memory_space<vmem>> -> memref<80x64xi32, #tpu.memory_space<vmem>>
          %dma_wait3A_103 = arith.constant 0 : i32
          %dma_wait3A_104 = arith.constant 0 : i32
          %dma_wait3A_105 = tpu.memref_slice %arg14[%dma_wait3A_103, %dma_wait3A_104] : memref<10000x64xi32, #tpu.memory_space<vmem_shared>> -> memref<80x64xi32, #tpu.memory_space<vmem_shared>>
          tpu.wait_dma2 semaphore(%arg16 : memref<!tpu.dma_semaphore, #tpu.memory_space<semaphore_mem>>) src(%dma_wait3A_105 : memref<80x64xi32, #tpu.memory_space<vmem_shared>>) dst(%dma_wait3A_102 : memref<80x64xi32, #tpu.memory_space<vmem>>)
          %dma_wait3A_106 = arith.constant 0 : i32
          %dma_wait3A_107 = arith.constant 0 : i32
          %dma_wait3A_108 = tpu.memref_slice %arg11[%dma_wait3A_106, %dma_wait3A_107] : memref<160x64xi32, #tpu.memory_space<vmem>> -> memref<80x64xi32, #tpu.memory_space<vmem>>
          %dma_wait3A_109 = arith.constant 0 : i32
          %dma_wait3A_110 = arith.constant 0 : i32
          %dma_wait3A_111 = tpu.memref_slice %arg14[%dma_wait3A_109, %dma_wait3A_110] : memref<10000x64xi32, #tpu.memory_space<vmem_shared>> -> memref<80x64xi32, #tpu.memory_space<vmem_shared>>
          %dma_wait3A_112 = arith.constant 0 : i32
          %dma_wait3A_113 = arith.constant 0 : i32
          %dma_wait3A_114 = tpu.memref_slice %arg11[%dma_wait3A_112, %dma_wait3A_113] : memref<160x64xi32, #tpu.memory_space<vmem>> -> memref<80x64xi32, #tpu.memory_space<vmem>>
          %dma_wait3A_115 = arith.constant 0 : i32
          %dma_wait3A_116 = arith.constant 0 : i32
          %dma_wait3A_117 = tpu.memref_slice %arg14[%dma_wait3A_115, %dma_wait3A_116] : memref<10000x64xi32, #tpu.memory_space<vmem_shared>> -> memref<80x64xi32, #tpu.memory_space<vmem_shared>>
          tpu.wait_dma2 semaphore(%arg16 : memref<!tpu.dma_semaphore, #tpu.memory_space<semaphore_mem>>) src(%dma_wait3A_117 : memref<80x64xi32, #tpu.memory_space<vmem_shared>>) dst(%dma_wait3A_114 : memref<80x64xi32, #tpu.memory_space<vmem>>)
          %broadcast_in_dim3A = arith.constant 0 : i32
          %broadcast_in_dim3A_118 = vector.broadcast %broadcast_in_dim3A : i32 to vector<16xi32>
          %scan3A_119 = arith.constant 0 : i32
          %scan3A_120 = arith.constant 0 : i32
          %scan3A_121 = arith.constant 5 : i32
          %scan3A_122 = arith.addi %scan3A_120, %scan3A_121 : i32
          %scan3A_123 = arith.constant 1 : i32
          scf.for %scan3A_125 = %scan3A_120 to %scan3A_122 step %scan3A_123  : i32 {
            %mul3A_126 = arith.constant 16 : i32
            %mul3A_127 = arith.muli %scan3A_125, %mul3A_126 : i32
            %add3A_128 = vector.broadcast %mul3A_127 : i32 to vector<16xi32>
            %add3A_129 = arith.addi %add3A_128, %iota3A : vector<16xi32>
            %mul3A_130 = arith.constant 64 : i32
            %mul3A_131 = vector.broadcast %mul3A_130 : i32 to vector<16xi32>
            %mul3A_132 = arith.muli %add3A_129, %mul3A_131 : vector<16xi32>
            %broadcast_in_dim3A_133 = arith.constant 0.000000e+00 : f32
            %broadcast_in_dim3A_134 = vector.broadcast %broadcast_in_dim3A_133 : f32 to vector<16xf32>
            %scan3A_135 = arith.constant 0 : i32
            %scan3A_136 = arith.constant 64 : i32
            %scan3A_137 = arith.addi %scan3A_135, %scan3A_136 : i32
            %scan3A_138 = arith.constant 16 : i32
            %scan3A_139:2 = scf.for %scan3A_155 = %scan3A_135 to %scan3A_137 step %scan3A_138 iter_args(%scan3A_156 = %broadcast_in_dim3A_134, %scan3A_157 = %broadcast_in_dim3A_134) -> (vector<16xf32>, vector<16xf32>)  : i32 {
              %add3A_158 = vector.broadcast %scan3A_155 : i32 to vector<16xi32>
              %add3A_159 = arith.addi %iota3A, %add3A_158 : vector<16xi32>
              %and3A_160 = arith.constant 63 : i32
              %and3A_161 = vector.broadcast %and3A_160 : i32 to vector<16xi32>
              %and3A_162 = arith.andi %add3A_159, %and3A_161 : vector<16xi32>
              %add3A_163 = arith.addi %mul3A_132, %and3A_162 : vector<16xi32>
              %gather3A = tpu.vector_load_idx %arg9[%broadcast_in_dim3A_118, %add3A_163] : memref<160x64xi32, #tpu.memory_space<vmem>>[vector<16xi32>, vector<16xi32>], vector<16xi32>,
              %gather3A_164 = tpu.vector_load_idx %arg11[%broadcast_in_dim3A_118, %add3A_163] : memref<160x64xi32, #tpu.memory_space<vmem>>[vector<16xi32>, vector<16xi32>], vector<16xi32>,
              %bitcast3A = vector.bitcast %gather3A : vector<16xi32> to vector<32xbf16>
              %bitcast3A_165 = vector.bitcast %gather3A_164 : vector<16xi32> to vector<32xbf16>
              %mul3A_166 = arith.mulf %bitcast3A, %bitcast3A_165 : vector<32xbf16>
              %unpack3A = tpu.unpack_subelements %mul3A_166, 0 {pack_format = #tpu.pack_format<interleaved>} : vector<32xbf16> -> vector<16xf32>
              %unpack3A_167 = tpu.unpack_subelements %mul3A_166, 1 {pack_format = #tpu.pack_format<interleaved>} : vector<32xbf16> -> vector<16xf32>
              %add3A_168 = arith.addf %scan3A_156, %unpack3A : vector<16xf32>
              %add3A_169 = arith.addf %scan3A_157, %unpack3A_167 : vector<16xf32>
              %scan3A_170 = arith.constant 1 : i32
              %scan3A_171 = arith.addi %scan3A_155, %scan3A_170 : i32
              %add3A_172 = vector.broadcast %scan3A_171 : i32 to vector<16xi32>
              %add3A_173 = arith.addi %iota3A, %add3A_172 : vector<16xi32>
              %and3A_174 = arith.constant 63 : i32
              %and3A_175 = vector.broadcast %and3A_174 : i32 to vector<16xi32>
              %and3A_176 = arith.andi %add3A_173, %and3A_175 : vector<16xi32>
              %add3A_177 = arith.addi %mul3A_132, %and3A_176 : vector<16xi32>
              %gather3A_178 = tpu.vector_load_idx %arg9[%broadcast_in_dim3A_118, %add3A_177] : memref<160x64xi32, #tpu.memory_space<vmem>>[vector<16xi32>, vector<16xi32>], vector<16xi32>,
              %gather3A_179 = tpu.vector_load_idx %arg11[%broadcast_in_dim3A_118, %add3A_177] : memref<160x64xi32, #tpu.memory_space<vmem>>[vector<16xi32>, vector<16xi32>], vector<16xi32>,
              %bitcast3A_180 = vector.bitcast %gather3A_178 : vector<16xi32> to vector<32xbf16>
              %bitcast3A_181 = vector.bitcast %gather3A_179 : vector<16xi32> to vector<32xbf16>
              %mul3A_182 = arith.mulf %bitcast3A_180, %bitcast3A_181 : vector<32xbf16>
              %unpack3A_183 = tpu.unpack_subelements %mul3A_182, 0 {pack_format = #tpu.pack_format<interleaved>} : vector<32xbf16> -> vector<16xf32>
              %unpack3A_184 = tpu.unpack_subelements %mul3A_182, 1 {pack_format = #tpu.pack_format<interleaved>} : vector<32xbf16> -> vector<16xf32>
              %add3A_185 = arith.addf %add3A_168, %unpack3A_183 : vector<16xf32>
              %add3A_186 = arith.addf %add3A_169, %unpack3A_184 : vector<16xf32>
              %scan3A_187 = arith.constant 2 : i32
              %scan3A_188 = arith.addi %scan3A_155, %scan3A_187 : i32
              %add3A_189 = vector.broadcast %scan3A_188 : i32 to vector<16xi32>
              %add3A_190 = arith.addi %iota3A, %add3A_189 : vector<16xi32>
              %and3A_191 = arith.constant 63 : i32
              %and3A_192 = vector.broadcast %and3A_191 : i32 to vector<16xi32>
              %and3A_193 = arith.andi %add3A_190, %and3A_192 : vector<16xi32>
              %add3A_194 = arith.addi %mul3A_132, %and3A_193 : vector<16xi32>
              %gather3A_195 = tpu.vector_load_idx %arg9[%broadcast_in_dim3A_118, %add3A_194] : memref<160x64xi32, #tpu.memory_space<vmem>>[vector<16xi32>, vector<16xi32>], vector<16xi32>,
              %gather3A_196 = tpu.vector_load_idx %arg11[%broadcast_in_dim3A_118, %add3A_194] : memref<160x64xi32, #tpu.memory_space<vmem>>[vector<16xi32>, vector<16xi32>], vector<16xi32>,
              %bitcast3A_197 = vector.bitcast %gather3A_195 : vector<16xi32> to vector<32xbf16>
              %bitcast3A_198 = vector.bitcast %gather3A_196 : vector<16xi32> to vector<32xbf16>
              %mul3A_199 = arith.mulf %bitcast3A_197, %bitcast3A_198 : vector<32xbf16>
              %unpack3A_200 = tpu.unpack_subelements %mul3A_199, 0 {pack_format = #tpu.pack_format<interleaved>} : vector<32xbf16> -> vector<16xf32>
              %unpack3A_201 = tpu.unpack_subelements %mul3A_199, 1 {pack_format = #tpu.pack_format<interleaved>} : vector<32xbf16> -> vector<16xf32>
              %add3A_202 = arith.addf %add3A_185, %unpack3A_200 : vector<16xf32>
              %add3A_203 = arith.addf %add3A_186, %unpack3A_201 : vector<16xf32>
              %scan3A_204 = arith.constant 3 : i32
              %scan3A_205 = arith.addi %scan3A_155, %scan3A_204 : i32
              %add3A_206 = vector.broadcast %scan3A_205 : i32 to vector<16xi32>
              %add3A_207 = arith.addi %iota3A, %add3A_206 : vector<16xi32>
              %and3A_208 = arith.constant 63 : i32
              %and3A_209 = vector.broadcast %and3A_208 : i32 to vector<16xi32>
              %and3A_210 = arith.andi %add3A_207, %and3A_209 : vector<16xi32>
              %add3A_211 = arith.addi %mul3A_132, %and3A_210 : vector<16xi32>
              %gather3A_212 = tpu.vector_load_idx %arg9[%broadcast_in_dim3A_118, %add3A_211] : memref<160x64xi32, #tpu.memory_space<vmem>>[vector<16xi32>, vector<16xi32>], vector<16xi32>,
              %gather3A_213 = tpu.vector_load_idx %arg11[%broadcast_in_dim3A_118, %add3A_211] : memref<160x64xi32, #tpu.memory_space<vmem>>[vector<16xi32>, vector<16xi32>], vector<16xi32>,
              %bitcast3A_214 = vector.bitcast %gather3A_212 : vector<16xi32> to vector<32xbf16>
              %bitcast3A_215 = vector.bitcast %gather3A_213 : vector<16xi32> to vector<32xbf16>
              %mul3A_216 = arith.mulf %bitcast3A_214, %bitcast3A_215 : vector<32xbf16>
              %unpack3A_217 = tpu.unpack_subelements %mul3A_216, 0 {pack_format = #tpu.pack_format<interleaved>} : vector<32xbf16> -> vector<16xf32>
              %unpack3A_218 = tpu.unpack_subelements %mul3A_216, 1 {pack_format = #tpu.pack_format<interleaved>} : vector<32xbf16> -> vector<16xf32>
              %add3A_219 = arith.addf %add3A_202, %unpack3A_217 : vector<16xf32>
              %add3A_220 = arith.addf %add3A_203, %unpack3A_218 : vector<16xf32>
              %scan3A_221 = arith.constant 4 : i32
              %scan3A_222 = arith.addi %scan3A_155, %scan3A_221 : i32
              %add3A_223 = vector.broadcast %scan3A_222 : i32 to vector<16xi32>
              %add3A_224 = arith.addi %iota3A, %add3A_223 : vector<16xi32>
              %and3A_225 = arith.constant 63 : i32
              %and3A_226 = vector.broadcast %and3A_225 : i32 to vector<16xi32>
              %and3A_227 = arith.andi %add3A_224, %and3A_226 : vector<16xi32>
              %add3A_228 = arith.addi %mul3A_132, %and3A_227 : vector<16xi32>
              %gather3A_229 = tpu.vector_load_idx %arg9[%broadcast_in_dim3A_118, %add3A_228] : memref<160x64xi32, #tpu.memory_space<vmem>>[vector<16xi32>, vector<16xi32>], vector<16xi32>,
              %gather3A_230 = tpu.vector_load_idx %arg11[%broadcast_in_dim3A_118, %add3A_228] : memref<160x64xi32, #tpu.memory_space<vmem>>[vector<16xi32>, vector<16xi32>], vector<16xi32>,
              %bitcast3A_231 = vector.bitcast %gather3A_229 : vector<16xi32> to vector<32xbf16>
              %bitcast3A_232 = vector.bitcast %gather3A_230 : vector<16xi32> to vector<32xbf16>
              %mul3A_233 = arith.mulf %bitcast3A_231, %bitcast3A_232 : vector<32xbf16>
              %unpack3A_234 = tpu.unpack_subelements %mul3A_233, 0 {pack_format = #tpu.pack_format<interleaved>} : vector<32xbf16> -> vector<16xf32>
              %unpack3A_235 = tpu.unpack_subelements %mul3A_233, 1 {pack_format = #tpu.pack_format<interleaved>} : vector<32xbf16> -> vector<16xf32>
              %add3A_236 = arith.addf %add3A_219, %unpack3A_234 : vector<16xf32>
              %add3A_237 = arith.addf %add3A_220, %unpack3A_235 : vector<16xf32>
              %scan3A_238 = arith.constant 5 : i32
              %scan3A_239 = arith.addi %scan3A_155, %scan3A_238 : i32
              %add3A_240 = vector.broadcast %scan3A_239 : i32 to vector<16xi32>
              %add3A_241 = arith.addi %iota3A, %add3A_240 : vector<16xi32>
              %and3A_242 = arith.constant 63 : i32
              %and3A_243 = vector.broadcast %and3A_242 : i32 to vector<16xi32>
              %and3A_244 = arith.andi %add3A_241, %and3A_243 : vector<16xi32>
              %add3A_245 = arith.addi %mul3A_132, %and3A_244 : vector<16xi32>
              %gather3A_246 = tpu.vector_load_idx %arg9[%broadcast_in_dim3A_118, %add3A_245] : memref<160x64xi32, #tpu.memory_space<vmem>>[vector<16xi32>, vector<16xi32>], vector<16xi32>,
              %gather3A_247 = tpu.vector_load_idx %arg11[%broadcast_in_dim3A_118, %add3A_245] : memref<160x64xi32, #tpu.memory_space<vmem>>[vector<16xi32>, vector<16xi32>], vector<16xi32>,
              %bitcast3A_248 = vector.bitcast %gather3A_246 : vector<16xi32> to vector<32xbf16>
              %bitcast3A_249 = vector.bitcast %gather3A_247 : vector<16xi32> to vector<32xbf16>
              %mul3A_250 = arith.mulf %bitcast3A_248, %bitcast3A_249 : vector<32xbf16>
              %unpack3A_251 = tpu.unpack_subelements %mul3A_250, 0 {pack_format = #tpu.pack_format<interleaved>} : vector<32xbf16> -> vector<16xf32>
              %unpack3A_252 = tpu.unpack_subelements %mul3A_250, 1 {pack_format = #tpu.pack_format<interleaved>} : vector<32xbf16> -> vector<16xf32>
              %add3A_253 = arith.addf %add3A_236, %unpack3A_251 : vector<16xf32>
              %add3A_254 = arith.addf %add3A_237, %unpack3A_252 : vector<16xf32>
              %scan3A_255 = arith.constant 6 : i32
              %scan3A_256 = arith.addi %scan3A_155, %scan3A_255 : i32
              %add3A_257 = vector.broadcast %scan3A_256 : i32 to vector<16xi32>
              %add3A_258 = arith.addi %iota3A, %add3A_257 : vector<16xi32>
              %and3A_259 = arith.constant 63 : i32
              %and3A_260 = vector.broadcast %and3A_259 : i32 to vector<16xi32>
              %and3A_261 = arith.andi %add3A_258, %and3A_260 : vector<16xi32>
              %add3A_262 = arith.addi %mul3A_132, %and3A_261 : vector<16xi32>
              %gather3A_263 = tpu.vector_load_idx %arg9[%broadcast_in_dim3A_118, %add3A_262] : memref<160x64xi32, #tpu.memory_space<vmem>>[vector<16xi32>, vector<16xi32>], vector<16xi32>,
              %gather3A_264 = tpu.vector_load_idx %arg11[%broadcast_in_dim3A_118, %add3A_262] : memref<160x64xi32, #tpu.memory_space<vmem>>[vector<16xi32>, vector<16xi32>], vector<16xi32>,
              %bitcast3A_265 = vector.bitcast %gather3A_263 : vector<16xi32> to vector<32xbf16>
              %bitcast3A_266 = vector.bitcast %gather3A_264 : vector<16xi32> to vector<32xbf16>
              %mul3A_267 = arith.mulf %bitcast3A_265, %bitcast3A_266 : vector<32xbf16>
              %unpack3A_268 = tpu.unpack_subelements %mul3A_267, 0 {pack_format = #tpu.pack_format<interleaved>} : vector<32xbf16> -> vector<16xf32>
              %unpack3A_269 = tpu.unpack_subelements %mul3A_267, 1 {pack_format = #tpu.pack_format<interleaved>} : vector<32xbf16> -> vector<16xf32>
              %add3A_270 = arith.addf %add3A_253, %unpack3A_268 : vector<16xf32>
              %add3A_271 = arith.addf %add3A_254, %unpack3A_269 : vector<16xf32>
              %scan3A_272 = arith.constant 7 : i32
              %scan3A_273 = arith.addi %scan3A_155, %scan3A_272 : i32
              %add3A_274 = vector.broadcast %scan3A_273 : i32 to vector<16xi32>
              %add3A_275 = arith.addi %iota3A, %add3A_274 : vector<16xi32>
              %and3A_276 = arith.constant 63 : i32
              %and3A_277 = vector.broadcast %and3A_276 : i32 to vector<16xi32>
              %and3A_278 = arith.andi %add3A_275, %and3A_277 : vector<16xi32>
              %add3A_279 = arith.addi %mul3A_132, %and3A_278 : vector<16xi32>
              %gather3A_280 = tpu.vector_load_idx %arg9[%broadcast_in_dim3A_118, %add3A_279] : memref<160x64xi32, #tpu.memory_space<vmem>>[vector<16xi32>, vector<16xi32>], vector<16xi32>,
              %gather3A_281 = tpu.vector_load_idx %arg11[%broadcast_in_dim3A_118, %add3A_279] : memref<160x64xi32, #tpu.memory_space<vmem>>[vector<16xi32>, vector<16xi32>], vector<16xi32>,
              %bitcast3A_282 = vector.bitcast %gather3A_280 : vector<16xi32> to vector<32xbf16>
              %bitcast3A_283 = vector.bitcast %gather3A_281 : vector<16xi32> to vector<32xbf16>
              %mul3A_284 = arith.mulf %bitcast3A_282, %bitcast3A_283 : vector<32xbf16>
              %unpack3A_285 = tpu.unpack_subelements %mul3A_284, 0 {pack_format = #tpu.pack_format<interleaved>} : vector<32xbf16> -> vector<16xf32>
              %unpack3A_286 = tpu.unpack_subelements %mul3A_284, 1 {pack_format = #tpu.pack_format<interleaved>} : vector<32xbf16> -> vector<16xf32>
              %add3A_287 = arith.addf %add3A_270, %unpack3A_285 : vector<16xf32>
              %add3A_288 = arith.addf %add3A_271, %unpack3A_286 : vector<16xf32>
              %scan3A_289 = arith.constant 8 : i32
              %scan3A_290 = arith.addi %scan3A_155, %scan3A_289 : i32
              %add3A_291 = vector.broadcast %scan3A_290 : i32 to vector<16xi32>
              %add3A_292 = arith.addi %iota3A, %add3A_291 : vector<16xi32>
              %and3A_293 = arith.constant 63 : i32
              %and3A_294 = vector.broadcast %and3A_293 : i32 to vector<16xi32>
              %and3A_295 = arith.andi %add3A_292, %and3A_294 : vector<16xi32>
              %add3A_296 = arith.addi %mul3A_132, %and3A_295 : vector<16xi32>
              %gather3A_297 = tpu.vector_load_idx %arg9[%broadcast_in_dim3A_118, %add3A_296] : memref<160x64xi32, #tpu.memory_space<vmem>>[vector<16xi32>, vector<16xi32>], vector<16xi32>,
              %gather3A_298 = tpu.vector_load_idx %arg11[%broadcast_in_dim3A_118, %add3A_296] : memref<160x64xi32, #tpu.memory_space<vmem>>[vector<16xi32>, vector<16xi32>], vector<16xi32>,
              %bitcast3A_299 = vector.bitcast %gather3A_297 : vector<16xi32> to vector<32xbf16>
              %bitcast3A_300 = vector.bitcast %gather3A_298 : vector<16xi32> to vector<32xbf16>
              %mul3A_301 = arith.mulf %bitcast3A_299, %bitcast3A_300 : vector<32xbf16>
              %unpack3A_302 = tpu.unpack_subelements %mul3A_301, 0 {pack_format = #tpu.pack_format<interleaved>} : vector<32xbf16> -> vector<16xf32>
              %unpack3A_303 = tpu.unpack_subelements %mul3A_301, 1 {pack_format = #tpu.pack_format<interleaved>} : vector<32xbf16> -> vector<16xf32>
              %add3A_304 = arith.addf %add3A_287, %unpack3A_302 : vector<16xf32>
              %add3A_305 = arith.addf %add3A_288, %unpack3A_303 : vector<16xf32>
              %scan3A_306 = arith.constant 9 : i32
              %scan3A_307 = arith.addi %scan3A_155, %scan3A_306 : i32
              %add3A_308 = vector.broadcast %scan3A_307 : i32 to vector<16xi32>
              %add3A_309 = arith.addi %iota3A, %add3A_308 : vector<16xi32>
              %and3A_310 = arith.constant 63 : i32
              %and3A_311 = vector.broadcast %and3A_310 : i32 to vector<16xi32>
              %and3A_312 = arith.andi %add3A_309, %and3A_311 : vector<16xi32>
              %add3A_313 = arith.addi %mul3A_132, %and3A_312 : vector<16xi32>
              %gather3A_314 = tpu.vector_load_idx %arg9[%broadcast_in_dim3A_118, %add3A_313] : memref<160x64xi32, #tpu.memory_space<vmem>>[vector<16xi32>, vector<16xi32>], vector<16xi32>,
              %gather3A_315 = tpu.vector_load_idx %arg11[%broadcast_in_dim3A_118, %add3A_313] : memref<160x64xi32, #tpu.memory_space<vmem>>[vector<16xi32>, vector<16xi32>], vector<16xi32>,
              %bitcast3A_316 = vector.bitcast %gather3A_314 : vector<16xi32> to vector<32xbf16>
              %bitcast3A_317 = vector.bitcast %gather3A_315 : vector<16xi32> to vector<32xbf16>
              %mul3A_318 = arith.mulf %bitcast3A_316, %bitcast3A_317 : vector<32xbf16>
              %unpack3A_319 = tpu.unpack_subelements %mul3A_318, 0 {pack_format = #tpu.pack_format<interleaved>} : vector<32xbf16> -> vector<16xf32>
              %unpack3A_320 = tpu.unpack_subelements %mul3A_318, 1 {pack_format = #tpu.pack_format<interleaved>} : vector<32xbf16> -> vector<16xf32>
              %add3A_321 = arith.addf %add3A_304, %unpack3A_319 : vector<16xf32>
              %add3A_322 = arith.addf %add3A_305, %unpack3A_320 : vector<16xf32>
              %scan3A_323 = arith.constant 10 : i32
              %scan3A_324 = arith.addi %scan3A_155, %scan3A_323 : i32
              %add3A_325 = vector.broadcast %scan3A_324 : i32 to vector<16xi32>
              %add3A_326 = arith.addi %iota3A, %add3A_325 : vector<16xi32>
              %and3A_327 = arith.constant 63 : i32
              %and3A_328 = vector.broadcast %and3A_327 : i32 to vector<16xi32>
              %and3A_329 = arith.andi %add3A_326, %and3A_328 : vector<16xi32>
              %add3A_330 = arith.addi %mul3A_132, %and3A_329 : vector<16xi32>
              %gather3A_331 = tpu.vector_load_idx %arg9[%broadcast_in_dim3A_118, %add3A_330] : memref<160x64xi32, #tpu.memory_space<vmem>>[vector<16xi32>, vector<16xi32>], vector<16xi32>,
              %gather3A_332 = tpu.vector_load_idx %arg11[%broadcast_in_dim3A_118, %add3A_330] : memref<160x64xi32, #tpu.memory_space<vmem>>[vector<16xi32>, vector<16xi32>], vector<16xi32>,
              %bitcast3A_333 = vector.bitcast %gather3A_331 : vector<16xi32> to vector<32xbf16>
              %bitcast3A_334 = vector.bitcast %gather3A_332 : vector<16xi32> to vector<32xbf16>
              %mul3A_335 = arith.mulf %bitcast3A_333, %bitcast3A_334 : vector<32xbf16>
              %unpack3A_336 = tpu.unpack_subelements %mul3A_335, 0 {pack_format = #tpu.pack_format<interleaved>} : vector<32xbf16> -> vector<16xf32>
              %unpack3A_337 = tpu.unpack_subelements %mul3A_335, 1 {pack_format = #tpu.pack_format<interleaved>} : vector<32xbf16> -> vector<16xf32>
              %add3A_338 = arith.addf %add3A_321, %unpack3A_336 : vector<16xf32>
              %add3A_339 = arith.addf %add3A_322, %unpack3A_337 : vector<16xf32>
              %scan3A_340 = arith.constant 11 : i32
              %scan3A_341 = arith.addi %scan3A_155, %scan3A_340 : i32
              %add3A_342 = vector.broadcast %scan3A_341 : i32 to vector<16xi32>
              %add3A_343 = arith.addi %iota3A, %add3A_342 : vector<16xi32>
              %and3A_344 = arith.constant 63 : i32
              %and3A_345 = vector.broadcast %and3A_344 : i32 to vector<16xi32>
              %and3A_346 = arith.andi %add3A_343, %and3A_345 : vector<16xi32>
              %add3A_347 = arith.addi %mul3A_132, %and3A_346 : vector<16xi32>
              %gather3A_348 = tpu.vector_load_idx %arg9[%broadcast_in_dim3A_118, %add3A_347] : memref<160x64xi32, #tpu.memory_space<vmem>>[vector<16xi32>, vector<16xi32>], vector<16xi32>,
              %gather3A_349 = tpu.vector_load_idx %arg11[%broadcast_in_dim3A_118, %add3A_347] : memref<160x64xi32, #tpu.memory_space<vmem>>[vector<16xi32>, vector<16xi32>], vector<16xi32>,
              %bitcast3A_350 = vector.bitcast %gather3A_348 : vector<16xi32> to vector<32xbf16>
              %bitcast3A_351 = vector.bitcast %gather3A_349 : vector<16xi32> to vector<32xbf16>
              %mul3A_352 = arith.mulf %bitcast3A_350, %bitcast3A_351 : vector<32xbf16>
              %unpack3A_353 = tpu.unpack_subelements %mul3A_352, 0 {pack_format = #tpu.pack_format<interleaved>} : vector<32xbf16> -> vector<16xf32>
              %unpack3A_354 = tpu.unpack_subelements %mul3A_352, 1 {pack_format = #tpu.pack_format<interleaved>} : vector<32xbf16> -> vector<16xf32>
              %add3A_355 = arith.addf %add3A_338, %unpack3A_353 : vector<16xf32>
              %add3A_356 = arith.addf %add3A_339, %unpack3A_354 : vector<16xf32>
              %scan3A_357 = arith.constant 12 : i32
              %scan3A_358 = arith.addi %scan3A_155, %scan3A_357 : i32
              %add3A_359 = vector.broadcast %scan3A_358 : i32 to vector<16xi32>
              %add3A_360 = arith.addi %iota3A, %add3A_359 : vector<16xi32>
              %and3A_361 = arith.constant 63 : i32
              %and3A_362 = vector.broadcast %and3A_361 : i32 to vector<16xi32>
              %and3A_363 = arith.andi %add3A_360, %and3A_362 : vector<16xi32>
              %add3A_364 = arith.addi %mul3A_132, %and3A_363 : vector<16xi32>
              %gather3A_365 = tpu.vector_load_idx %arg9[%broadcast_in_dim3A_118, %add3A_364] : memref<160x64xi32, #tpu.memory_space<vmem>>[vector<16xi32>, vector<16xi32>], vector<16xi32>,
              %gather3A_366 = tpu.vector_load_idx %arg11[%broadcast_in_dim3A_118, %add3A_364] : memref<160x64xi32, #tpu.memory_space<vmem>>[vector<16xi32>, vector<16xi32>], vector<16xi32>,
              %bitcast3A_367 = vector.bitcast %gather3A_365 : vector<16xi32> to vector<32xbf16>
              %bitcast3A_368 = vector.bitcast %gather3A_366 : vector<16xi32> to vector<32xbf16>
              %mul3A_369 = arith.mulf %bitcast3A_367, %bitcast3A_368 : vector<32xbf16>
              %unpack3A_370 = tpu.unpack_subelements %mul3A_369, 0 {pack_format = #tpu.pack_format<interleaved>} : vector<32xbf16> -> vector<16xf32>
              %unpack3A_371 = tpu.unpack_subelements %mul3A_369, 1 {pack_format = #tpu.pack_format<interleaved>} : vector<32xbf16> -> vector<16xf32>
              %add3A_372 = arith.addf %add3A_355, %unpack3A_370 : vector<16xf32>
              %add3A_373 = arith.addf %add3A_356, %unpack3A_371 : vector<16xf32>
              %scan3A_374 = arith.constant 13 : i32
              %scan3A_375 = arith.addi %scan3A_155, %scan3A_374 : i32
              %add3A_376 = vector.broadcast %scan3A_375 : i32 to vector<16xi32>
              %add3A_377 = arith.addi %iota3A, %add3A_376 : vector<16xi32>
              %and3A_378 = arith.constant 63 : i32
              %and3A_379 = vector.broadcast %and3A_378 : i32 to vector<16xi32>
              %and3A_380 = arith.andi %add3A_377, %and3A_379 : vector<16xi32>
              %add3A_381 = arith.addi %mul3A_132, %and3A_380 : vector<16xi32>
              %gather3A_382 = tpu.vector_load_idx %arg9[%broadcast_in_dim3A_118, %add3A_381] : memref<160x64xi32, #tpu.memory_space<vmem>>[vector<16xi32>, vector<16xi32>], vector<16xi32>,
              %gather3A_383 = tpu.vector_load_idx %arg11[%broadcast_in_dim3A_118, %add3A_381] : memref<160x64xi32, #tpu.memory_space<vmem>>[vector<16xi32>, vector<16xi32>], vector<16xi32>,
              %bitcast3A_384 = vector.bitcast %gather3A_382 : vector<16xi32> to vector<32xbf16>
              %bitcast3A_385 = vector.bitcast %gather3A_383 : vector<16xi32> to vector<32xbf16>
              %mul3A_386 = arith.mulf %bitcast3A_384, %bitcast3A_385 : vector<32xbf16>
              %unpack3A_387 = tpu.unpack_subelements %mul3A_386, 0 {pack_format = #tpu.pack_format<interleaved>} : vector<32xbf16> -> vector<16xf32>
              %unpack3A_388 = tpu.unpack_subelements %mul3A_386, 1 {pack_format = #tpu.pack_format<interleaved>} : vector<32xbf16> -> vector<16xf32>
              %add3A_389 = arith.addf %add3A_372, %unpack3A_387 : vector<16xf32>
              %add3A_390 = arith.addf %add3A_373, %unpack3A_388 : vector<16xf32>
              %scan3A_391 = arith.constant 14 : i32
              %scan3A_392 = arith.addi %scan3A_155, %scan3A_391 : i32
              %add3A_393 = vector.broadcast %scan3A_392 : i32 to vector<16xi32>
              %add3A_394 = arith.addi %iota3A, %add3A_393 : vector<16xi32>
              %and3A_395 = arith.constant 63 : i32
              %and3A_396 = vector.broadcast %and3A_395 : i32 to vector<16xi32>
              %and3A_397 = arith.andi %add3A_394, %and3A_396 : vector<16xi32>
              %add3A_398 = arith.addi %mul3A_132, %and3A_397 : vector<16xi32>
              %gather3A_399 = tpu.vector_load_idx %arg9[%broadcast_in_dim3A_118, %add3A_398] : memref<160x64xi32, #tpu.memory_space<vmem>>[vector<16xi32>, vector<16xi32>], vector<16xi32>,
              %gather3A_400 = tpu.vector_load_idx %arg11[%broadcast_in_dim3A_118, %add3A_398] : memref<160x64xi32, #tpu.memory_space<vmem>>[vector<16xi32>, vector<16xi32>], vector<16xi32>,
              %bitcast3A_401 = vector.bitcast %gather3A_399 : vector<16xi32> to vector<32xbf16>
              %bitcast3A_402 = vector.bitcast %gather3A_400 : vector<16xi32> to vector<32xbf16>
              %mul3A_403 = arith.mulf %bitcast3A_401, %bitcast3A_402 : vector<32xbf16>
              %unpack3A_404 = tpu.unpack_subelements %mul3A_403, 0 {pack_format = #tpu.pack_format<interleaved>} : vector<32xbf16> -> vector<16xf32>
              %unpack3A_405 = tpu.unpack_subelements %mul3A_403, 1 {pack_format = #tpu.pack_format<interleaved>} : vector<32xbf16> -> vector<16xf32>
              %add3A_406 = arith.addf %add3A_389, %unpack3A_404 : vector<16xf32>
              %add3A_407 = arith.addf %add3A_390, %unpack3A_405 : vector<16xf32>
              %scan3A_408 = arith.constant 15 : i32
              %scan3A_409 = arith.addi %scan3A_155, %scan3A_408 : i32
              %add3A_410 = vector.broadcast %scan3A_409 : i32 to vector<16xi32>
              %add3A_411 = arith.addi %iota3A, %add3A_410 : vector<16xi32>
              %and3A_412 = arith.constant 63 : i32
              %and3A_413 = vector.broadcast %and3A_412 : i32 to vector<16xi32>
              %and3A_414 = arith.andi %add3A_411, %and3A_413 : vector<16xi32>
              %add3A_415 = arith.addi %mul3A_132, %and3A_414 : vector<16xi32>
              %gather3A_416 = tpu.vector_load_idx %arg9[%broadcast_in_dim3A_118, %add3A_415] : memref<160x64xi32, #tpu.memory_space<vmem>>[vector<16xi32>, vector<16xi32>], vector<16xi32>,
              %gather3A_417 = tpu.vector_load_idx %arg11[%broadcast_in_dim3A_118, %add3A_415] : memref<160x64xi32, #tpu.memory_space<vmem>>[vector<16xi32>, vector<16xi32>], vector<16xi32>,
              %bitcast3A_418 = vector.bitcast %gather3A_416 : vector<16xi32> to vector<32xbf16>
              %bitcast3A_419 = vector.bitcast %gather3A_417 : vector<16xi32> to vector<32xbf16>
              %mul3A_420 = arith.mulf %bitcast3A_418, %bitcast3A_419 : vector<32xbf16>
              %unpack3A_421 = tpu.unpack_subelements %mul3A_420, 0 {pack_format = #tpu.pack_format<interleaved>} : vector<32xbf16> -> vector<16xf32>
              %unpack3A_422 = tpu.unpack_subelements %mul3A_420, 1 {pack_format = #tpu.pack_format<interleaved>} : vector<32xbf16> -> vector<16xf32>
              %add3A_423 = arith.addf %add3A_406, %unpack3A_421 : vector<16xf32>
              %add3A_424 = arith.addf %add3A_407, %unpack3A_422 : vector<16xf32>
              scf.yield %add3A_423, %add3A_424 : vector<16xf32>, vector<16xf32>
            }
            %scan3A_140 = arith.constant 64 : i32
            %add3A_141 = arith.addf %scan3A_139#0, %scan3A_139#1 : vector<16xf32>
            %neg3A = arith.constant 0.000000e+00 : f32
            %neg3A_142 = vector.broadcast %neg3A : f32 to vector<16xf32>
            %neg3A_143 = arith.subf %neg3A_142, %add3A_141 : vector<16xf32>
            %exp3A = math.exp %neg3A_143 : vector<16xf32>
            %add3A_144 = arith.constant 1.000000e+00 : f32
            %add3A_145 = vector.broadcast %add3A_144 : f32 to vector<16xf32>
            %add3A_146 = arith.addf %add3A_145, %exp3A : vector<16xf32>
            %div3A = arith.constant 1.000000e+00 : f32
            %div3A_147 = vector.broadcast %div3A : f32 to vector<16xf32>
            %div3A_148 = arith.divf %div3A_147, %add3A_146 : vector<16xf32>
            %mul3A_149 = arith.constant 160 : i32
            %mul3A_150 = arith.muli %scan3A_33, %mul3A_149 : i32
            %mul3A_151 = arith.constant 16 : i32
            %mul3A_152 = arith.muli %scan3A_125, %mul3A_151 : i32
            %add3A_153 = arith.addi %mul3A_150, %mul3A_152 : i32
            %swap3A = arith.index_cast %add3A_153 : i32 to index
            %swap3A_154 = tpu.vector_load %arg12[%swap3A] {strides = array<i32>} : memref<10000xf32, #tpu.memory_space<vmem>>, vector<16xf32>,
            tpu.vector_store %arg12[%swap3A], %div3A_148 {strides = array<i32>} : memref<10000xf32, #tpu.memory_space<vmem>>, vector<16xf32>,
          }
          %scan3A_124 = arith.constant 5 : i32
        } else {
        }
        %add3A_81 = arith.constant 2 : i32
        %add3A_82 = arith.addi %scan3A_33, %add3A_81 : i32
        %lt3A_83 = arith.constant 62 : i32
        %lt3A_84 = arith.cmpi slt, %add3A_82, %lt3A_83 : i32
        %convert_element_type3A_85 = arith.extui %lt3A_84 : i1 to i32
        %cond3A_86 = arith.constant 0 : i32
        %cond3A_87 = arith.cmpi ne, %convert_element_type3A_85, %cond3A_86 : i32
        scf.if %cond3A_87 {
          %add3A_95 = arith.constant 2 : i32
          %add3A_96 = arith.addi %scan3A_33, %add3A_95 : i32
          %mul3A_97 = arith.constant 160 : i32
          %mul3A_98 = arith.muli %add3A_96, %mul3A_97 : i32
          %dma_start3A_99 = tpu.memref_slice %arg6[%mul3A_98] : memref<10000xi32, #tpu.memory_space<vmem>> -> memref<160xi32, #tpu.memory_space<vmem>>
          %dma_start3A_100 = arith.constant 0 : i32
          %dma_start3A_101 = arith.constant 0 : i32
          %dma_start3A_102 = tpu.memref_slice %arg14[%dma_start3A_100, %dma_start3A_101] : memref<10000x64xi32, #tpu.memory_space<vmem_shared>> -> memref<10000x64xi32, #tpu.memory_space<vmem_shared>>
          tpu.enqueue_indirect_dma source(%dma_start3A_102 : memref<10000x64xi32, #tpu.memory_space<vmem_shared>>) target(%arg9 : memref<160x64xi32, #tpu.memory_space<vmem>>) offsets(%dma_start3A_99 : memref<160xi32, #tpu.memory_space<vmem>>) semaphore(%arg16 : memref<!tpu.dma_semaphore, #tpu.memory_space<semaphore_mem>>)
          %mul3A_103 = arith.constant 160 : i32
          %mul3A_104 = arith.muli %add3A_96, %mul3A_103 : i32
          %dma_start3A_105 = tpu.memref_slice %arg7[%mul3A_104] : memref<10000xi32, #tpu.memory_space<vmem>> -> memref<160xi32, #tpu.memory_space<vmem>>
          %dma_start3A_106 = arith.constant 0 : i32
          %dma_start3A_107 = arith.constant 0 : i32
          %dma_start3A_108 = tpu.memref_slice %arg14[%dma_start3A_106, %dma_start3A_107] : memref<10000x64xi32, #tpu.memory_space<vmem_shared>> -> memref<10000x64xi32, #tpu.memory_space<vmem_shared>>
          tpu.enqueue_indirect_dma source(%dma_start3A_108 : memref<10000x64xi32, #tpu.memory_space<vmem_shared>>) target(%arg11 : memref<160x64xi32, #tpu.memory_space<vmem>>) offsets(%dma_start3A_105 : memref<160xi32, #tpu.memory_space<vmem>>) semaphore(%arg16 : memref<!tpu.dma_semaphore, #tpu.memory_space<semaphore_mem>>)
        } else {
        }
        %add3A_88 = arith.constant 2 : i32
        %add3A_89 = arith.addi %scan3A_33, %add3A_88 : i32
        %eq3A_90 = arith.constant 62 : i32
        %eq3A_91 = arith.cmpi eq, %add3A_89, %eq3A_90 : i32
        %convert_element_type3A_92 = arith.extui %eq3A_91 : i1 to i32
        %cond3A_93 = arith.constant 0 : i32
        %cond3A_94 = arith.cmpi ne, %convert_element_type3A_92, %cond3A_93 : i32
        scf.if %cond3A_94 {
          %add3A_95 = arith.constant 2 : i32
          %add3A_96 = arith.addi %scan3A_33, %add3A_95 : i32
          %mul3A_97 = arith.constant 160 : i32
          %mul3A_98 = arith.muli %add3A_96, %mul3A_97 : i32
          %dma_start3A_99 = arith.constant 0 : i32
          %dma_start3A_100 = arith.constant 0 : i32
          %dma_start3A_101 = tpu.memref_slice %arg9[%dma_start3A_99, %dma_start3A_100] : memref<160x64xi32, #tpu.memory_space<vmem>> -> memref<80x64xi32, #tpu.memory_space<vmem>>
          %dma_start3A_102 = tpu.memref_slice %arg6[%mul3A_98] : memref<10000xi32, #tpu.memory_space<vmem>> -> memref<80xi32, #tpu.memory_space<vmem>>
          %dma_start3A_103 = arith.constant 0 : i32
          %dma_start3A_104 = arith.constant 0 : i32
          %dma_start3A_105 = tpu.memref_slice %arg14[%dma_start3A_103, %dma_start3A_104] : memref<10000x64xi32, #tpu.memory_space<vmem_shared>> -> memref<10000x64xi32, #tpu.memory_space<vmem_shared>>
          tpu.enqueue_indirect_dma source(%dma_start3A_105 : memref<10000x64xi32, #tpu.memory_space<vmem_shared>>) target(%dma_start3A_101 : memref<80x64xi32, #tpu.memory_space<vmem>>) offsets(%dma_start3A_102 : memref<80xi32, #tpu.memory_space<vmem>>) semaphore(%arg16 : memref<!tpu.dma_semaphore, #tpu.memory_space<semaphore_mem>>)
          %mul3A_106 = arith.constant 160 : i32
          %mul3A_107 = arith.muli %add3A_96, %mul3A_106 : i32
          %dma_start3A_108 = arith.constant 0 : i32
          %dma_start3A_109 = arith.constant 0 : i32
          %dma_start3A_110 = tpu.memref_slice %arg11[%dma_start3A_108, %dma_start3A_109] : memref<160x64xi32, #tpu.memory_space<vmem>> -> memref<80x64xi32, #tpu.memory_space<vmem>>
          %dma_start3A_111 = tpu.memref_slice %arg7[%mul3A_107] : memref<10000xi32, #tpu.memory_space<vmem>> -> memref<80xi32, #tpu.memory_space<vmem>>
          %dma_start3A_112 = arith.constant 0 : i32
          %dma_start3A_113 = arith.constant 0 : i32
          %dma_start3A_114 = tpu.memref_slice %arg14[%dma_start3A_112, %dma_start3A_113] : memref<10000x64xi32, #tpu.memory_space<vmem_shared>> -> memref<10000x64xi32, #tpu.memory_space<vmem_shared>>
          tpu.enqueue_indirect_dma source(%dma_start3A_114 : memref<10000x64xi32, #tpu.memory_space<vmem_shared>>) target(%dma_start3A_110 : memref<80x64xi32, #tpu.memory_space<vmem>>) offsets(%dma_start3A_111 : memref<80xi32, #tpu.memory_space<vmem>>) semaphore(%arg16 : memref<!tpu.dma_semaphore, #tpu.memory_space<semaphore_mem>>)
        } else {
        }
      } else {
      }
    }
    %scan3A_32 = arith.constant 63 : i32
    "tpu.region"() ({
      %run_scoped3A = tpu.sem_alloc : memref<!tpu.dma_semaphore, #tpu.memory_space<semaphore_mem>>
      %dma_start3A_33 = tpu.memref_slice %arg5[%mul3A_2] : memref<320000xf32, #tpu.memory_space<hbm>> -> memref<10000xf32, #tpu.memory_space<hbm>>
      %dma_start3A_34 = tpu.memref_slice %arg5[%mul3A_2] : memref<320000xf32, #tpu.memory_space<hbm>> -> memref<10000xf32, #tpu.memory_space<hbm>>
      tpu.enqueue_dma source(%arg12 : memref<10000xf32, #tpu.memory_space<vmem>>) target(%dma_start3A_34 : memref<10000xf32, #tpu.memory_space<hbm>>) target_semaphore(%run_scoped3A : memref<!tpu.dma_semaphore, #tpu.memory_space<semaphore_mem>>)
      %dma_wait3A = tpu.memref_slice %arg5[%mul3A_2] : memref<320000xf32, #tpu.memory_space<hbm>> -> memref<10000xf32, #tpu.memory_space<hbm>>
      %dma_wait3A_35 = tpu.memref_slice %arg5[%mul3A_2] : memref<320000xf32, #tpu.memory_space<hbm>> -> memref<10000xf32, #tpu.memory_space<hbm>>
      tpu.wait_dma2 semaphore(%run_scoped3A : memref<!tpu.dma_semaphore, #tpu.memory_space<semaphore_mem>>) src(%arg12 : memref<10000xf32, #tpu.memory_space<vmem>>) dst(%dma_wait3A_35 : memref<10000xf32, #tpu.memory_space<hbm>>)
      tpu.yield
    }) : () -> ()
    return
  }
}

</mosaic_0001>

<sc_bundles>
// kernel: kernel.3.cloned.1.call-start
scs
__scs_entry_jumppad:
0x0: {  	(pc) =	sbr.rel $0x88, $3  }
0x1: {  	(tag) =	ssettag $0x0;
	lr =	simm.s32 $0x1  }
0x2: {  	[smem:$0x3F9F] =	sst lr;
	_ =	strace $0xD0000000  }
0x3: {  	_ = 	snop  }
0x4: {  	_ = 	snop  }
0x5: {  	_ = 	snop  }
0x6: {  	_ = 	snop  }
0x7: {  	_ = 	snop  }
__scs_overlays_trampoline_lowered:
0x8: {  	[smem:$0x3FAE] =	sst s0  }
0x9: {  	[smem:$0x3FAF] =	sst s1  }
0xa: {  	[smem:$0x3FB0] =	sst s2  }
0xb: {  	[smem:$0x3FB1] =	sst s3  }
0xc: {  	[smem:$0x3FB2] =	sst s4  }
0xd: {  	[smem:$0x3FB3] =	sst s5  }
0xe: {  	[smem:$0x3FB4] =	sst s6  }
0xf: {  	[smem:$0x3FB5] =	sst s7  }
0x10: {  	[smem:$0x3FB6] =	sst s8  }
0x11: {  	[smem:$0x3FB7] =	sst s9;
	s0 =	simm.s32 @!p0 $0x0  }
0x12: {  	s1 =	sld [smem:$0x3F9D];
	s0 =	simm.s32 @p0 $0x1  }
0x13: {  	[smem:$0x3FB8] =	sst s0;
	s0 =	simm.s32 @!p1 $0x0  }
0x14: {  	s2 =	sld [smem:$0x3F9C];
	s0 =	simm.s32 @p1 $0x1  }
0x15: {  	[smem:$0x3FB9] =	sst s0;
	s0 =	simm.s32 @!p2 $0x0  }
0x16: {  	s3 =	sld [smem:$0x3FDB];
	s0 =	simm.s32 @p2 $0x1  }
0x17: {  	s4 =	simm.s32 $0x1BF5;
	[smem:$0x3FBB] =	sst s0  }
0x18: {  	s0 =	sld [smem:$0x3F9E];
	_ =	swait.ge [sflag:s4], $0x0  }
0x19: {  	s7 =	sld [smem:$0x3F9F]  }
0x1a: {  	s8 =	sadd.s32 $0xFFFFE003, lr  }
0x1b: {  	s9 =	sadd.s32 $0xFFFFFEF7, lr;
	s5 =	simm.s32 $0xFFFFFFFF;
	p2 =	slt.u32 s8, $0xFFFFF086  }
0x1c: {  	p1 =	slt.u32 s9, $0xF7A;
	s5 =	simm.s32 @!p2 $0x0  }
0x1d: {  	s5 =	simm.s32 @p1 $0x1;
	p0 =	seq.s32 s7, s2  }
0x1e: {  	s7 =	smul.u32 @!p0 $0xF7A, s2;
	p2 =	seq.s32 @!p0 s5, $0x0  }
0x1f: {  	s9 =	smul.u32 $0xF7A, s1;
	s8 =	simm.s32 @!p0 $0x1BF5;
	p2 =	por !p2, p0  }
0x20: {  	[sflag:s8] =	ssyncset.s32 @!p0 $0xFFFFF086;
	s6 =	sadd.s32 @!p0 s3, s7;
	s7 =	simm.s32 @!p0 $0x108  }
0x21: {  	s3 =	sadd.s32 s3, s9;
	s6 =	sadd.s32 @!p0 $0x88, s6;
	s7 =	simm.s32 @p2 $0x1082  }
0x22: {  	[simem:s7], [sflag:s8] =	dma.local @!p0 [hbm:s6], $0xF7A  }
0x23: {  	s9 =	sor.u32 $0xD0000000, s2;
	s6 =	simm.s32 $0x108;
	_ =	swait.ge @!p0 [sflag:s8], $0x0  }
0x24: {  	s3 =	sadd.s32 $0x88, s3;
	s6 =	simm.s32 @!p1 $0x1082;
	[sflag:s4] =	ssyncset.s32 $0xFFFFF086  }
0x25: {  	[simem:s6], [sflag:s4] =	dma.local [hbm:s3], $0xF7A  }
0x26: {  	[smem:$0x3F9F] =	sst s1;
	(tag) =	ssettag s2;
	_ =	strace s9  }
0x27: {  	s1 =	sld [smem:$0x3FAF]  }
0x28: {  	s2 =	sld [smem:$0x3FB0]  }
0x29: {  	s4 =	sld [smem:$0x3FB2]  }
0x2a: {  	p0 =	seq.s32 s5, $0x0;
	s5 =	sld [smem:$0x3FB3]  }
0x2b: {  	s6 =	sld [smem:$0x3FB4]  }
0x2c: {  	s7 =	sld [smem:$0x3FB5]  }
0x2d: {  	s3 =	simm.s32 $0x108;
	s8 =	sld [smem:$0x3FB6]  }
0x2e: {  	s3 =	simm.s32 @!p0 $0x1082;
	s9 =	sld [smem:$0x3FB7]  }
0x2f: {  	lr =	sadd.s32 s0, s3;
	s0 =	sld [smem:$0x3FAE]  }
0x30: {  	s3 =	sld [smem:$0x3FB1]  }
0x31: {  	[smem:$0x3FBA] =	sst s10  }
0x32: {  	s10 =	sld [smem:$0x3FB8];
	_ =	sdelay $0x3  }
0x33: {  	p0 =	seq.s32 s10, $0x1;
	s10 =	sld [smem:$0x3FBA];
	_ =	sdelay $0x3  }
0x34: {  	[smem:$0x3FBA] =	sst s10  }
0x35: {  	s10 =	sld [smem:$0x3FB9];
	_ =	sdelay $0x3  }
0x36: {  	p1 =	seq.s32 s10, $0x1;
	s10 =	sld [smem:$0x3FBA];
	_ =	sdelay $0x3  }
0x37: {  	[smem:$0x3FBA] =	sst s10  }
0x38: {  	s10 =	sld [smem:$0x3FBB]  }
0x39: {  	_ = 	snop;
	(pc) =	sbr.ind lr, $3  }
0x3a: {  	_ = 	snop  }
0x3b: {  	_ = 	snop  }
0x3c: {  	p2 =	seq.s32 s10, $0x1;
	s10 =	sld [smem:$0x3FBA]  }
0x3d: {  	_ =	shalt  }
0x3e: {  	_ =	shalt  }
0x3f: {  	_ =	shalt  }
0x40: {  	_ =	shalt  }
0x41: {  	_ =	shalt  }
0x42: {  	_ =	shalt  }
0x43: {  	_ =	shalt  }
0x44: {  	_ =	shalt  }
0x45: {  	_ =	shalt  }
0x46: {  	_ =	shalt  }
0x47: {  	_ =	shalt  }
0x48: {  	_ =	shalt  }
0x49: {  	_ =	shalt  }
0x4a: {  	_ =	shalt  }
0x4b: {  	_ =	shalt  }
0x4c: {  	_ =	shalt  }
0x4d: {  	_ =	shalt  }
0x4e: {  	_ =	shalt  }
0x4f: {  	_ =	shalt  }
0x50: {  	_ =	shalt  }
0x51: {  	_ =	shalt  }
0x52: {  	_ =	shalt  }
0x53: {  	_ =	shalt  }
0x54: {  	_ =	shalt  }
0x55: {  	_ =	shalt  }
0x56: {  	_ =	shalt  }
0x57: {  	_ =	shalt  }
0x58: {  	_ =	shalt  }
0x59: {  	_ =	shalt  }
0x5a: {  	_ =	shalt  }
0x5b: {  	_ =	shalt  }
0x5c: {  	_ =	shalt  }
0x5d: {  	_ =	shalt  }
0x5e: {  	_ =	shalt  }
0x5f: {  	_ =	shalt  }
0x60: {  	_ =	shalt  }
0x61: {  	_ =	shalt  }
0x62: {  	_ =	shalt  }
0x63: {  	_ =	shalt  }
0x64: {  	_ =	shalt  }
0x65: {  	_ =	shalt  }
0x66: {  	_ =	shalt  }
0x67: {  	_ =	shalt  }
0x68: {  	_ =	shalt  }
0x69: {  	_ =	shalt  }
0x6a: {  	_ =	shalt  }
0x6b: {  	_ =	shalt  }
0x6c: {  	_ =	shalt  }
0x6d: {  	_ =	shalt  }
0x6e: {  	_ =	shalt  }
0x6f: {  	_ =	shalt  }
0x70: {  	_ =	shalt  }
0x71: {  	_ =	shalt  }
0x72: {  	_ =	shalt  }
0x73: {  	_ =	shalt  }
0x74: {  	_ =	shalt  }
0x75: {  	_ =	shalt  }
0x76: {  	_ =	shalt  }
0x77: {  	_ =	shalt  }
0x78: {  	_ =	shalt  }
0x79: {  	_ =	shalt  }
0x7a: {  	_ =	shalt  }
0x7b: {  	_ =	shalt  }
0x7c: {  	_ =	shalt  }
0x7d: {  	_ =	shalt  }
0x7e: {  	_ =	shalt  }
0x7f: {  	_ =	shalt  }
0x80: {  	_ =	shalt  }
0x81: {  	_ =	shalt  }
0x82: {  	_ =	shalt  }
0x83: {  	_ =	shalt  }
0x84: {  	_ =	shalt  }
0x85: {  	_ =	shalt  }
0x86: {  	_ =	shalt  }
0x87: {  	_ =	shalt  }
.Lfunc_end0:
.L_simem_size_0:
called_computation_lowered:
.L_overlay_start_0:
0x88: {  	s2 =	sld [smem:$0x3FD9]  }
0x89: {  	s3 =	sld [smem:$0x3FFE];
	_ =	sdelay $0x1  }
0x8a: {  	s1 =	srdreg.scid  }
0x8b: {  	s0 =	sand.u32 $0x1, s1  }
0x8c: {  	s17 =	sshll.u32 s0, $0xA;
	s2 =	sadd.s32 s3, s2  }
0x8d: {  	s2 =	sadd.s32 s2, s17  }
0x8e: {  	[smem:$0x3FC6] =	sst s2  }
0x8f: {  	_ = 	snop  }
0x90: {  	s2 =	sld [smem:$0x3FC9]  }
0x91: {  	s18 =	sld [smem:$0x3FD0];
	(tm) =	ssettm $0x1  }
0x92: {  	s4 =	sld [smem:$0x3FFB];
	_ =	sdelay $0x3  }
0x93: {  	_ =	strace s4  }
0x94: {  	s4 =	sld [smem:$0x3FFC];
	_ =	sdelay $0x3  }
0x95: {  	_ =	strace s4  }
0x96: {  	s4 =	sld [smem:$0x3FFD];
	_ =	sdelay $0x3  }
0x97: {  	_ =	strace s4  }
0x98: {  	_ =	strace $0x8FFFFFFF  }
0x99: {  	s19 =	sld [smem:$0x3FDB];
	_ =	sdelay $0x1  }
0x9a: {  	s5 =	simm.s32 $_scs_section_size  }
0x9b: {  	s6 =	simm.s32 $_size__tile_overlayer_lowered;
	s7 =	simm.s32 $_tile_overlayer_lowered  }
0x9c: {  	s22 =	simm.s32 $0x1BFF;
	s21 =	sshll.u32 s7, $0x1;
	s4 =	sadd.s32 s5, s19  }
0x9d: {  	s8 =	simm.s32 $0x0;
	s20 =	sshll.u32 s6, $0x1;
	s6 =	sadd.s32 s21, s4  }
0x9e: {  	[timem:s8], [sflag:s22] =	dma.local [hbm:s6], s20  }
0x9f: {  	_ =	swait.ge [sflag:s22], s20  }
0xa0: {  	s5 =	ssub.s32 $0x0, s20;
	[sflag:s22] =	ssyncset.done $0x0  }
0xa1: {  	[sflag:s22] =	ssyncadd.s32 s5;
	_ =	sdelay $0x1  }
0xa2: {  	s23 =	simm.s32 $0x1B8B  }
0xa3: {  	_ =	swait.ge [sflag:s23], $0x1  }
0xa4: {  	[sflag:s23] =	ssyncset.done $0x0  }
0xa5: {  	s25 =	simm.s32 $0x1B8E;
	s24 =	sld [smem:$0x3FFE];
	[sflag:s23] =	ssyncadd.s32 $0xFFFFFFFF  }
0xa6: {  	s26 =	simm.s32 $execute0_lowered;
	[smem:$0x3FD2] =	sst s25  }
0xa7: {  	s6 =	sshll.u32 s26, $0x1;
	_ =	strace $0x80000046;
	[dreg:$0x1] =	wrdreg $0xFFFFFFFF  }
0xa8: {  	s28 =	simm.s32 $_size_execute0_lowered;
	s4 =	sadd.s32 s4, s6;
	[dreg:$0x0] =	wrdreg $0x0  }
0xa9: {  	s6 =	sshll.u32 s28, $0x1;
	[dreg:$0x2] =	wrdreg s4  }
0xaa: {  	[dreg:$0x3] =	wrdreg s6  }
0xab: {  	[dreg:$0x4] =	wrdreg $0xC0  }
0xac: {  	_ =	task [dreg:s8], $0x5FFFF  }
0xad: {  	[dreg:$0x1] =	wrdreg $0xFFFFFFFF  }
0xae: {  	[dreg:$0x0] =	wrdreg $0x60  }
0xaf: {  	[dreg:$0x2] =	wrdreg s2  }
0xb0: {  	[dreg:$0x3] =	wrdreg s24  }
0xb1: {  	[dreg:$0x4] =	wrdreg s18  }
0xb2: {  	[dreg:$0x5] =	wrdreg $0x13D300  }
0xb3: {  	[dreg:$0x6] =	wrdreg $0x9  }
0xb4: {  	_ =	task.clear_ibuf [dreg:s8], $0x7FFFF;
	_ =	strace $0x90000046  }
0xb5: {  	s29 =	simm.s32 $0x9;
	_ =	strace $0x80000048  }
0xb6: {  	_ =	swait.ge [sflag:s29], $0x1  }
0xb7: {  	[sflag:s29] =	ssyncadd.s32 $0xFFFFFFFF  }
0xb8: {  	_ =	strace $0x90000048  }
0xb9: {  	_ =	sfence  }
0xba: {  	s30 =	sld [smem:$0x0];
	_ =	sdelay $0x2  }
0xbb: {  	s31 =	sshll.u32 s1, $0xD;
	s1 =	sshrl.u32 s1, $0x2  }
0xbc: {  	s3 =	sand.u32 $0x4000, s31;
	s1 =	sadd.s32 s1, s30  }
0xbd: {  	s0 =	sor.u32 s3, s0;
	s1 =	sshll.u32 s1, $0x11  }
0xbe: {  	s0 =	sor.u32 s1, s0  }
0xbf: {  	s0 =	sadd.s32 $0x8F2B, s0  }
0xc0: {  	[sflag:s0] =	ssyncadd.remote.s32 $0x1  }
0xc1: {  	_ =	sfence.sel $0xFFFF  }
0xc2: {  	[dreg:$0x0] =	wrdreg $0xFFFFFFFF;
	(pc) =	sbr.abs _section_cstart, $3  }
0xc3: {  	[dreg:$0x1] =	wrdreg $0xFFFFFFFF  }
0xc4: {  	_ =	task.clear_ibuf [dreg:s8], $0x2FFFF;
	_ =	strace $0x9FFFFFFF  }
0xc5: {  	(tm) =	ssettm $0x7FFFFFFF  }
tec
execute0_lowered:
.L_overlay_start_1:
0x0: {  	(tag) =	ssettag $0x1  }
0x1: {  	s1 =	rddreg [dreg:$0x0]  }
0x2: {  	s0 =	rddreg [dreg:$0x1]  }
0x3: {  	s2 =	rddreg [dreg:$0x2];
	s4 =	srdreg.scid  }
0x4: {  	s10 =	stileid.u32;
	s3 =	rddreg [dreg:$0x3];
	s12 =	simm.s32 $0x11530  }
0x5: {  	s13 =	simm.s32 $0x4E20;
	s14 =	simm.s32 $0xA0;
	s15 =	simm.s32 $0x9E20  }
0x6: {  	s16 =	simm.s32 $0x7620;
	s18 =	simm.s32 $0xC620;
	s19 =	simm.s32 $0x2  }
0x7: {  	s21 =	simm.s32 $0x1;
	s5 =	sand.u32 $0x1, s4;
	s30 =	sshll.u32 s10, $0x1  }
0x8: {  	s22 =	simm.s32 $0x50;
	s23 =	simm.s32 $0x26C0;
	s6 =	sor.u32 s5, s30  }
0x9: {  	v0 =	vlaneseq.u32;
	s24 =	simm.s32 $0x4DD0;
	s25 =	simm.s32 $0x0;
	s8 =	smul.u32 $0x4E2, s6  }
.Ltmp0:
0xa: {  	s4 =	simm.s32 $0x0;
	v1 =	vmul.u32 $0x2, v0;
	s5 =	ssub.s32 $0x2, s5;
	(pc) =	sbr.rel .LBB2_1-.Ltmp0, $4  }
0xb: {  	s7 =	smul.u32 $0x280, s10;
	p0 =	seq.s32 s10, $0xF;
	s31 =	sshrl.u32 s5, $0x1  }
0xc: {  	v9 =	vmul.u32 $0x40, v0;
	v10 =	vand.u32 $0x7, v0;
	[smem:$0x7FF] =	sst s4;
	v2 =	vor.u32 $0x1, v1;
	s9 =	ssub.s32 s5, s31;
	s5 =	sadd.s32 s0, s8  }
0xd: {  	s10 =	simm.s32 $0x3;
	_ =	strace $0x80000047;
	v3 =	vor.u32 $0x20, v1;
	v4 =	vor.u32 $0x21, v1;
	v5 =	vor.u32 $0x40, v1;
	s0 =	sadd.s32 $0x9E00, s5  }
0xe: {  	v6 =	vor.u32 $0x41, v1;
	v7 =	vor.u32 $0x60, v1;
	v8 =	vor.u32 $0x61, v1;
	s8 =	sadd.s32 s2, s8;
	s9 =	smax.u32 s9, $0x1;
	[dreg:$0x5] =	wrdreg s0  }
.LBB2_35:
0xf: {  	s25 =	sadd.s32 $0x1, s25  }
0x10: {  	p1 =	sne.s32 s25, s9  }
.Ltmp1:
0x11: {  	s0 =	simm.s32 $0xEE20;
	(pc) =	sbr.rel @!p1 .LBB2_36-.Ltmp1, $4  }
0x12: {  	[hbm4b:s8+s4] =	stream.linear.scatter [tilespmem:s0], [sflag:$0x3], $0x2710, $0x38;
	[tilespmem:$0x1D970] =	vst v63  }
0x13: {  	_ =	swait.ge [sflag:s10], $0x2710  }
0x14: {  	[sflag:s10] =	ssyncset.done $0x0  }
0x15: {  	[sflag:s10] =	ssyncadd.s32 $0xFFFFD8F0  }
.LBB2_1:
0x16: {  	s0 =	rddreg [dreg:$0x5]  }
0x17: {  	[tilespmem:s4], [sflag:$0x3] =	stream.linear.gather [hbm4b:s0+s4], $0x2710, $0x38;
	[tilespmem:$0x1D970] =	vst v63  }
0x18: {  	_ =	swait.ge [sflag:s10], $0x2710  }
0x19: {  	[sflag:s10] =	ssyncset.done $0x0  }
.Ltmp2:
0x1a: {  	s31 =	simm.s32 $0x2710;
	[sflag:s10] =	ssyncadd.s32 $0xFFFFD8F0;
	(pc) =	sbr.rel @!p0 .LBB2_2-.Ltmp2, $4  }
0x1b: {  	[tilespmem:s31], [sflag:$0x3] =	stream.linear.gather [hbm4b:s5+s4], $0x2710, $0x38;
	[tilespmem:$0x1D970] =	vst v63  }
0x1c: {  	_ =	swait.ge [sflag:s10], $0x2710  }
0x1d: {  	[sflag:s10] =	ssyncset.done $0x0  }
0x1e: {  	s2 =	simm.s32 $0x0;
	s0 =	simm.s32 $0x0;
	[sflag:s10] =	ssyncadd.s32 $0xFFFFD8F0  }
.LBB2_5:
0x1f: {  	s0 =	smul.u32 $0x50, s2;
	_ =	sdelay $0x1  }
0x20: {  	s0 =	sadd.s32 $0x2580, s0  }
0x21: {  	s28 =	simm.s32 $0x0;
	s26 =	sshll.u32 s0, $0x4  }
0x22: {  	s29 =	simm.s32 $0x0;
	v11 =	vor.u32 s28, v1;
	s26 =	sadd.s32 s1, s26  }
0x23: {  	v12 =	vor.u32 s28, v2;
	[tilespmem:s12], [sflag:$0x3] =	stream.linear.gather [hbm4b:s26+s29], $0x2800, $0x38;
	[tilespmem:$0x1D970] =	vst v63  }
0x24: {  	_ =	swait.ge [sflag:s10], $0x2800  }
0x25: {  	[sflag:s10] =	ssyncset.done $0x0  }
0x26: {  	[sflag:s10] =	ssyncadd.s32 $0xFFFFD800  }
0x27: {  	v11 =	vld.idx.msk [tilespmem:v11+s12+$0x0], $0xffff  }
0x28: {  	v12 =	vld.idx.msk [tilespmem:v12+s12+$0x0], $0xffff;
	_ =	sdelay $0x1  }
0x29: {  	v13 =	vor.u32 s28, v3  }
0x2a: {  	v14 =	vor.u32 s28, v4;
	_ =	sdelay $0x1  }
0x2b: {  	s26 =	simm.s32 $0x4E40;
	v11 =	vpack.i.f32.bf16 v12, v11  }
0x2c: {  	[tilespmem:s26+$0xFFFFFFE0] =	vst v11  }
0x2d: {  	v11 =	vld.idx.msk [tilespmem:v13+s12+$0x0], $0xffff  }
0x2e: {  	v12 =	vld.idx.msk [tilespmem:v14+s12+$0x0], $0xffff;
	_ =	sdelay $0x1  }
0x2f: {  	v13 =	vor.u32 s28, v5  }
0x30: {  	v14 =	vor.u32 s28, v6;
	_ =	sdelay $0x1  }
0x31: {  	v11 =	vpack.i.f32.bf16 v12, v11  }
0x32: {  	[tilespmem:s26+$0xFFFFFFF0] =	vst v11  }
0x33: {  	v11 =	vld.idx.msk [tilespmem:v13+s12+$0x0], $0xffff  }
0x34: {  	v12 =	vld.idx.msk [tilespmem:v14+s12+$0x0], $0xffff;
	_ =	sdelay $0x1  }
0x35: {  	v13 =	vor.u32 s28, v7  }
0x36: {  	v14 =	vor.u32 s28, v8;
	_ =	sdelay $0x1  }
0x37: {  	v11 =	vpack.i.f32.bf16 v12, v11  }
0x38: {  	[tilespmem:s26+$0x0] =	vst v11  }
0x39: {  	v11 =	vld.idx.msk [tilespmem:v13+s12+$0x0], $0xffff  }
0x3a: {  	s30 =	simm.s32 $0x2;
	s29 =	simm.s32 $0x4E40;
	s28 =	simm.s32 $0x80;
	v12 =	vld.idx.msk [tilespmem:v14+s12+$0x0], $0xffff  }
.LBB2_6:
0x3b: {  	p1 =	sne.s32 s30, $0x4F  }
0x3c: {  	v13 =	vor.u32 s28, v1;
	v14 =	vor.u32 s28, v2;
	s26 =	sadd.s32 $0x40, s26;
	s31 =	smov.u32 s30;
	s30 =	sadd.s32 $0x1, s30  }
0x3d: {  	_ =	sdelay $0x1  }
0x3e: {  	v11 =	vpack.i.f32.bf16 v12, v11  }
0x3f: {  	[tilespmem:s29+$0x10] =	vst v11;
	s29 =	smov.u32 s26  }
0x40: {  	v11 =	vld.idx.msk [tilespmem:v13+s12+$0x0], $0xffff  }
0x41: {  	v12 =	vld.idx.msk [tilespmem:v14+s12+$0x0], $0xffff;
	_ =	sdelay $0x2  }
0x42: {  	v13 =	vor.u32 s28, v3;
	v14 =	vor.u32 s28, v4;
	_ =	sdelay $0x2  }
0x43: {  	v11 =	vpack.i.f32.bf16 v12, v11  }
0x44: {  	[tilespmem:s26+$0xFFFFFFE0] =	vst v11  }
0x45: {  	v11 =	vld.idx.msk [tilespmem:v13+s12+$0x0], $0xffff  }
0x46: {  	v12 =	vld.idx.msk [tilespmem:v14+s12+$0x0], $0xffff;
	_ =	sdelay $0x2  }
0x47: {  	v13 =	vor.u32 s28, v5;
	v14 =	vor.u32 s28, v6;
	_ =	sdelay $0x2  }
0x48: {  	v11 =	vpack.i.f32.bf16 v12, v11  }
0x49: {  	[tilespmem:s26+$0xFFFFFFF0] =	vst v11  }
0x4a: {  	v11 =	vld.idx.msk [tilespmem:v13+s12+$0x0], $0xffff  }
0x4b: {  	v12 =	vld.idx.msk [tilespmem:v14+s12+$0x0], $0xffff;
	_ =	sdelay $0x2  }
0x4c: {  	v13 =	vor.u32 s28, v7;
	v14 =	vor.u32 s28, v8;
	_ =	sdelay $0x2  }
0x4d: {  	v11 =	vpack.i.f32.bf16 v12, v11  }
.Ltmp3:
0x4e: {  	[tilespmem:s26+$0x0] =	vst v11;
	(pc) =	sbr.rel @p1 .LBB2_6-.Ltmp3, $3  }
0x4f: {  	v11 =	vld.idx.msk [tilespmem:v13+s12+$0x0], $0xffff  }
0x50: {  	v12 =	vld.idx.msk [tilespmem:v14+s12+$0x0], $0xffff;
	_ =	sdelay $0x1  }
0x51: {  	s28 =	sshll.u32 s31, $0x7  }
0x52: {  	v13 =	vor.u32 s28, v1  }
0x53: {  	v14 =	vor.u32 s28, v2;
	_ =	sdelay $0x1  }
0x54: {  	v11 =	vpack.i.f32.bf16 v12, v11  }
0x55: {  	[tilespmem:s29+$0x10] =	vst v11  }
0x56: {  	v11 =	vld.idx.msk [tilespmem:v13+s12+$0x0], $0xffff  }
0x57: {  	v54 =	vld.idx.msk [tilespmem:v14+s12+$0x0], $0xffff;
	_ =	sdelay $0x1  }
0x58: {  	v55 =	vor.u32 s28, v3  }
0x59: {  	v56 =	vor.u32 s28, v4;
	_ =	sdelay $0x1  }
0x5a: {  	s26 =	sadd.s32 $0x40, s26;
	v11 =	vpack.i.f32.bf16 v54, v11  }
0x5b: {  	[tilespmem:s26+$0xFFFFFFE0] =	vst v11  }
0x5c: {  	v11 =	vld.idx.msk [tilespmem:v55+s12+$0x0], $0xffff  }
0x5d: {  	v57 =	vld.idx.msk [tilespmem:v56+s12+$0x0], $0xffff;
	_ =	sdelay $0x1  }
0x5e: {  	v58 =	vor.u32 s28, v5  }
0x5f: {  	v59 =	vor.u32 s28, v6;
	_ =	sdelay $0x1  }
0x60: {  	v11 =	vpack.i.f32.bf16 v57, v11  }
0x61: {  	[tilespmem:s26+$0xFFFFFFF0] =	vst v11  }
0x62: {  	v11 =	vld.idx.msk [tilespmem:v58+s12+$0x0], $0xffff  }
0x63: {  	v60 =	vld.idx.msk [tilespmem:v59+s12+$0x0], $0xffff;
	_ =	sdelay $0x1  }
0x64: {  	v61 =	vor.u32 s28, v7  }
0x65: {  	v62 =	vor.u32 s28, v8;
	_ =	sdelay $0x1  }
0x66: {  	v11 =	vpack.i.f32.bf16 v60, v11  }
0x67: {  	[tilespmem:s26+$0x0] =	vst v11  }
0x68: {  	v11 =	vld.idx.msk [tilespmem:v61+s12+$0x0], $0xffff  }
0x69: {  	v63 =	vld.idx.msk [tilespmem:v62+s12+$0x0], $0xffff;
	_ =	sdelay $0x3  }
0x6a: {  	s0 =	sshll.u32 s0, $0x6  }
0x6b: {  	s2 =	sadd.s32 $0x1, s2;
	s0 =	sand.u32 $0x3FFFFFC0, s0;
	v11 =	vpack.i.f32.bf16 v63, v11  }
0x6c: {  	p1 =	sne.s32 s2, $0x5;
	s0 =	sadd.s32 s0, s3;
	[tilespmem:s26+$0x10] =	vst v11  }
0x6d: {  	[spmem:s0] =	stream.linear.scatter [tilespmem:s13], [sflag:$0x3], $0x1400, $0x38;
	[tilespmem:$0x1D970] =	vst v63  }
.Ltmp4:
0x6e: {  	_ = 	snop;
	(pc) =	sbr.rel @p1 .LBB2_5-.Ltmp4, $4  }
.Ltmp5:
0x6f: {  	_ = 	snop;
	(pc) =	sbr.rel @!p1 .LBB2_8-.Ltmp5, $4  }
0x70: {  	_ =	swait.ge [sflag:s10], $0x1400  }
0x71: {  	[sflag:s10] =	ssyncset.done $0x0  }
0x72: {  	[sflag:s10] =	ssyncadd.s32 $0xFFFFEC00  }
0x73: {  	_ = 	snop  }
.LBB2_2:
0x74: {  	s2 =	smul.u32 $0x50, s0;
	_ =	sdelay $0x1  }
0x75: {  	s2 =	sadd.s32 s7, s2  }
0x76: {  	s28 =	simm.s32 $0x0;
	s26 =	sshll.u32 s2, $0x4  }
0x77: {  	s29 =	simm.s32 $0x0;
	v11 =	vor.u32 s28, v1;
	s26 =	sadd.s32 s1, s26  }
0x78: {  	v12 =	vor.u32 s28, v2;
	[tilespmem:s12], [sflag:$0x3] =	stream.linear.gather [hbm4b:s26+s29], $0x2800, $0x38;
	[tilespmem:$0x1D970] =	vst v63  }
0x79: {  	_ =	swait.ge [sflag:s10], $0x2800  }
0x7a: {  	[sflag:s10] =	ssyncset.done $0x0  }
0x7b: {  	[sflag:s10] =	ssyncadd.s32 $0xFFFFD800  }
0x7c: {  	v11 =	vld.idx.msk [tilespmem:v11+s12+$0x0], $0xffff  }
0x7d: {  	v12 =	vld.idx.msk [tilespmem:v12+s12+$0x0], $0xffff;
	_ =	sdelay $0x1  }
0x7e: {  	v13 =	vor.u32 s28, v3  }
0x7f: {  	v14 =	vor.u32 s28, v4;
	_ =	sdelay $0x1  }
0x80: {  	s26 =	simm.s32 $0x4E40;
	v11 =	vpack.i.f32.bf16 v12, v11  }
0x81: {  	[tilespmem:s26+$0xFFFFFFE0] =	vst v11  }
0x82: {  	v11 =	vld.idx.msk [tilespmem:v13+s12+$0x0], $0xffff  }
0x83: {  	v12 =	vld.idx.msk [tilespmem:v14+s12+$0x0], $0xffff;
	_ =	sdelay $0x1  }
0x84: {  	v13 =	vor.u32 s28, v5  }
0x85: {  	v14 =	vor.u32 s28, v6;
	_ =	sdelay $0x1  }
0x86: {  	v11 =	vpack.i.f32.bf16 v12, v11  }
0x87: {  	[tilespmem:s26+$0xFFFFFFF0] =	vst v11  }
0x88: {  	v11 =	vld.idx.msk [tilespmem:v13+s12+$0x0], $0xffff  }
0x89: {  	v12 =	vld.idx.msk [tilespmem:v14+s12+$0x0], $0xffff;
	_ =	sdelay $0x1  }
0x8a: {  	v13 =	vor.u32 s28, v7  }
0x8b: {  	v14 =	vor.u32 s28, v8;
	_ =	sdelay $0x1  }
0x8c: {  	v11 =	vpack.i.f32.bf16 v12, v11  }
0x8d: {  	[tilespmem:s26+$0x0] =	vst v11  }
0x8e: {  	v11 =	vld.idx.msk [tilespmem:v13+s12+$0x0], $0xffff  }
0x8f: {  	s30 =	simm.s32 $0x2;
	s29 =	simm.s32 $0x4E40;
	s28 =	simm.s32 $0x80;
	v12 =	vld.idx.msk [tilespmem:v14+s12+$0x0], $0xffff  }
.LBB2_3:
0x90: {  	p1 =	sne.s32 s30, $0x4F  }
0x91: {  	v13 =	vor.u32 s28, v1;
	v14 =	vor.u32 s28, v2;
	s26 =	sadd.s32 $0x40, s26;
	s31 =	smov.u32 s30;
	s30 =	sadd.s32 $0x1, s30  }
0x92: {  	_ =	sdelay $0x1  }
0x93: {  	v11 =	vpack.i.f32.bf16 v12, v11  }
0x94: {  	[tilespmem:s29+$0x10] =	vst v11;
	s29 =	smov.u32 s26  }
0x95: {  	v11 =	vld.idx.msk [tilespmem:v13+s12+$0x0], $0xffff  }
0x96: {  	v12 =	vld.idx.msk [tilespmem:v14+s12+$0x0], $0xffff;
	_ =	sdelay $0x2  }
0x97: {  	v13 =	vor.u32 s28, v3;
	v14 =	vor.u32 s28, v4;
	_ =	sdelay $0x2  }
0x98: {  	v11 =	vpack.i.f32.bf16 v12, v11  }
0x99: {  	[tilespmem:s26+$0xFFFFFFE0] =	vst v11  }
0x9a: {  	v11 =	vld.idx.msk [tilespmem:v13+s12+$0x0], $0xffff  }
0x9b: {  	v12 =	vld.idx.msk [tilespmem:v14+s12+$0x0], $0xffff;
	_ =	sdelay $0x2  }
0x9c: {  	v13 =	vor.u32 s28, v5;
	v14 =	vor.u32 s28, v6;
	_ =	sdelay $0x2  }
0x9d: {  	v11 =	vpack.i.f32.bf16 v12, v11  }
0x9e: {  	[tilespmem:s26+$0xFFFFFFF0] =	vst v11  }
0x9f: {  	v11 =	vld.idx.msk [tilespmem:v13+s12+$0x0], $0xffff  }
0xa0: {  	v12 =	vld.idx.msk [tilespmem:v14+s12+$0x0], $0xffff;
	_ =	sdelay $0x2  }
0xa1: {  	v13 =	vor.u32 s28, v7;
	v14 =	vor.u32 s28, v8;
	_ =	sdelay $0x2  }
0xa2: {  	v11 =	vpack.i.f32.bf16 v12, v11  }
.Ltmp6:
0xa3: {  	[tilespmem:s26+$0x0] =	vst v11;
	(pc) =	sbr.rel @p1 .LBB2_3-.Ltmp6, $3  }
0xa4: {  	v11 =	vld.idx.msk [tilespmem:v13+s12+$0x0], $0xffff  }
0xa5: {  	v12 =	vld.idx.msk [tilespmem:v14+s12+$0x0], $0xffff;
	_ =	sdelay $0x1  }
0xa6: {  	s28 =	sshll.u32 s31, $0x7  }
0xa7: {  	v13 =	vor.u32 s28, v1  }
0xa8: {  	v14 =	vor.u32 s28, v2;
	_ =	sdelay $0x1  }
0xa9: {  	v11 =	vpack.i.f32.bf16 v12, v11  }
0xaa: {  	[tilespmem:s29+$0x10] =	vst v11  }
0xab: {  	v11 =	vld.idx.msk [tilespmem:v13+s12+$0x0], $0xffff  }
0xac: {  	v54 =	vld.idx.msk [tilespmem:v14+s12+$0x0], $0xffff;
	_ =	sdelay $0x1  }
0xad: {  	v55 =	vor.u32 s28, v3  }
0xae: {  	v56 =	vor.u32 s28, v4;
	_ =	sdelay $0x1  }
0xaf: {  	s26 =	sadd.s32 $0x40, s26;
	v11 =	vpack.i.f32.bf16 v54, v11  }
0xb0: {  	[tilespmem:s26+$0xFFFFFFE0] =	vst v11  }
0xb1: {  	v11 =	vld.idx.msk [tilespmem:v55+s12+$0x0], $0xffff  }
0xb2: {  	v57 =	vld.idx.msk [tilespmem:v56+s12+$0x0], $0xffff;
	_ =	sdelay $0x1  }
0xb3: {  	v58 =	vor.u32 s28, v5  }
0xb4: {  	v59 =	vor.u32 s28, v6;
	_ =	sdelay $0x1  }
0xb5: {  	v11 =	vpack.i.f32.bf16 v57, v11  }
0xb6: {  	[tilespmem:s26+$0xFFFFFFF0] =	vst v11  }
0xb7: {  	v11 =	vld.idx.msk [tilespmem:v58+s12+$0x0], $0xffff  }
0xb8: {  	v60 =	vld.idx.msk [tilespmem:v59+s12+$0x0], $0xffff;
	_ =	sdelay $0x1  }
0xb9: {  	v61 =	vor.u32 s28, v7  }
0xba: {  	v62 =	vor.u32 s28, v8;
	_ =	sdelay $0x1  }
0xbb: {  	v11 =	vpack.i.f32.bf16 v60, v11  }
0xbc: {  	[tilespmem:s26+$0x0] =	vst v11  }
0xbd: {  	v11 =	vld.idx.msk [tilespmem:v61+s12+$0x0], $0xffff  }
0xbe: {  	v63 =	vld.idx.msk [tilespmem:v62+s12+$0x0], $0xffff;
	_ =	sdelay $0x3  }
0xbf: {  	s2 =	sshll.u32 s2, $0x6;
	s0 =	sadd.s32 $0x1, s0  }
0xc0: {  	s2 =	sand.u32 $0x3FFFFFC0, s2;
	p1 =	seq.s32 s0, $0x8;
	v11 =	vpack.i.f32.bf16 v63, v11  }
.Ltmp7:
0xc1: {  	s2 =	sadd.s32 s2, s3;
	[tilespmem:s26+$0x10] =	vst v11;
	(pc) =	sbr.rel @!p1 .LBB2_2-.Ltmp7, $4  }
0xc2: {  	[spmem:s2] =	stream.linear.scatter [tilespmem:s13], [sflag:$0x3], $0x1400, $0x38;
	[tilespmem:$0x1D970] =	vst v63  }
0xc3: {  	_ =	swait.ge [sflag:s10], $0x1400  }
0xc4: {  	[sflag:s10] =	ssyncset.done $0x0  }
0xc5: {  	[sflag:s10] =	ssyncadd.s32 $0xFFFFEC00  }
.LBB2_8:
0xc6: {  	[bflag:$0x0] =	sbarrier.arrive $0xFFFF;
	s26 =	simm.s32 $0x0  }
0xc7: {  	[tilespmem:s13], [sflag:$0x1] =	stream.indirect.gather [spmem:s3], $0x40, s26, s14, $0xb8;
	[tilespmem:$0x1D970] =	vst v63  }
0xc8: {  	s0 =	simm.s32 $0x2710  }
0xc9: {  	[tilespmem:s15], [sflag:$0x1] =	stream.indirect.gather [spmem:s3], $0x40, s0, s14, $0xb8;
	[tilespmem:$0x1D970] =	vst v63  }
.Ltmp8:
0xca: {  	_ = 	snop;
	(pc) =	sbr.rel .LBB2_9-.Ltmp8, $4  }
0xcb: {  	_ = 	snop  }
0xcc: {  	[tilespmem:s16], [sflag:$0x2] =	stream.indirect.gather [spmem:s3], $0x40, s14, s14, $0xb8;
	[tilespmem:$0x1D970] =	vst v63  }
0xcd: {  	s31 =	simm.s32 $0x27B0  }
0xce: {  	[tilespmem:s18], [sflag:$0x2] =	stream.indirect.gather [spmem:s3], $0x40, s31, s14, $0xb8;
	[tilespmem:$0x1D970] =	vst v63  }
.LBB2_33:
0xcf: {  	s0 =	sadd.s32 $0x2, s26;
	p1 =	sgt.u32 s26, $0x3B  }
0xd0: {  	p2 =	sne.s32 @p1 s0, $0x3E  }
0xd1: {  	p2 =	por p2, !p1  }
0xd2: {  	s2 =	simm.s32 @!p2 $0x50;
	s6 =	simm.s32 @!p2 $0x26C0;
	s11 =	simm.s32 @!p2 $0x7620  }
0xd3: {  	[tilespmem:s11], [sflag:$0x2] =	stream.indirect.gather @!p2 [spmem:s3], $0x40, s6, s2, $0xb8;
	[tilespmem:$0x1D970] =	vst v63  }
0xd4: {  	s0 =	smul.u32 @!p1 $0xA0, s0;
	s6 =	simm.s32 @!p2 $0x4DD0;
	s11 =	simm.s32 @!p2 $0xC620  }
0xd5: {  	[tilespmem:s11], [sflag:$0x2] =	stream.indirect.gather @!p2 [spmem:s3], $0x40, s6, s2, $0xb8;
	[tilespmem:$0x1D970] =	vst v63  }
0xd6: {  	s2 =	simm.s32 @!p1 $0xA0;
	s6 =	simm.s32 @!p1 $0x7620  }
0xd7: {  	[tilespmem:s6], [sflag:$0x2] =	stream.indirect.gather @!p1 [spmem:s3], $0x40, s0, s2, $0xb8;
	[tilespmem:$0x1D970] =	vst v63  }
0xd8: {  	s0 =	sadd.s32 @!p1 $0x2710, s0;
	s6 =	simm.s32 @!p1 $0xC620  }
0xd9: {  	[tilespmem:s6], [sflag:$0x2] =	stream.indirect.gather @!p1 [spmem:s3], $0x40, s0, s2, $0xb8;
	[tilespmem:$0x1D970] =	vst v63  }
.LBB2_34:
0xda: {  	s26 =	sadd.s32 $0x1, s26  }
0xdb: {  	p1 =	sne.s32 s26, $0x3F  }
.Ltmp9:
0xdc: {  	_ = 	snop;
	(pc) =	sbr.rel @!p1 .LBB2_35-.Ltmp9, $1  }
0xdd: {  	_ =	sdelay $0x3  }
.LBB2_9:
0xde: {  	s28 =	sand.u32 $0x1, s26  }
0xdf: {  	p1 =	seq.s32 s28, $0x1  }
.Ltmp10:
0xe0: {  	_ = 	snop;
	(pc) =	sbr.rel @p1 .LBB2_22-.Ltmp10, $1  }
0xe1: {  	_ =	sdelay $0x3  }
0xe2: {  	p1 =	seq.s32 s26, $0x3E  }
.Ltmp11:
0xe3: {  	_ = 	snop;
	(pc) =	sbr.rel @!p1 .LBB2_11-.Ltmp11, $1  }
0xe4: {  	_ =	sdelay $0x3  }
0xe5: {  	_ =	swait.ge [sflag:s21], $0x1400  }
0xe6: {  	[sflag:s21] =	ssyncset.done $0x0  }
0xe7: {  	[sflag:s21] =	ssyncadd.s32 $0xFFFFEC00  }
0xe8: {  	_ =	swait.ge [sflag:s21], $0x1400  }
0xe9: {  	[sflag:s21] =	ssyncset.done $0x0  }
0xea: {  	s29 =	simm.s32 $0x0;
	s30 =	simm.s32 $0x0;
	[sflag:s21] =	ssyncadd.s32 $0xFFFFEC00  }
.LBB2_16:
0xeb: {  	s31 =	sshll.u32 s30, $0x4  }
0xec: {  	s2 =	simm.s32 $0x1;
	v11 =	vmov s31  }
0xed: {  	v17 =	vadd.s32 s2, v0;
	v11 =	vshll.u32 v11, $0x6  }
0xee: {  	v17 =	vand.u32 $0x3F, v17;
	v11 =	vor.u32 v9, v11  }
0xef: {  	v17 =	vor.u32 v11, v17  }
0xf0: {  	s6 =	simm.s32 $0x2;
	v13 =	vor.u32 v0, v11  }
0xf1: {  	s0 =	simm.s32 $0xF;
	v19 =	vadd.s32 s6, v0;
	v15 =	vor.u32 s29, v13  }
0xf2: {  	v14 =	vimm.f32 $0.0e+00;
	s20 =	simm.s32 $0xE;
	s17 =	simm.s32 $0x3;
	v16 =	vadd.s32 s0, v0;
	v19 =	vand.u32 $0x3F, v19  }
0xf3: {  	s11 =	simm.s32 $0xD;
	v18 =	vadd.s32 s20, v0;
	s20 =	simm.s32 $0xC;
	v21 =	vadd.s32 s17, v0;
	v19 =	vor.u32 v11, v19  }
0xf4: {  	v20 =	vadd.s32 s11, v0;
	s6 =	simm.s32 $0xA;
	s17 =	simm.s32 $0xB;
	v22 =	vadd.s32 s20, v0;
	v21 =	vand.u32 $0x3F, v21;
	v30 =	vld.idx.msk [tilespmem:v17+s13+$0x0], $0xffff  }
0xf5: {  	s11 =	simm.s32 $0x9;
	s20 =	simm.s32 $0x4;
	v23 =	vadd.s32 s6, v0;
	v24 =	vadd.s32 s17, v0;
	v21 =	vor.u32 v11, v21;
	v17 =	vld.idx.msk [tilespmem:v17+s15+$0x0], $0xffff  }
0xf6: {  	s2 =	simm.s32 $0x7;
	v27 =	vadd.s32 s11, v0;
	v26 =	vadd.s32 s20, v0;
	v22 =	vand.u32 $0x3F, v22;
	v25 =	vld.idx.msk [tilespmem:v15+s13+$0x0], $0xffff  }
0xf7: {  	s11 =	simm.s32 $0x5;
	v28 =	vadd.s32 s2, v0;
	v26 =	vand.u32 $0x3F, v26;
	v22 =	vor.u32 v11, v22;
	v15 =	vld.idx.msk [tilespmem:v15+s15+$0x0], $0xffff  }
0xf8: {  	s6 =	simm.s32 $0x8;
	v18 =	vand.u32 $0x3F, v18;
	v31 =	vadd.s32 s11, v0;
	v26 =	vor.u32 v11, v26;
	v33 =	vld.idx.msk [tilespmem:v19+s13+$0x0], $0xffff  }
0xf9: {  	s17 =	simm.s32 $0x6;
	v16 =	vand.u32 $0x3F, v16;
	v29 =	vadd.s32 s6, v0;
	v31 =	vand.u32 $0x3F, v31;
	v19 =	vld.idx.msk [tilespmem:v19+s15+$0x0], $0xffff  }
0xfa: {  	v32 =	vadd.s32 s17, v0;
	v23 =	vand.u32 $0x3F, v23;
	v31 =	vor.u32 v11, v31;
	v34 =	vld.idx.msk [tilespmem:v21+s13+$0x0], $0xffff  }
0xfb: {  	v24 =	vand.u32 $0x3F, v24;
	v28 =	vand.u32 $0x3F, v28;
	v27 =	vand.u32 $0x3F, v27;
	v21 =	vld.idx.msk [tilespmem:v21+s15+$0x0], $0xffff  }
0xfc: {  	v12 =	vor.u32 v10, v11;
	v32 =	vand.u32 $0x3F, v32;
	v63 =	vld.idx.msk [tilespmem:v22+s13+$0x0], $0xffff;
	v15 =	vmul.bf16 v15, v25  }
0xfd: {  	v28 =	vor.u32 v11, v28;
	v29 =	vand.u32 $0x38, v29;
	v57 =	vld.idx.msk [tilespmem:v26+s13+$0x0], $0xffff;
	v25 =	vor.u32 v11, v32  }
0xfe: {  	v26 =	vld.idx.msk [tilespmem:v26+s15+$0x0], $0xffff;
	v17 =	vmul.bf16 v17, v30;
	v35 =	vunpack.i.u.bf16.f32 v15;
	v15 =	vunpack.i.l.bf16.f32 v15  }
0xff: {  	v29 =	vor.u32 v29, v12;
	v58 =	vld.idx.msk [tilespmem:v31+s13+$0x0], $0xffff;
	v15 =	vadd.f32 v15, v14;
	v14 =	vadd.f32 v35, v14  }
0x100: {  	v31 =	vld.idx.msk [tilespmem:v31+s15+$0x0], $0xffff;
	v19 =	vmul.bf16 v19, v33;
	v59 =	vunpack.i.u.bf16.f32 v17;
	v17 =	vunpack.i.l.bf16.f32 v17  }
0x101: {  	v22 =	vld.idx.msk [tilespmem:v22+s15+$0x0], $0xffff;
	v21 =	vmul.bf16 v21, v34;
	v15 =	vadd.f32 v17, v15;
	v14 =	vadd.f32 v59, v14  }
0x102: {  	v33 =	vunpack.i.u.bf16.f32 v19;
	v19 =	vunpack.i.l.bf16.f32 v19;
	v17 =	vor.u32 v11, v27;
	v27 =	vld.idx.msk [tilespmem:v25+s13+$0x0], $0xffff  }
0x103: {  	v26 =	vmul.bf16 v26, v57;
	v25 =	vld.idx.msk [tilespmem:v25+s15+$0x0], $0xffff;
	v15 =	vadd.f32 v19, v15;
	v14 =	vadd.f32 v33, v14  }
0x104: {  	v60 =	vunpack.i.u.bf16.f32 v21;
	v21 =	vunpack.i.l.bf16.f32 v21;
	v19 =	vor.u32 v11, v23;
	v23 =	vld.idx.msk [tilespmem:v28+s13+$0x0], $0xffff  }
0x105: {  	v30 =	vmul.bf16 v31, v58;
	v28 =	vld.idx.msk [tilespmem:v28+s15+$0x0], $0xffff;
	v15 =	vadd.f32 v21, v15;
	v14 =	vadd.f32 v60, v14  }
0x106: {  	v32 =	vunpack.i.u.bf16.f32 v26;
	v26 =	vunpack.i.l.bf16.f32 v26;
	v21 =	vor.u32 v11, v24;
	v24 =	vld.idx.msk [tilespmem:v29+s13+$0x0], $0xffff  }
0x107: {  	v20 =	vand.u32 $0x3F, v20;
	v29 =	vld.idx.msk [tilespmem:v29+s15+$0x0], $0xffff;
	v15 =	vadd.f32 v26, v15;
	v14 =	vadd.f32 v32, v14  }
0x108: {  	v31 =	vunpack.i.u.bf16.f32 v30;
	v30 =	vunpack.i.l.bf16.f32 v30;
	v25 =	vmul.bf16 v25, v27;
	v26 =	vld.idx.msk [tilespmem:v17+s13+$0x0], $0xffff  }
0x109: {  	v20 =	vor.u32 v11, v20;
	v17 =	vld.idx.msk [tilespmem:v17+s15+$0x0], $0xffff;
	v15 =	vadd.f32 v30, v15;
	v14 =	vadd.f32 v31, v14  }
0x10a: {  	v27 =	vld.idx.msk [tilespmem:v19+s13+$0x0], $0xffff;
	v61 =	vunpack.i.u.bf16.f32 v25;
	v25 =	vunpack.i.l.bf16.f32 v25;
	v23 =	vmul.bf16 v28, v23  }
0x10b: {  	v18 =	vor.u32 v11, v18;
	v19 =	vld.idx.msk [tilespmem:v19+s15+$0x0], $0xffff;
	v15 =	vadd.f32 v25, v15;
	v14 =	vadd.f32 v61, v14  }
0x10c: {  	v28 =	vunpack.i.u.bf16.f32 v23;
	v23 =	vunpack.i.l.bf16.f32 v23;
	v24 =	vmul.bf16 v29, v24;
	v25 =	vld.idx.msk [tilespmem:v21+s13+$0x0], $0xffff  }
0x10d: {  	v62 =	vor.u32 v11, v16;
	v21 =	vld.idx.msk [tilespmem:v21+s15+$0x0], $0xffff;
	v23 =	vadd.f32 v23, v15;
	v14 =	vadd.f32 v28, v14  }
0x10e: {  	v16 =	vunpack.i.u.bf16.f32 v24;
	v24 =	vunpack.i.l.bf16.f32 v24;
	v17 =	vmul.bf16 v17, v26  }
0x10f: {  	v22 =	vmul.bf16 v22, v63;
	v23 =	vadd.f32 v24, v23;
	v16 =	vadd.f32 v16, v14  }
0x110: {  	s2 =	simm.s32 $0x10;
	v19 =	vmul.bf16 v19, v27;
	v26 =	vunpack.i.u.bf16.f32 v17;
	v17 =	vunpack.i.l.bf16.f32 v17;
	v24 =	vld.idx.msk [tilespmem:v20+s13+$0x0], $0xffff  }
0x111: {  	v15 =	vor.u32 s2, v13;
	v20 =	vld.idx.msk [tilespmem:v20+s15+$0x0], $0xffff;
	v17 =	vadd.f32 v17, v23;
	v23 =	vadd.f32 v26, v16  }
0x112: {  	s20 =	simm.s32 $0x1F;
	v27 =	vunpack.i.u.bf16.f32 v19;
	v19 =	vunpack.i.l.bf16.f32 v19;
	v21 =	vmul.bf16 v21, v25;
	v25 =	vld.idx.msk [tilespmem:v18+s15+$0x0], $0xffff  }
0x113: {  	s6 =	simm.s32 $0x1E;
	v14 =	vadd.s32 s20, v0;
	v26 =	vld.idx.msk [tilespmem:v18+s13+$0x0], $0xffff;
	v18 =	vadd.f32 v19, v17;
	v19 =	vadd.f32 v27, v23  }
0x114: {  	s11 =	simm.s32 $0x1D;
	v28 =	vld.idx.msk [tilespmem:v62+s15+$0x0], $0xffff;
	v16 =	vadd.s32 s6, v0;
	v23 =	vunpack.i.u.bf16.f32 v21;
	v21 =	vunpack.i.l.bf16.f32 v21  }
0x115: {  	v27 =	vld.idx.msk [tilespmem:v62+s13+$0x0], $0xffff;
	v17 =	vadd.s32 s11, v0;
	v21 =	vadd.f32 v21, v18;
	v19 =	vadd.f32 v23, v19  }
0x116: {  	s17 =	simm.s32 $0x12;
	v20 =	vmul.bf16 v20, v24;
	v23 =	vunpack.i.u.bf16.f32 v22;
	v22 =	vunpack.i.l.bf16.f32 v22  }
0x117: {  	v18 =	vadd.s32 s17, v0;
	v21 =	vadd.f32 v22, v21;
	v22 =	vadd.f32 v23, v19  }
0x118: {  	s20 =	simm.s32 $0x11;
	v24 =	vmul.bf16 v25, v26;
	v23 =	vunpack.i.u.bf16.f32 v20;
	v20 =	vunpack.i.l.bf16.f32 v20  }
0x119: {  	v19 =	vadd.s32 s20, v0;
	v20 =	vadd.f32 v20, v21;
	v21 =	vadd.f32 v23, v22  }
0x11a: {  	s0 =	simm.s32 $0x20;
	v23 =	vunpack.i.u.bf16.f32 v24;
	v24 =	vunpack.i.l.bf16.f32 v24;
	v22 =	vmul.bf16 v28, v27  }
.LBB2_17:
0x11b: {  	p1 =	slt.u32 s0, $0x30;
	v19 =	vand.u32 $0x3F, v19;
	v20 =	vadd.f32 v24, v20;
	v21 =	vadd.f32 v23, v21  }
0x11c: {  	v19 =	vor.u32 v11, v19;
	v23 =	vunpack.i.u.bf16.f32 v22;
	v22 =	vunpack.i.l.bf16.f32 v22  }
0x11d: {  	v18 =	vand.u32 $0x3F, v18;
	s6 =	sadd.s32 $0x3, s2;
	s11 =	sadd.s32 $0xC, s2;
	v20 =	vadd.f32 v22, v20;
	v21 =	vadd.f32 v23, v21  }
0x11e: {  	s17 =	sadd.s32 $0xB, s2;
	v18 =	vor.u32 v11, v18;
	v22 =	vadd.s32 s6, v0;
	s6 =	sadd.s32 $0xA, s2;
	v23 =	vadd.s32 s11, v0  }
0x11f: {  	s20 =	sadd.s32 $0x9, s2;
	v26 =	vadd.s32 s17, v0;
	s11 =	sadd.s32 $0x4, s2;
	v22 =	vand.u32 $0x3F, v22;
	v25 =	vadd.s32 s6, v0;
	v24 =	vld.idx.msk [tilespmem:v15+s13+$0x0], $0xffff  }
0x120: {  	v28 =	vadd.s32 s20, v0;
	v27 =	vadd.s32 s11, v0;
	s6 =	sadd.s32 $0x7, s2;
	s11 =	sadd.s32 $0x8, s2;
	v22 =	vor.u32 v11, v22;
	v15 =	vld.idx.msk [tilespmem:v15+s15+$0x0], $0xffff  }
0x121: {  	s17 =	sadd.s32 $0x5, s2;
	s20 =	sadd.s32 $0x6, s2;
	s2 =	smov.u32 s0;
	v27 =	vand.u32 $0x3F, v27;
	v30 =	vadd.s32 s6, v0;
	v31 =	vadd.s32 s11, v0;
	v29 =	vld.idx.msk [tilespmem:v19+s13+$0x0], $0xffff  }
0x122: {  	v32 =	vadd.s32 s17, v0;
	v33 =	vadd.s32 s20, v0;
	v27 =	vor.u32 v11, v27;
	v19 =	vld.idx.msk [tilespmem:v19+s15+$0x0], $0xffff  }
0x123: {  	v16 =	vand.u32 $0x3F, v16;
	v14 =	vand.u32 $0x3F, v14;
	v32 =	vand.u32 $0x3F, v32;
	v34 =	vld.idx.msk [tilespmem:v18+s13+$0x0], $0xffff  }
0x124: {  	v17 =	vand.u32 $0x3F, v17;
	v23 =	vand.u32 $0x3F, v23;
	v32 =	vor.u32 v11, v32;
	v18 =	vld.idx.msk [tilespmem:v18+s15+$0x0], $0xffff  }
0x125: {  	v26 =	vand.u32 $0x3F, v26;
	v33 =	vand.u32 $0x3F, v33;
	v25 =	vand.u32 $0x3F, v25;
	v35 =	vld.idx.msk [tilespmem:v22+s13+$0x0], $0xffff  }
0x126: {  	v30 =	vand.u32 $0x3F, v30;
	v15 =	vmul.bf16 v15, v24;
	v24 =	vor.u32 v11, v33;
	v22 =	vld.idx.msk [tilespmem:v22+s15+$0x0], $0xffff  }
0x127: {  	v28 =	vand.u32 $0x3F, v28;
	v31 =	vand.u32 $0x38, v31;
	v30 =	vor.u32 v11, v30;
	v33 =	vld.idx.msk [tilespmem:v27+s13+$0x0], $0xffff  }
0x128: {  	v36 =	vunpack.i.u.bf16.f32 v15;
	v15 =	vunpack.i.l.bf16.f32 v15;
	v19 =	vmul.bf16 v19, v29;
	v27 =	vld.idx.msk [tilespmem:v27+s15+$0x0], $0xffff  }
0x129: {  	v29 =	vor.u32 v31, v12;
	v15 =	vadd.f32 v15, v20;
	v20 =	vadd.f32 v36, v21;
	v21 =	vld.idx.msk [tilespmem:v32+s13+$0x0], $0xffff  }
0x12a: {  	v31 =	vunpack.i.u.bf16.f32 v19;
	v19 =	vunpack.i.l.bf16.f32 v19;
	v18 =	vmul.bf16 v18, v34;
	v32 =	vld.idx.msk [tilespmem:v32+s15+$0x0], $0xffff  }
0x12b: {  	v28 =	vor.u32 v11, v28;
	v15 =	vadd.f32 v19, v15;
	v19 =	vadd.f32 v31, v20;
	v20 =	vld.idx.msk [tilespmem:v24+s13+$0x0], $0xffff  }
0x12c: {  	v31 =	vunpack.i.u.bf16.f32 v18;
	v18 =	vunpack.i.l.bf16.f32 v18;
	v22 =	vmul.bf16 v22, v35;
	v24 =	vld.idx.msk [tilespmem:v24+s15+$0x0], $0xffff  }
0x12d: {  	v25 =	vor.u32 v11, v25;
	v15 =	vadd.f32 v18, v15;
	v18 =	vadd.f32 v31, v19;
	v19 =	vld.idx.msk [tilespmem:v30+s13+$0x0], $0xffff  }
0x12e: {  	v31 =	vunpack.i.u.bf16.f32 v22;
	v22 =	vunpack.i.l.bf16.f32 v22;
	v27 =	vmul.bf16 v27, v33;
	v30 =	vld.idx.msk [tilespmem:v30+s15+$0x0], $0xffff  }
0x12f: {  	v26 =	vor.u32 v11, v26;
	v15 =	vadd.f32 v22, v15;
	v18 =	vadd.f32 v31, v18;
	v22 =	vld.idx.msk [tilespmem:v29+s13+$0x0], $0xffff  }
0x130: {  	v31 =	vunpack.i.u.bf16.f32 v27;
	v27 =	vunpack.i.l.bf16.f32 v27;
	v21 =	vmul.bf16 v32, v21;
	v29 =	vld.idx.msk [tilespmem:v29+s15+$0x0], $0xffff  }
0x131: {  	v23 =	vor.u32 v11, v23;
	v15 =	vadd.f32 v27, v15;
	v18 =	vadd.f32 v31, v18;
	v27 =	vld.idx.msk [tilespmem:v28+s13+$0x0], $0xffff  }
0x132: {  	v31 =	vunpack.i.u.bf16.f32 v21;
	v21 =	vunpack.i.l.bf16.f32 v21;
	v20 =	vmul.bf16 v24, v20;
	v24 =	vld.idx.msk [tilespmem:v28+s15+$0x0], $0xffff  }
0x133: {  	v17 =	vor.u32 v11, v17;
	v15 =	vadd.f32 v21, v15;
	v18 =	vadd.f32 v31, v18;
	v21 =	vld.idx.msk [tilespmem:v25+s13+$0x0], $0xffff  }
0x134: {  	v28 =	vunpack.i.u.bf16.f32 v20;
	v20 =	vunpack.i.l.bf16.f32 v20;
	v19 =	vmul.bf16 v30, v19;
	v25 =	vld.idx.msk [tilespmem:v25+s15+$0x0], $0xffff  }
0x135: {  	v16 =	vor.u32 v11, v16;
	v15 =	vadd.f32 v20, v15;
	v18 =	vadd.f32 v28, v18;
	v20 =	vld.idx.msk [tilespmem:v26+s13+$0x0], $0xffff  }
0x136: {  	v28 =	vunpack.i.u.bf16.f32 v19;
	v19 =	vunpack.i.l.bf16.f32 v19;
	v22 =	vmul.bf16 v29, v22;
	v26 =	vld.idx.msk [tilespmem:v26+s15+$0x0], $0xffff  }
0x137: {  	v29 =	vor.u32 v11, v14;
	v19 =	vadd.f32 v19, v15;
	v18 =	vadd.f32 v28, v18;
	v28 =	vld.idx.msk [tilespmem:v23+s13+$0x0], $0xffff  }
0x138: {  	v14 =	vunpack.i.u.bf16.f32 v22;
	v22 =	vunpack.i.l.bf16.f32 v22;
	v24 =	vmul.bf16 v24, v27;
	v23 =	vld.idx.msk [tilespmem:v23+s15+$0x0], $0xffff  }
0x139: {  	v15 =	vor.u32 s0, v13;
	v19 =	vadd.f32 v22, v19;
	v18 =	vadd.f32 v14, v18;
	v22 =	vld.idx.msk [tilespmem:v17+s13+$0x0], $0xffff  }
0x13a: {  	s6 =	sadd.s32 $0xF, s0;
	v27 =	vunpack.i.u.bf16.f32 v24;
	v24 =	vunpack.i.l.bf16.f32 v24;
	v21 =	vmul.bf16 v25, v21;
	v25 =	vld.idx.msk [tilespmem:v17+s15+$0x0], $0xffff  }
0x13b: {  	v14 =	vadd.s32 s6, v0;
	v17 =	vadd.f32 v24, v19;
	v18 =	vadd.f32 v27, v18;
	v19 =	vld.idx.msk [tilespmem:v16+s13+$0x0], $0xffff  }
0x13c: {  	s6 =	sadd.s32 $0xE, s0;
	v24 =	vunpack.i.u.bf16.f32 v21;
	v21 =	vunpack.i.l.bf16.f32 v21;
	v20 =	vmul.bf16 v26, v20;
	v26 =	vld.idx.msk [tilespmem:v16+s15+$0x0], $0xffff  }
0x13d: {  	v16 =	vadd.s32 s6, v0;
	v21 =	vadd.f32 v21, v17;
	v18 =	vadd.f32 v24, v18;
	v27 =	vld.idx.msk [tilespmem:v29+s13+$0x0], $0xffff  }
0x13e: {  	s6 =	sadd.s32 $0xD, s0;
	v24 =	vunpack.i.u.bf16.f32 v20;
	v20 =	vunpack.i.l.bf16.f32 v20;
	v23 =	vmul.bf16 v23, v28;
	v28 =	vld.idx.msk [tilespmem:v29+s15+$0x0], $0xffff  }
0x13f: {  	v17 =	vadd.s32 s6, v0;
	v20 =	vadd.f32 v20, v21;
	v21 =	vadd.f32 v24, v18  }
.Ltmp12:
0x140: {  	s6 =	sadd.s32 $0x2, s0;
	v24 =	vunpack.i.u.bf16.f32 v23;
	v23 =	vunpack.i.l.bf16.f32 v23;
	v22 =	vmul.bf16 v25, v22;
	(pc) =	sbr.rel @p1 .LBB2_17-.Ltmp12, $4  }
0x141: {  	v18 =	vadd.s32 s6, v0;
	v20 =	vadd.f32 v23, v20;
	v21 =	vadd.f32 v24, v21  }
0x142: {  	s6 =	sadd.s32 $0x1, s0;
	v23 =	vunpack.i.u.bf16.f32 v22;
	v22 =	vunpack.i.l.bf16.f32 v22;
	v24 =	vmul.bf16 v26, v19  }
0x143: {  	v19 =	vadd.s32 s6, v0;
	v20 =	vadd.f32 v22, v20;
	v21 =	vadd.f32 v23, v21  }
0x144: {  	s0 =	sadd.s32 $0x10, s0;
	v23 =	vunpack.i.u.bf16.f32 v24;
	v24 =	vunpack.i.l.bf16.f32 v24;
	v22 =	vmul.bf16 v28, v27  }
0x145: {  	v13 =	vand.u32 $0x3F, v19;
	v51 =	vadd.f32 v24, v20  }
0x146: {  	v52 =	vadd.f32 v23, v21;
	v18 =	vand.u32 $0x3F, v18;
	v16 =	vand.u32 $0x3F, v16  }
0x147: {  	v14 =	vand.u32 $0x3F, v14;
	v17 =	vand.u32 $0x3F, v17;
	v13 =	vor.u32 v11, v13  }
0x148: {  	s0 =	sadd.s32 $0x3, s2;
	s6 =	sadd.s32 $0xC, s2;
	s17 =	sadd.s32 $0xA, s2;
	v53 =	vunpack.i.l.bf16.f32 v22;
	v54 =	vunpack.i.u.bf16.f32 v22;
	v18 =	vor.u32 v11, v18  }
0x149: {  	s11 =	sadd.s32 $0xB, s2;
	s20 =	sadd.s32 $0x4, s2;
	v55 =	vadd.s32 s0, v0;
	v56 =	vadd.s32 s6, v0;
	v57 =	vadd.s32 s17, v0  }
0x14a: {  	v58 =	vld.idx.msk [tilespmem:v15+s13+$0x0], $0xffff;
	v25 =	vadd.s32 s11, v0;
	v26 =	vadd.s32 s20, v0;
	v21 =	vand.u32 $0x3F, v55  }
0x14b: {  	v59 =	vld.idx.msk [tilespmem:v15+s15+$0x0], $0xffff;
	s17 =	sadd.s32 $0x9, s2;
	s20 =	sadd.s32 $0x7, s2;
	v19 =	vadd.f32 v53, v51;
	v20 =	vadd.f32 v54, v52;
	v21 =	vor.u32 v11, v21  }
0x14c: {  	s11 =	sadd.s32 $0x8, s2;
	v27 =	vadd.s32 s17, v0;
	v26 =	vand.u32 $0x3F, v26;
	s17 =	sadd.s32 $0x5, s2;
	v28 =	vadd.s32 s20, v0;
	v29 =	vld.idx.msk [tilespmem:v13+s13+$0x0], $0xffff  }
0x14d: {  	v30 =	vadd.s32 s11, v0;
	v26 =	vor.u32 v11, v26;
	v31 =	vadd.s32 s17, v0;
	v13 =	vld.idx.msk [tilespmem:v13+s15+$0x0], $0xffff  }
0x14e: {  	s20 =	sadd.s32 $0x6, s2;
	v22 =	vand.u32 $0x3F, v56;
	v23 =	vand.u32 $0x3F, v57;
	v31 =	vand.u32 $0x3F, v31;
	v33 =	vld.idx.msk [tilespmem:v18+s13+$0x0], $0xffff  }
0x14f: {  	v25 =	vand.u32 $0x3F, v25;
	v32 =	vadd.s32 s20, v0;
	v31 =	vor.u32 v11, v31;
	v18 =	vld.idx.msk [tilespmem:v18+s15+$0x0], $0xffff  }
0x150: {  	v60 =	vand.u32 $0x3F, v28;
	v32 =	vand.u32 $0x3F, v32;
	v15 =	vmul.bf16 v59, v58;
	v34 =	vld.idx.msk [tilespmem:v21+s13+$0x0], $0xffff  }
0x151: {  	v30 =	vand.u32 $0x38, v30;
	v27 =	vand.u32 $0x3F, v27;
	v61 =	vor.u32 v11, v32;
	v21 =	vld.idx.msk [tilespmem:v21+s15+$0x0], $0xffff  }
0x152: {  	v35 =	vunpack.i.u.bf16.f32 v15;
	v15 =	vunpack.i.l.bf16.f32 v15;
	v62 =	vld.idx.msk [tilespmem:v26+s13+$0x0], $0xffff;
	v13 =	vmul.bf16 v13, v29  }
0x153: {  	v24 =	vor.u32 v11, v60;
	v26 =	vld.idx.msk [tilespmem:v26+s15+$0x0], $0xffff;
	v15 =	vadd.f32 v15, v19;
	v63 =	vadd.f32 v35, v20  }
0x154: {  	v35 =	vld.idx.msk [tilespmem:v31+s13+$0x0], $0xffff;
	v18 =	vmul.bf16 v18, v33;
	v29 =	vunpack.i.u.bf16.f32 v13;
	v13 =	vunpack.i.l.bf16.f32 v13  }
0x155: {  	v12 =	vor.u32 v30, v12;
	v36 =	vld.idx.msk [tilespmem:v31+s15+$0x0], $0xffff;
	v13 =	vadd.f32 v13, v15;
	v37 =	vadd.f32 v29, v63  }
0x156: {  	v38 =	vld.idx.msk [tilespmem:v61+s13+$0x0], $0xffff;
	v39 =	vunpack.i.u.bf16.f32 v18;
	v18 =	vunpack.i.l.bf16.f32 v18;
	v21 =	vmul.bf16 v21, v34  }
0x157: {  	v27 =	vor.u32 v11, v27;
	v28 =	vld.idx.msk [tilespmem:v61+s15+$0x0], $0xffff;
	v13 =	vadd.f32 v18, v13;
	v15 =	vadd.f32 v39, v37  }
0x158: {  	v40 =	vld.idx.msk [tilespmem:v24+s13+$0x0], $0xffff;
	v26 =	vmul.bf16 v26, v62;
	v41 =	vunpack.i.u.bf16.f32 v21;
	v21 =	vunpack.i.l.bf16.f32 v21  }
0x159: {  	v23 =	vor.u32 v11, v23;
	v24 =	vld.idx.msk [tilespmem:v24+s15+$0x0], $0xffff;
	v13 =	vadd.f32 v21, v13;
	v15 =	vadd.f32 v41, v15  }
0x15a: {  	v42 =	vld.idx.msk [tilespmem:v12+s13+$0x0], $0xffff;
	v43 =	vunpack.i.u.bf16.f32 v26;
	v26 =	vunpack.i.l.bf16.f32 v26;
	v20 =	vmul.bf16 v36, v35  }
0x15b: {  	v25 =	vor.u32 v11, v25;
	v12 =	vld.idx.msk [tilespmem:v12+s15+$0x0], $0xffff;
	v13 =	vadd.f32 v26, v13;
	v15 =	vadd.f32 v43, v15  }
0x15c: {  	v44 =	vld.idx.msk [tilespmem:v27+s13+$0x0], $0xffff;
	v19 =	vmul.bf16 v28, v38;
	v45 =	vunpack.i.u.bf16.f32 v20;
	v20 =	vunpack.i.l.bf16.f32 v20  }
0x15d: {  	v22 =	vor.u32 v11, v22;
	v27 =	vld.idx.msk [tilespmem:v27+s15+$0x0], $0xffff;
	v13 =	vadd.f32 v20, v13;
	v15 =	vadd.f32 v45, v15  }
0x15e: {  	v46 =	vld.idx.msk [tilespmem:v23+s13+$0x0], $0xffff;
	v18 =	vmul.bf16 v24, v40;
	v28 =	vunpack.i.u.bf16.f32 v19;
	v19 =	vunpack.i.l.bf16.f32 v19  }
0x15f: {  	v17 =	vor.u32 v11, v17;
	v23 =	vld.idx.msk [tilespmem:v23+s15+$0x0], $0xffff;
	v13 =	vadd.f32 v19, v13;
	v15 =	vadd.f32 v28, v15  }
0x160: {  	v47 =	vld.idx.msk [tilespmem:v25+s13+$0x0], $0xffff;
	v12 =	vmul.bf16 v12, v42;
	v24 =	vunpack.i.u.bf16.f32 v18;
	v18 =	vunpack.i.l.bf16.f32 v18  }
0x161: {  	v16 =	vor.u32 v11, v16;
	v48 =	vld.idx.msk [tilespmem:v25+s15+$0x0], $0xffff;
	v13 =	vadd.f32 v18, v13;
	v15 =	vadd.f32 v24, v15  }
0x162: {  	v49 =	vld.idx.msk [tilespmem:v22+s13+$0x0], $0xffff;
	v51 =	vmul.bf16 v27, v44;
	v50 =	vunpack.i.u.bf16.f32 v12;
	v12 =	vunpack.i.l.bf16.f32 v12  }
0x163: {  	v11 =	vor.u32 v11, v14;
	v52 =	vld.idx.msk [tilespmem:v22+s15+$0x0], $0xffff;
	v12 =	vadd.f32 v12, v13;
	v53 =	vadd.f32 v50, v15  }
0x164: {  	v54 =	vld.idx.msk [tilespmem:v17+s13+$0x0], $0xffff;
	v55 =	vunpack.i.u.bf16.f32 v51;
	v56 =	vunpack.i.l.bf16.f32 v51;
	v20 =	vmul.bf16 v23, v46  }
0x165: {  	v17 =	vld.idx.msk [tilespmem:v17+s15+$0x0], $0xffff;
	v12 =	vadd.f32 v56, v12;
	v13 =	vadd.f32 v55, v53  }
0x166: {  	v57 =	vld.idx.msk [tilespmem:v16+s13+$0x0], $0xffff;
	v23 =	vunpack.i.u.bf16.f32 v20;
	v20 =	vunpack.i.l.bf16.f32 v20;
	v19 =	vmul.bf16 v48, v47  }
0x167: {  	v16 =	vld.idx.msk [tilespmem:v16+s15+$0x0], $0xffff;
	v12 =	vadd.f32 v20, v12;
	v13 =	vadd.f32 v23, v13  }
0x168: {  	v58 =	vld.idx.msk [tilespmem:v11+s13+$0x0], $0xffff;
	v14 =	vmul.bf16 v52, v49;
	v21 =	vunpack.i.u.bf16.f32 v19;
	v19 =	vunpack.i.l.bf16.f32 v19  }
0x169: {  	v11 =	vld.idx.msk [tilespmem:v11+s15+$0x0], $0xffff;
	v12 =	vadd.f32 v19, v12;
	v13 =	vadd.f32 v21, v13  }
0x16a: {  	v18 =	vunpack.i.u.bf16.f32 v14;
	v14 =	vunpack.i.l.bf16.f32 v14;
	v15 =	vmul.bf16 v17, v54  }
0x16b: {  	v12 =	vadd.f32 v14, v12;
	v13 =	vadd.f32 v18, v13  }
0x16c: {  	v16 =	vmul.bf16 v16, v57;
	v59 =	vunpack.i.u.bf16.f32 v15;
	v15 =	vunpack.i.l.bf16.f32 v15  }
0x16d: {  	v12 =	vadd.f32 v15, v12;
	v13 =	vadd.f32 v59, v13  }
0x16e: {  	v60 =	vunpack.i.u.bf16.f32 v16;
	v61 =	vunpack.i.l.bf16.f32 v16;
	v11 =	vmul.bf16 v11, v58  }
0x16f: {  	v12 =	vadd.f32 v61, v12;
	v13 =	vadd.f32 v60, v13  }
0x170: {  	v62 =	vunpack.i.u.bf16.f32 v11;
	v11 =	vunpack.i.l.bf16.f32 v11  }
0x171: {  	v11 =	vadd.f32 v11, v12;
	v63 =	vadd.f32 v62, v13;
	_ =	sdelay $0x1  }
0x172: {  	v11 =	vadd.f32 v63, v11;
	_ =	sdelay $0x1  }
0x173: {  	v11 =	vsub.f32 $0.0e+00, v11;
	_ =	sdelay $0x1  }
0x174: {  	v11 =	vmul.f32 $1.442695020e+00, v11;
	_ =	sdelay $0x1  }
0x175: {  	(erf) = vpow2.f32 v11;
	_ =	sdelay $0x8  }
0x176: {  	v11 =	vpop (erf)  }
0x177: {  	v11 =	vadd.f32 $1.000000000e+00, v11;
	_ =	sdelay $0x1  }
0x178: {  	(erf) = vrcp.f32 v11;
	_ =	sdelay $0x3  }
0x179: {  	s30 =	sadd.s32 $0x1, s30  }
0x17a: {  	p1 =	sne.s32 s30, $0x5  }
.Ltmp13:
0x17b: {  	_ = 	snop;
	(pc) =	sbr.rel @p1 .LBB2_16-.Ltmp13, $4  }
.Ltmp14:
0x17c: {  	_ = 	snop;
	(pc) =	sbr.rel @!p1 .LBB2_19-.Ltmp14, $4  }
0x17d: {  	_ = 	snop  }
0x17e: {  	v11 =	vpop (erf)  }
0x17f: {  	[tilespmem:s31+$0x114E0] =	vst v11  }
0x180: {  	_ = 	snop  }
.LBB2_11:
0x181: {  	_ =	swait.ge [sflag:s21], $0x2800  }
0x182: {  	s0 =	smul.u32 $0x280, s26;
	[sflag:s21] =	ssyncset.done $0x0  }
0x183: {  	[sflag:s21] =	ssyncadd.s32 $0xFFFFD800  }
0x184: {  	s0 =	sshra.s32 s0, $0x2;
	_ =	swait.ge [sflag:s21], $0x2800  }
0x185: {  	s0 =	sadd.s32 $0xEE20, s0;
	[sflag:s21] =	ssyncset.done $0x0  }
0x186: {  	s29 =	simm.s32 $0x0;
	s30 =	simm.s32 $0x0;
	v11 =	vmov s0;
	[sflag:s21] =	ssyncadd.s32 $0xFFFFD800  }
.LBB2_12:
0x187: {  	s31 =	sshll.u32 s30, $0x4  }
0x188: {  	s2 =	simm.s32 $0x1;
	v12 =	vmov s31  }
0x189: {  	v18 =	vadd.s32 s2, v0;
	v12 =	vshll.u32 v12, $0x6  }
0x18a: {  	v18 =	vand.u32 $0x3F, v18;
	v12 =	vor.u32 v9, v12  }
0x18b: {  	v18 =	vor.u32 v12, v18  }
0x18c: {  	s17 =	simm.s32 $0x2;
	v14 =	vor.u32 v0, v12  }
0x18d: {  	s0 =	simm.s32 $0xF;
	v20 =	vadd.s32 s17, v0;
	v16 =	vor.u32 s29, v14  }
0x18e: {  	v15 =	vimm.f32 $0.0e+00;
	s20 =	simm.s32 $0xE;
	s6 =	simm.s32 $0x3;
	v17 =	vadd.s32 s0, v0;
	v20 =	vand.u32 $0x3F, v20  }
0x18f: {  	s11 =	simm.s32 $0xC;
	v19 =	vadd.s32 s20, v0;
	s2 =	simm.s32 $0xD;
	v22 =	vadd.s32 s6, v0;
	v20 =	vor.u32 v12, v20  }
0x190: {  	s17 =	simm.s32 $0xA;
	v23 =	vadd.s32 s11, v0;
	s11 =	simm.s32 $0x4;
	v21 =	vadd.s32 s2, v0;
	v22 =	vand.u32 $0x3F, v22;
	v31 =	vld.idx.msk [tilespmem:v18+s13+$0x0], $0xffff  }
0x191: {  	s6 =	simm.s32 $0xB;
	s20 =	simm.s32 $0x9;
	v24 =	vadd.s32 s17, v0;
	v27 =	vadd.s32 s11, v0;
	v22 =	vor.u32 v12, v22;
	v18 =	vld.idx.msk [tilespmem:v18+s15+$0x0], $0xffff  }
0x192: {  	v25 =	vadd.s32 s6, v0;
	v28 =	vadd.s32 s20, v0;
	v27 =	vand.u32 $0x3F, v27;
	v26 =	vld.idx.msk [tilespmem:v16+s13+$0x0], $0xffff  }
0x193: {  	s2 =	simm.s32 $0x7;
	s6 =	simm.s32 $0x5;
	v19 =	vand.u32 $0x3F, v19;
	v17 =	vand.u32 $0x3F, v17;
	v27 =	vor.u32 v12, v27;
	v16 =	vld.idx.msk [tilespmem:v16+s15+$0x0], $0xffff  }
0x194: {  	s17 =	simm.s32 $0x8;
	v23 =	vand.u32 $0x3F, v23;
	v29 =	vadd.s32 s2, v0;
	v32 =	vadd.s32 s6, v0;
	v34 =	vld.idx.msk [tilespmem:v20+s13+$0x0], $0xffff  }
0x195: {  	s11 =	simm.s32 $0x6;
	v30 =	vadd.s32 s17, v0;
	v32 =	vand.u32 $0x3F, v32;
	v23 =	vor.u32 v12, v23;
	v20 =	vld.idx.msk [tilespmem:v20+s15+$0x0], $0xffff  }
0x196: {  	v33 =	vadd.s32 s11, v0;
	v24 =	vand.u32 $0x3F, v24;
	v32 =	vor.u32 v12, v32;
	v35 =	vld.idx.msk [tilespmem:v22+s13+$0x0], $0xffff  }
0x197: {  	v25 =	vand.u32 $0x3F, v25;
	v28 =	vand.u32 $0x3F, v28;
	v13 =	vor.u32 v10, v12;
	v22 =	vld.idx.msk [tilespmem:v22+s15+$0x0], $0xffff  }
0x198: {  	v33 =	vand.u32 $0x3F, v33;
	v29 =	vand.u32 $0x3F, v29;
	v54 =	vld.idx.msk [tilespmem:v27+s13+$0x0], $0xffff;
	v16 =	vmul.bf16 v16, v26  }
0x199: {  	v30 =	vand.u32 $0x38, v30;
	v29 =	vor.u32 v12, v29;
	v27 =	vld.idx.msk [tilespmem:v27+s15+$0x0], $0xffff;
	v26 =	vor.u32 v12, v33  }
0x19a: {  	v62 =	vld.idx.msk [tilespmem:v23+s13+$0x0], $0xffff;
	v18 =	vmul.bf16 v18, v31;
	v36 =	vunpack.i.u.bf16.f32 v16;
	v16 =	vunpack.i.l.bf16.f32 v16  }
0x19b: {  	v30 =	vor.u32 v30, v13;
	v55 =	vld.idx.msk [tilespmem:v32+s13+$0x0], $0xffff;
	v16 =	vadd.f32 v16, v15;
	v15 =	vadd.f32 v36, v15  }
0x19c: {  	v32 =	vld.idx.msk [tilespmem:v32+s15+$0x0], $0xffff;
	v20 =	vmul.bf16 v20, v34;
	v56 =	vunpack.i.u.bf16.f32 v18;
	v18 =	vunpack.i.l.bf16.f32 v18  }
0x19d: {  	v23 =	vld.idx.msk [tilespmem:v23+s15+$0x0], $0xffff;
	v22 =	vmul.bf16 v22, v35;
	v16 =	vadd.f32 v18, v16;
	v15 =	vadd.f32 v56, v15  }
0x19e: {  	v27 =	vmul.bf16 v27, v54;
	v34 =	vunpack.i.u.bf16.f32 v20;
	v20 =	vunpack.i.l.bf16.f32 v20;
	v57 =	vld.idx.msk [tilespmem:v26+s13+$0x0], $0xffff  }
0x19f: {  	v18 =	vor.u32 v12, v28;
	v26 =	vld.idx.msk [tilespmem:v26+s15+$0x0], $0xffff;
	v16 =	vadd.f32 v20, v16;
	v15 =	vadd.f32 v34, v15  }
0x1a0: {  	v58 =	vunpack.i.u.bf16.f32 v22;
	v22 =	vunpack.i.l.bf16.f32 v22;
	v20 =	vor.u32 v12, v24;
	v24 =	vld.idx.msk [tilespmem:v29+s13+$0x0], $0xffff  }
0x1a1: {  	v31 =	vmul.bf16 v32, v55;
	v29 =	vld.idx.msk [tilespmem:v29+s15+$0x0], $0xffff;
	v16 =	vadd.f32 v22, v16;
	v15 =	vadd.f32 v58, v15  }
0x1a2: {  	v33 =	vunpack.i.u.bf16.f32 v27;
	v27 =	vunpack.i.l.bf16.f32 v27;
	v22 =	vor.u32 v12, v25;
	v25 =	vld.idx.msk [tilespmem:v30+s13+$0x0], $0xffff  }
0x1a3: {  	v21 =	vand.u32 $0x3F, v21;
	v30 =	vld.idx.msk [tilespmem:v30+s15+$0x0], $0xffff;
	v16 =	vadd.f32 v27, v16;
	v15 =	vadd.f32 v33, v15  }
0x1a4: {  	v32 =	vunpack.i.u.bf16.f32 v31;
	v31 =	vunpack.i.l.bf16.f32 v31;
	v26 =	vmul.bf16 v26, v57;
	v27 =	vld.idx.msk [tilespmem:v18+s13+$0x0], $0xffff  }
0x1a5: {  	v21 =	vor.u32 v12, v21;
	v18 =	vld.idx.msk [tilespmem:v18+s15+$0x0], $0xffff;
	v16 =	vadd.f32 v31, v16;
	v15 =	vadd.f32 v32, v15  }
0x1a6: {  	v59 =	vld.idx.msk [tilespmem:v20+s13+$0x0], $0xffff;
	v60 =	vunpack.i.u.bf16.f32 v26;
	v26 =	vunpack.i.l.bf16.f32 v26;
	v24 =	vmul.bf16 v29, v24  }
0x1a7: {  	v19 =	vor.u32 v12, v19;
	v20 =	vld.idx.msk [tilespmem:v20+s15+$0x0], $0xffff;
	v16 =	vadd.f32 v26, v16;
	v15 =	vadd.f32 v60, v15  }
0x1a8: {  	v29 =	vunpack.i.u.bf16.f32 v24;
	v24 =	vunpack.i.l.bf16.f32 v24;
	v25 =	vmul.bf16 v30, v25;
	v26 =	vld.idx.msk [tilespmem:v22+s13+$0x0], $0xffff  }
0x1a9: {  	v61 =	vor.u32 v12, v17;
	v22 =	vld.idx.msk [tilespmem:v22+s15+$0x0], $0xffff;
	v24 =	vadd.f32 v24, v16;
	v15 =	vadd.f32 v29, v15  }
0x1aa: {  	v17 =	vunpack.i.u.bf16.f32 v25;
	v25 =	vunpack.i.l.bf16.f32 v25;
	v18 =	vmul.bf16 v18, v27  }
0x1ab: {  	v23 =	vmul.bf16 v23, v62;
	v24 =	vadd.f32 v25, v24;
	v17 =	vadd.f32 v17, v15  }
0x1ac: {  	s2 =	simm.s32 $0x10;
	v20 =	vmul.bf16 v20, v59;
	v27 =	vunpack.i.u.bf16.f32 v18;
	v18 =	vunpack.i.l.bf16.f32 v18;
	v25 =	vld.idx.msk [tilespmem:v21+s13+$0x0], $0xffff  }
0x1ad: {  	v16 =	vor.u32 s2, v14;
	v21 =	vld.idx.msk [tilespmem:v21+s15+$0x0], $0xffff;
	v18 =	vadd.f32 v18, v24;
	v24 =	vadd.f32 v27, v17  }
0x1ae: {  	s20 =	simm.s32 $0x1F;
	v28 =	vunpack.i.u.bf16.f32 v20;
	v20 =	vunpack.i.l.bf16.f32 v20;
	v22 =	vmul.bf16 v22, v26;
	v26 =	vld.idx.msk [tilespmem:v19+s15+$0x0], $0xffff  }
0x1af: {  	s6 =	simm.s32 $0x1E;
	v15 =	vadd.s32 s20, v0;
	v27 =	vld.idx.msk [tilespmem:v19+s13+$0x0], $0xffff;
	v19 =	vadd.f32 v20, v18;
	v20 =	vadd.f32 v28, v24  }
0x1b0: {  	s11 =	simm.s32 $0x1D;
	v63 =	vld.idx.msk [tilespmem:v61+s13+$0x0], $0xffff;
	v17 =	vadd.s32 s6, v0;
	v24 =	vunpack.i.u.bf16.f32 v22;
	v22 =	vunpack.i.l.bf16.f32 v22  }
0x1b1: {  	v29 =	vld.idx.msk [tilespmem:v61+s15+$0x0], $0xffff;
	v18 =	vadd.s32 s11, v0;
	v22 =	vadd.f32 v22, v19;
	v20 =	vadd.f32 v24, v20  }
0x1b2: {  	s17 =	simm.s32 $0x12;
	v21 =	vmul.bf16 v21, v25;
	v24 =	vunpack.i.u.bf16.f32 v23;
	v23 =	vunpack.i.l.bf16.f32 v23  }
0x1b3: {  	v19 =	vadd.s32 s17, v0;
	v22 =	vadd.f32 v23, v22;
	v23 =	vadd.f32 v24, v20  }
0x1b4: {  	s20 =	simm.s32 $0x11;
	v25 =	vmul.bf16 v26, v27;
	v24 =	vunpack.i.u.bf16.f32 v21;
	v21 =	vunpack.i.l.bf16.f32 v21  }
0x1b5: {  	v20 =	vadd.s32 s20, v0;
	v21 =	vadd.f32 v21, v22;
	v22 =	vadd.f32 v24, v23  }
0x1b6: {  	s0 =	simm.s32 $0x20;
	v24 =	vunpack.i.u.bf16.f32 v25;
	v25 =	vunpack.i.l.bf16.f32 v25;
	v23 =	vmul.bf16 v29, v63  }
.LBB2_13:
0x1b7: {  	p1 =	slt.u32 s0, $0x30;
	v20 =	vand.u32 $0x3F, v20;
	v21 =	vadd.f32 v25, v21;
	v22 =	vadd.f32 v24, v22  }
0x1b8: {  	v20 =	vor.u32 v12, v20;
	v24 =	vunpack.i.u.bf16.f32 v23;
	v23 =	vunpack.i.l.bf16.f32 v23  }
0x1b9: {  	v19 =	vand.u32 $0x3F, v19;
	s17 =	sadd.s32 $0x3, s2;
	s20 =	sadd.s32 $0xC, s2;
	v21 =	vadd.f32 v23, v21;
	v22 =	vadd.f32 v24, v22  }
0x1ba: {  	s11 =	sadd.s32 $0xB, s2;
	v19 =	vor.u32 v12, v19;
	v23 =	vadd.s32 s17, v0;
	s17 =	sadd.s32 $0xA, s2;
	v24 =	vadd.s32 s20, v0  }
0x1bb: {  	s6 =	sadd.s32 $0x9, s2;
	v27 =	vadd.s32 s11, v0;
	s20 =	sadd.s32 $0x4, s2;
	v23 =	vand.u32 $0x3F, v23;
	v26 =	vadd.s32 s17, v0;
	v25 =	vld.idx.msk [tilespmem:v16+s13+$0x0], $0xffff  }
0x1bc: {  	s11 =	sadd.s32 $0x7, s2;
	v29 =	vadd.s32 s6, v0;
	v28 =	vadd.s32 s20, v0;
	s17 =	sadd.s32 $0x8, s2;
	v23 =	vor.u32 v12, v23;
	v16 =	vld.idx.msk [tilespmem:v16+s15+$0x0], $0xffff  }
0x1bd: {  	s6 =	sadd.s32 $0x5, s2;
	v31 =	vadd.s32 s11, v0;
	s20 =	sadd.s32 $0x6, s2;
	s2 =	smov.u32 s0;
	v28 =	vand.u32 $0x3F, v28;
	v32 =	vadd.s32 s17, v0;
	v30 =	vld.idx.msk [tilespmem:v20+s13+$0x0], $0xffff  }
0x1be: {  	v33 =	vadd.s32 s6, v0;
	v34 =	vadd.s32 s20, v0;
	v28 =	vor.u32 v12, v28;
	v20 =	vld.idx.msk [tilespmem:v20+s15+$0x0], $0xffff  }
0x1bf: {  	v17 =	vand.u32 $0x3F, v17;
	v15 =	vand.u32 $0x3F, v15;
	v33 =	vand.u32 $0x3F, v33;
	v35 =	vld.idx.msk [tilespmem:v19+s13+$0x0], $0xffff  }
0x1c0: {  	v18 =	vand.u32 $0x3F, v18;
	v24 =	vand.u32 $0x3F, v24;
	v33 =	vor.u32 v12, v33;
	v19 =	vld.idx.msk [tilespmem:v19+s15+$0x0], $0xffff  }
0x1c1: {  	v27 =	vand.u32 $0x3F, v27;
	v26 =	vand.u32 $0x3F, v26;
	v34 =	vand.u32 $0x3F, v34;
	v36 =	vld.idx.msk [tilespmem:v23+s13+$0x0], $0xffff  }
0x1c2: {  	v31 =	vand.u32 $0x3F, v31;
	v16 =	vmul.bf16 v16, v25;
	v25 =	vor.u32 v12, v34;
	v23 =	vld.idx.msk [tilespmem:v23+s15+$0x0], $0xffff  }
0x1c3: {  	v29 =	vand.u32 $0x3F, v29;
	v31 =	vor.u32 v12, v31;
	v32 =	vand.u32 $0x38, v32;
	v34 =	vld.idx.msk [tilespmem:v28+s13+$0x0], $0xffff  }
0x1c4: {  	v37 =	vunpack.i.u.bf16.f32 v16;
	v16 =	vunpack.i.l.bf16.f32 v16;
	v20 =	vmul.bf16 v20, v30;
	v28 =	vld.idx.msk [tilespmem:v28+s15+$0x0], $0xffff  }
0x1c5: {  	v30 =	vor.u32 v32, v13;
	v16 =	vadd.f32 v16, v21;
	v21 =	vadd.f32 v37, v22;
	v22 =	vld.idx.msk [tilespmem:v33+s13+$0x0], $0xffff  }
0x1c6: {  	v32 =	vunpack.i.u.bf16.f32 v20;
	v20 =	vunpack.i.l.bf16.f32 v20;
	v19 =	vmul.bf16 v19, v35;
	v33 =	vld.idx.msk [tilespmem:v33+s15+$0x0], $0xffff  }
0x1c7: {  	v29 =	vor.u32 v12, v29;
	v16 =	vadd.f32 v20, v16;
	v20 =	vadd.f32 v32, v21;
	v21 =	vld.idx.msk [tilespmem:v25+s13+$0x0], $0xffff  }
0x1c8: {  	v32 =	vunpack.i.u.bf16.f32 v19;
	v19 =	vunpack.i.l.bf16.f32 v19;
	v23 =	vmul.bf16 v23, v36;
	v25 =	vld.idx.msk [tilespmem:v25+s15+$0x0], $0xffff  }
0x1c9: {  	v26 =	vor.u32 v12, v26;
	v16 =	vadd.f32 v19, v16;
	v19 =	vadd.f32 v32, v20;
	v20 =	vld.idx.msk [tilespmem:v31+s13+$0x0], $0xffff  }
0x1ca: {  	v32 =	vunpack.i.u.bf16.f32 v23;
	v23 =	vunpack.i.l.bf16.f32 v23;
	v28 =	vmul.bf16 v28, v34;
	v31 =	vld.idx.msk [tilespmem:v31+s15+$0x0], $0xffff  }
0x1cb: {  	v27 =	vor.u32 v12, v27;
	v16 =	vadd.f32 v23, v16;
	v19 =	vadd.f32 v32, v19;
	v23 =	vld.idx.msk [tilespmem:v30+s13+$0x0], $0xffff  }
0x1cc: {  	v32 =	vunpack.i.u.bf16.f32 v28;
	v28 =	vunpack.i.l.bf16.f32 v28;
	v22 =	vmul.bf16 v33, v22;
	v30 =	vld.idx.msk [tilespmem:v30+s15+$0x0], $0xffff  }
0x1cd: {  	v24 =	vor.u32 v12, v24;
	v16 =	vadd.f32 v28, v16;
	v19 =	vadd.f32 v32, v19;
	v28 =	vld.idx.msk [tilespmem:v29+s13+$0x0], $0xffff  }
0x1ce: {  	v32 =	vunpack.i.u.bf16.f32 v22;
	v22 =	vunpack.i.l.bf16.f32 v22;
	v21 =	vmul.bf16 v25, v21;
	v25 =	vld.idx.msk [tilespmem:v29+s15+$0x0], $0xffff  }
0x1cf: {  	v18 =	vor.u32 v12, v18;
	v16 =	vadd.f32 v22, v16;
	v19 =	vadd.f32 v32, v19;
	v22 =	vld.idx.msk [tilespmem:v26+s13+$0x0], $0xffff  }
0x1d0: {  	v29 =	vunpack.i.u.bf16.f32 v21;
	v21 =	vunpack.i.l.bf16.f32 v21;
	v20 =	vmul.bf16 v31, v20;
	v26 =	vld.idx.msk [tilespmem:v26+s15+$0x0], $0xffff  }
0x1d1: {  	v17 =	vor.u32 v12, v17;
	v16 =	vadd.f32 v21, v16;
	v19 =	vadd.f32 v29, v19;
	v21 =	vld.idx.msk [tilespmem:v27+s13+$0x0], $0xffff  }
0x1d2: {  	v29 =	vunpack.i.u.bf16.f32 v20;
	v20 =	vunpack.i.l.bf16.f32 v20;
	v23 =	vmul.bf16 v30, v23;
	v27 =	vld.idx.msk [tilespmem:v27+s15+$0x0], $0xffff  }
0x1d3: {  	v30 =	vor.u32 v12, v15;
	v20 =	vadd.f32 v20, v16;
	v19 =	vadd.f32 v29, v19;
	v29 =	vld.idx.msk [tilespmem:v24+s13+$0x0], $0xffff  }
0x1d4: {  	v15 =	vunpack.i.u.bf16.f32 v23;
	v23 =	vunpack.i.l.bf16.f32 v23;
	v25 =	vmul.bf16 v25, v28;
	v24 =	vld.idx.msk [tilespmem:v24+s15+$0x0], $0xffff  }
0x1d5: {  	v16 =	vor.u32 s0, v14;
	v20 =	vadd.f32 v23, v20;
	v19 =	vadd.f32 v15, v19;
	v23 =	vld.idx.msk [tilespmem:v18+s13+$0x0], $0xffff  }
0x1d6: {  	s6 =	sadd.s32 $0xF, s0;
	v28 =	vunpack.i.u.bf16.f32 v25;
	v25 =	vunpack.i.l.bf16.f32 v25;
	v22 =	vmul.bf16 v26, v22;
	v26 =	vld.idx.msk [tilespmem:v18+s15+$0x0], $0xffff  }
0x1d7: {  	v15 =	vadd.s32 s6, v0;
	v18 =	vadd.f32 v25, v20;
	v19 =	vadd.f32 v28, v19;
	v20 =	vld.idx.msk [tilespmem:v17+s13+$0x0], $0xffff  }
0x1d8: {  	s6 =	sadd.s32 $0xE, s0;
	v25 =	vunpack.i.u.bf16.f32 v22;
	v22 =	vunpack.i.l.bf16.f32 v22;
	v21 =	vmul.bf16 v27, v21;
	v27 =	vld.idx.msk [tilespmem:v17+s15+$0x0], $0xffff  }
0x1d9: {  	v17 =	vadd.s32 s6, v0;
	v22 =	vadd.f32 v22, v18;
	v19 =	vadd.f32 v25, v19;
	v28 =	vld.idx.msk [tilespmem:v30+s13+$0x0], $0xffff  }
0x1da: {  	s6 =	sadd.s32 $0xD, s0;
	v25 =	vunpack.i.u.bf16.f32 v21;
	v21 =	vunpack.i.l.bf16.f32 v21;
	v24 =	vmul.bf16 v24, v29;
	v29 =	vld.idx.msk [tilespmem:v30+s15+$0x0], $0xffff  }
0x1db: {  	v18 =	vadd.s32 s6, v0;
	v21 =	vadd.f32 v21, v22;
	v22 =	vadd.f32 v25, v19  }
.Ltmp15:
0x1dc: {  	s6 =	sadd.s32 $0x2, s0;
	v25 =	vunpack.i.u.bf16.f32 v24;
	v24 =	vunpack.i.l.bf16.f32 v24;
	v23 =	vmul.bf16 v26, v23;
	(pc) =	sbr.rel @p1 .LBB2_13-.Ltmp15, $4  }
0x1dd: {  	v19 =	vadd.s32 s6, v0;
	v21 =	vadd.f32 v24, v21;
	v22 =	vadd.f32 v25, v22  }
0x1de: {  	s6 =	sadd.s32 $0x1, s0;
	v24 =	vunpack.i.u.bf16.f32 v23;
	v23 =	vunpack.i.l.bf16.f32 v23;
	v25 =	vmul.bf16 v27, v20  }
0x1df: {  	v20 =	vadd.s32 s6, v0;
	v21 =	vadd.f32 v23, v21;
	v22 =	vadd.f32 v24, v22  }
0x1e0: {  	s0 =	sadd.s32 $0x10, s0;
	v24 =	vunpack.i.u.bf16.f32 v25;
	v25 =	vunpack.i.l.bf16.f32 v25;
	v23 =	vmul.bf16 v29, v28  }
0x1e1: {  	v14 =	vand.u32 $0x3F, v20;
	v50 =	vadd.f32 v25, v21  }
0x1e2: {  	v51 =	vadd.f32 v24, v22;
	v19 =	vand.u32 $0x3F, v19;
	v17 =	vand.u32 $0x3F, v17  }
0x1e3: {  	v15 =	vand.u32 $0x3F, v15;
	v18 =	vand.u32 $0x3F, v18;
	v14 =	vor.u32 v12, v14  }
0x1e4: {  	s0 =	sadd.s32 $0x3, s2;
	s6 =	sadd.s32 $0xC, s2;
	s17 =	sadd.s32 $0xA, s2;
	v52 =	vunpack.i.l.bf16.f32 v23;
	v53 =	vunpack.i.u.bf16.f32 v23;
	v19 =	vor.u32 v12, v19  }
0x1e5: {  	s11 =	sadd.s32 $0xB, s2;
	s20 =	sadd.s32 $0x4, s2;
	v54 =	vadd.s32 s0, v0;
	v55 =	vadd.s32 s6, v0;
	v56 =	vadd.s32 s17, v0  }
0x1e6: {  	v57 =	vld.idx.msk [tilespmem:v16+s13+$0x0], $0xffff;
	v26 =	vadd.s32 s11, v0;
	v27 =	vadd.s32 s20, v0;
	v22 =	vand.u32 $0x3F, v54  }
0x1e7: {  	v58 =	vld.idx.msk [tilespmem:v16+s15+$0x0], $0xffff;
	s17 =	sadd.s32 $0x9, s2;
	s20 =	sadd.s32 $0x7, s2;
	v20 =	vadd.f32 v52, v50;
	v21 =	vadd.f32 v53, v51;
	v22 =	vor.u32 v12, v22  }
0x1e8: {  	s11 =	sadd.s32 $0x8, s2;
	v28 =	vadd.s32 s17, v0;
	v27 =	vand.u32 $0x3F, v27;
	s17 =	sadd.s32 $0x5, s2;
	v29 =	vadd.s32 s20, v0;
	v30 =	vld.idx.msk [tilespmem:v14+s13+$0x0], $0xffff  }
0x1e9: {  	v31 =	vadd.s32 s11, v0;
	v27 =	vor.u32 v12, v27;
	v32 =	vadd.s32 s17, v0;
	v14 =	vld.idx.msk [tilespmem:v14+s15+$0x0], $0xffff  }
0x1ea: {  	s20 =	sadd.s32 $0x6, s2;
	v23 =	vand.u32 $0x3F, v55;
	v24 =	vand.u32 $0x3F, v56;
	v32 =	vand.u32 $0x3F, v32;
	v34 =	vld.idx.msk [tilespmem:v19+s13+$0x0], $0xffff  }
0x1eb: {  	v26 =	vand.u32 $0x3F, v26;
	v33 =	vadd.s32 s20, v0;
	v32 =	vor.u32 v12, v32;
	v19 =	vld.idx.msk [tilespmem:v19+s15+$0x0], $0xffff  }
0x1ec: {  	v59 =	vand.u32 $0x3F, v29;
	v33 =	vand.u32 $0x3F, v33;
	v16 =	vmul.bf16 v58, v57;
	v35 =	vld.idx.msk [tilespmem:v22+s13+$0x0], $0xffff  }
0x1ed: {  	v31 =	vand.u32 $0x38, v31;
	v28 =	vand.u32 $0x3F, v28;
	v60 =	vor.u32 v12, v33;
	v22 =	vld.idx.msk [tilespmem:v22+s15+$0x0], $0xffff  }
0x1ee: {  	v36 =	vunpack.i.u.bf16.f32 v16;
	v16 =	vunpack.i.l.bf16.f32 v16;
	v61 =	vld.idx.msk [tilespmem:v27+s13+$0x0], $0xffff;
	v14 =	vmul.bf16 v14, v30  }
0x1ef: {  	v25 =	vor.u32 v12, v59;
	v27 =	vld.idx.msk [tilespmem:v27+s15+$0x0], $0xffff;
	v16 =	vadd.f32 v16, v20;
	v62 =	vadd.f32 v36, v21  }
0x1f0: {  	v63 =	vld.idx.msk [tilespmem:v32+s13+$0x0], $0xffff;
	v19 =	vmul.bf16 v19, v34;
	v30 =	vunpack.i.u.bf16.f32 v14;
	v14 =	vunpack.i.l.bf16.f32 v14  }
0x1f1: {  	v13 =	vor.u32 v31, v13;
	v34 =	vld.idx.msk [tilespmem:v32+s15+$0x0], $0xffff;
	v14 =	vadd.f32 v14, v16;
	v36 =	vadd.f32 v30, v62  }
0x1f2: {  	v37 =	vld.idx.msk [tilespmem:v60+s13+$0x0], $0xffff;
	v38 =	vunpack.i.u.bf16.f32 v19;
	v19 =	vunpack.i.l.bf16.f32 v19;
	v22 =	vmul.bf16 v22, v35  }
0x1f3: {  	v28 =	vor.u32 v12, v28;
	v29 =	vld.idx.msk [tilespmem:v60+s15+$0x0], $0xffff;
	v14 =	vadd.f32 v19, v14;
	v16 =	vadd.f32 v38, v36  }
0x1f4: {  	v39 =	vld.idx.msk [tilespmem:v25+s13+$0x0], $0xffff;
	v27 =	vmul.bf16 v27, v61;
	v40 =	vunpack.i.u.bf16.f32 v22;
	v22 =	vunpack.i.l.bf16.f32 v22  }
0x1f5: {  	v24 =	vor.u32 v12, v24;
	v25 =	vld.idx.msk [tilespmem:v25+s15+$0x0], $0xffff;
	v14 =	vadd.f32 v22, v14;
	v16 =	vadd.f32 v40, v16  }
0x1f6: {  	v41 =	vld.idx.msk [tilespmem:v13+s13+$0x0], $0xffff;
	v42 =	vunpack.i.u.bf16.f32 v27;
	v27 =	vunpack.i.l.bf16.f32 v27;
	v21 =	vmul.bf16 v34, v63  }
0x1f7: {  	v26 =	vor.u32 v12, v26;
	v13 =	vld.idx.msk [tilespmem:v13+s15+$0x0], $0xffff;
	v14 =	vadd.f32 v27, v14;
	v16 =	vadd.f32 v42, v16  }
0x1f8: {  	v43 =	vld.idx.msk [tilespmem:v28+s13+$0x0], $0xffff;
	v20 =	vmul.bf16 v29, v37;
	v44 =	vunpack.i.u.bf16.f32 v21;
	v21 =	vunpack.i.l.bf16.f32 v21  }
0x1f9: {  	v23 =	vor.u32 v12, v23;
	v28 =	vld.idx.msk [tilespmem:v28+s15+$0x0], $0xffff;
	v14 =	vadd.f32 v21, v14;
	v16 =	vadd.f32 v44, v16  }
0x1fa: {  	v45 =	vld.idx.msk [tilespmem:v24+s13+$0x0], $0xffff;
	v19 =	vmul.bf16 v25, v39;
	v29 =	vunpack.i.u.bf16.f32 v20;
	v20 =	vunpack.i.l.bf16.f32 v20  }
0x1fb: {  	v18 =	vor.u32 v12, v18;
	v24 =	vld.idx.msk [tilespmem:v24+s15+$0x0], $0xffff;
	v14 =	vadd.f32 v20, v14;
	v16 =	vadd.f32 v29, v16  }
0x1fc: {  	v46 =	vld.idx.msk [tilespmem:v26+s13+$0x0], $0xffff;
	v13 =	vmul.bf16 v13, v41;
	v25 =	vunpack.i.u.bf16.f32 v19;
	v19 =	vunpack.i.l.bf16.f32 v19  }
0x1fd: {  	v17 =	vor.u32 v12, v17;
	v47 =	vld.idx.msk [tilespmem:v26+s15+$0x0], $0xffff;
	v14 =	vadd.f32 v19, v14;
	v16 =	vadd.f32 v25, v16  }
0x1fe: {  	v48 =	vld.idx.msk [tilespmem:v23+s13+$0x0], $0xffff;
	v50 =	vmul.bf16 v28, v43;
	v49 =	vunpack.i.u.bf16.f32 v13;
	v13 =	vunpack.i.l.bf16.f32 v13  }
0x1ff: {  	v51 =	vor.u32 v12, v15;
	v52 =	vld.idx.msk [tilespmem:v23+s15+$0x0], $0xffff;
	v13 =	vadd.f32 v13, v14;
	v53 =	vadd.f32 v49, v16  }
0x200: {  	v54 =	vld.idx.msk [tilespmem:v18+s13+$0x0], $0xffff;
	v55 =	vunpack.i.u.bf16.f32 v50;
	v56 =	vunpack.i.l.bf16.f32 v50;
	v21 =	vmul.bf16 v24, v45  }
0x201: {  	v18 =	vld.idx.msk [tilespmem:v18+s15+$0x0], $0xffff;
	v13 =	vadd.f32 v56, v13;
	v14 =	vadd.f32 v55, v53  }
0x202: {  	v57 =	vld.idx.msk [tilespmem:v17+s13+$0x0], $0xffff;
	v24 =	vunpack.i.u.bf16.f32 v21;
	v21 =	vunpack.i.l.bf16.f32 v21;
	v20 =	vmul.bf16 v47, v46  }
0x203: {  	v17 =	vld.idx.msk [tilespmem:v17+s15+$0x0], $0xffff;
	v13 =	vadd.f32 v21, v13;
	v14 =	vadd.f32 v24, v14  }
0x204: {  	v58 =	vld.idx.msk [tilespmem:v51+s13+$0x0], $0xffff;
	v15 =	vmul.bf16 v52, v48;
	v22 =	vunpack.i.u.bf16.f32 v20;
	v20 =	vunpack.i.l.bf16.f32 v20  }
0x205: {  	v12 =	vld.idx.msk [tilespmem:v51+s15+$0x0], $0xffff;
	v13 =	vadd.f32 v20, v13;
	v14 =	vadd.f32 v22, v14  }
0x206: {  	v19 =	vunpack.i.u.bf16.f32 v15;
	v15 =	vunpack.i.l.bf16.f32 v15;
	v16 =	vmul.bf16 v18, v54  }
0x207: {  	v13 =	vadd.f32 v15, v13;
	v14 =	vadd.f32 v19, v14  }
0x208: {  	v17 =	vmul.bf16 v17, v57;
	v59 =	vunpack.i.u.bf16.f32 v16;
	v16 =	vunpack.i.l.bf16.f32 v16  }
0x209: {  	v13 =	vadd.f32 v16, v13;
	v14 =	vadd.f32 v59, v14  }
0x20a: {  	v12 =	vmul.bf16 v12, v58;
	v60 =	vunpack.i.u.bf16.f32 v17;
	v61 =	vunpack.i.l.bf16.f32 v17  }
0x20b: {  	v13 =	vadd.f32 v61, v13;
	v14 =	vadd.f32 v60, v14  }
0x20c: {  	v62 =	vunpack.i.u.bf16.f32 v12;
	v12 =	vunpack.i.l.bf16.f32 v12  }
0x20d: {  	v12 =	vadd.f32 v12, v13;
	v63 =	vadd.f32 v62, v14;
	_ =	sdelay $0x1  }
0x20e: {  	v12 =	vadd.f32 v63, v12;
	_ =	sdelay $0x1  }
0x20f: {  	v12 =	vsub.f32 $0.0e+00, v12;
	_ =	sdelay $0x1  }
0x210: {  	v12 =	vmul.f32 $1.442695020e+00, v12;
	_ =	sdelay $0x1  }
0x211: {  	(erf) = vpow2.f32 v12;
	_ =	sdelay $0x8  }
0x212: {  	v12 =	vpop (erf)  }
0x213: {  	v12 =	vadd.f32 $1.000000000e+00, v12;
	_ =	sdelay $0x1  }
0x214: {  	(erf) = vrcp.f32 v12;
	_ =	sdelay $0x3  }
0x215: {  	s30 =	sadd.s32 $0x1, s30  }
0x216: {  	p1 =	seq.s32 s30, $0xA  }
.Ltmp16:
0x217: {  	_ = 	snop;
	(pc) =	sbr.rel @!p1 .LBB2_12-.Ltmp16, $3  }
0x218: {  	_ =	sdelay $0x1  }
0x219: {  	v12 =	vpop (erf)  }
0x21a: {  	[tilespmem:v11+s31+$0x0 ss:$0x1] =	vst.idx.msk $0xffff, v12  }
.LBB2_19:
0x21b: {  	p1 =	sgt.u32 s26, $0x3B  }
.Ltmp17:
0x21c: {  	_ = 	snop;
	(pc) =	sbr.rel @p1 .LBB2_27-.Ltmp17, $2  }
0x21d: {  	_ =	sdelay $0x2  }
0x21e: {  	s0 =	sadd.s32 $0x2, s26  }
0x21f: {  	s0 =	smul.u32 $0xA0, s0  }
.Ltmp18:
0x220: {  	_ = 	snop;
	(pc) =	sbr.rel .LBB2_21-.Ltmp18, $4  }
0x221: {  	_ = 	snop  }
0x222: {  	[tilespmem:s13], [sflag:$0x1] =	stream.indirect.gather [spmem:s3], $0x40, s0, s14, $0xb8;
	[tilespmem:$0x1D970] =	vst v63  }
0x223: {  	s0 =	sadd.s32 $0x2710, s0  }
0x224: {  	[tilespmem:s15], [sflag:$0x1] =	stream.indirect.gather [spmem:s3], $0x40, s0, s14, $0xb8;
	[tilespmem:$0x1D970] =	vst v63  }
.LBB2_27:
0x225: {  	p1 =	sne.s32 s0, $0x3E  }
.Ltmp19:
0x226: {  	_ = 	snop;
	(pc) =	sbr.rel @p1 .LBB2_21-.Ltmp19, $1  }
0x227: {  	_ =	sdelay $0x3  }
.Ltmp20:
0x228: {  	(pc) =	sbr.rel .LBB2_34-.Ltmp20, $4  }
0x229: {  	_ = 	snop  }
0x22a: {  	[tilespmem:s13], [sflag:$0x1] =	stream.indirect.gather [spmem:s3], $0x40, s23, s22, $0xb8;
	[tilespmem:$0x1D970] =	vst v63  }
0x22b: {  	_ = 	snop  }
0x22c: {  	[tilespmem:s15], [sflag:$0x1] =	stream.indirect.gather [spmem:s3], $0x40, s24, s22, $0xb8;
	[tilespmem:$0x1D970] =	vst v63  }
.LBB2_21:
0x22d: {  	p1 =	seq.s32 s28, $0x0  }
.Ltmp21:
0x22e: {  	_ = 	snop;
	(pc) =	sbr.rel @p1 .LBB2_34-.Ltmp21, $1  }
0x22f: {  	_ =	sdelay $0x3  }
.LBB2_22:
0x230: {  	p1 =	seq.s32 s26, $0x3E  }
.Ltmp22:
0x231: {  	_ = 	snop;
	(pc) =	sbr.rel @!p1 .LBB2_23-.Ltmp22, $1  }
0x232: {  	_ =	sdelay $0x3  }
0x233: {  	_ =	swait.ge [sflag:s19], $0x1400  }
0x234: {  	[sflag:s19] =	ssyncset.done $0x0  }
0x235: {  	[sflag:s19] =	ssyncadd.s32 $0xFFFFEC00  }
0x236: {  	_ =	swait.ge [sflag:s19], $0x1400  }
0x237: {  	[sflag:s19] =	ssyncset.done $0x0  }
0x238: {  	s28 =	simm.s32 $0x0;
	s29 =	simm.s32 $0x0;
	[sflag:s19] =	ssyncadd.s32 $0xFFFFEC00  }
.LBB2_30:
0x239: {  	s30 =	sshll.u32 s29, $0x4  }
0x23a: {  	s2 =	simm.s32 $0x1;
	v11 =	vmov s30  }
0x23b: {  	v17 =	vadd.s32 s2, v0;
	v11 =	vshll.u32 v11, $0x6  }
0x23c: {  	v17 =	vand.u32 $0x3F, v17;
	v11 =	vor.u32 v9, v11  }
0x23d: {  	v17 =	vor.u32 v11, v17  }
0x23e: {  	s6 =	simm.s32 $0x2;
	v13 =	vor.u32 v0, v11  }
0x23f: {  	s0 =	simm.s32 $0xF;
	v19 =	vadd.s32 s6, v0;
	v15 =	vor.u32 s28, v13  }
0x240: {  	v14 =	vimm.f32 $0.0e+00;
	s31 =	simm.s32 $0xE;
	v16 =	vadd.s32 s0, v0;
	s6 =	simm.s32 $0x3;
	v19 =	vand.u32 $0x3F, v19  }
0x241: {  	s11 =	simm.s32 $0xC;
	s17 =	simm.s32 $0xA;
	v18 =	vadd.s32 s31, v0;
	v21 =	vadd.s32 s6, v0;
	v19 =	vor.u32 v11, v19  }
0x242: {  	s20 =	simm.s32 $0xB;
	v22 =	vadd.s32 s11, v0;
	s31 =	simm.s32 $0x4;
	v23 =	vadd.s32 s17, v0;
	v21 =	vand.u32 $0x3F, v21;
	v30 =	vld.idx.msk [tilespmem:v17+s16+$0x0], $0xffff  }
0x243: {  	s2 =	simm.s32 $0xD;
	s11 =	simm.s32 $0x9;
	v24 =	vadd.s32 s20, v0;
	v26 =	vadd.s32 s31, v0;
	v21 =	vor.u32 v11, v21;
	v17 =	vld.idx.msk [tilespmem:v17+s18+$0x0], $0xffff  }
0x244: {  	s17 =	simm.s32 $0x8;
	s20 =	simm.s32 $0x5;
	v20 =	vadd.s32 s2, v0;
	v27 =	vadd.s32 s11, v0;
	v26 =	vand.u32 $0x3F, v26;
	v25 =	vld.idx.msk [tilespmem:v15+s16+$0x0], $0xffff  }
0x245: {  	v29 =	vadd.s32 s17, v0;
	v31 =	vadd.s32 s20, v0;
	v26 =	vor.u32 v11, v26;
	v15 =	vld.idx.msk [tilespmem:v15+s18+$0x0], $0xffff  }
0x246: {  	v18 =	vand.u32 $0x3F, v18;
	v16 =	vand.u32 $0x3F, v16;
	v31 =	vand.u32 $0x3F, v31;
	v33 =	vld.idx.msk [tilespmem:v19+s16+$0x0], $0xffff  }
0x247: {  	s6 =	simm.s32 $0x7;
	s31 =	simm.s32 $0x6;
	v22 =	vand.u32 $0x3F, v22;
	v23 =	vand.u32 $0x3F, v23;
	v31 =	vor.u32 v11, v31;
	v19 =	vld.idx.msk [tilespmem:v19+s18+$0x0], $0xffff  }
0x248: {  	v24 =	vand.u32 $0x3F, v24;
	v28 =	vadd.s32 s6, v0;
	v32 =	vadd.s32 s31, v0;
	v34 =	vld.idx.msk [tilespmem:v21+s16+$0x0], $0xffff  }
0x249: {  	v29 =	vand.u32 $0x38, v29;
	v27 =	vand.u32 $0x3F, v27;
	v22 =	vor.u32 v11, v22;
	v21 =	vld.idx.msk [tilespmem:v21+s18+$0x0], $0xffff  }
0x24a: {  	v32 =	vand.u32 $0x3F, v32;
	v28 =	vand.u32 $0x3F, v28;
	v57 =	vld.idx.msk [tilespmem:v26+s16+$0x0], $0xffff;
	v15 =	vmul.bf16 v15, v25  }
0x24b: {  	v12 =	vor.u32 v10, v11;
	v28 =	vor.u32 v11, v28;
	v26 =	vld.idx.msk [tilespmem:v26+s18+$0x0], $0xffff;
	v25 =	vor.u32 v11, v32  }
0x24c: {  	v58 =	vld.idx.msk [tilespmem:v31+s16+$0x0], $0xffff;
	v17 =	vmul.bf16 v17, v30;
	v35 =	vunpack.i.u.bf16.f32 v15;
	v15 =	vunpack.i.l.bf16.f32 v15  }
0x24d: {  	v29 =	vor.u32 v29, v12;
	v31 =	vld.idx.msk [tilespmem:v31+s18+$0x0], $0xffff;
	v15 =	vadd.f32 v15, v14;
	v14 =	vadd.f32 v35, v14  }
0x24e: {  	v63 =	vld.idx.msk [tilespmem:v22+s16+$0x0], $0xffff;
	v19 =	vmul.bf16 v19, v33;
	v59 =	vunpack.i.u.bf16.f32 v17;
	v17 =	vunpack.i.l.bf16.f32 v17  }
0x24f: {  	v22 =	vld.idx.msk [tilespmem:v22+s18+$0x0], $0xffff;
	v21 =	vmul.bf16 v21, v34;
	v15 =	vadd.f32 v17, v15;
	v14 =	vadd.f32 v59, v14  }
0x250: {  	v33 =	vunpack.i.u.bf16.f32 v19;
	v19 =	vunpack.i.l.bf16.f32 v19;
	v17 =	vor.u32 v11, v27;
	v27 =	vld.idx.msk [tilespmem:v25+s16+$0x0], $0xffff  }
0x251: {  	v26 =	vmul.bf16 v26, v57;
	v25 =	vld.idx.msk [tilespmem:v25+s18+$0x0], $0xffff;
	v15 =	vadd.f32 v19, v15;
	v14 =	vadd.f32 v33, v14  }
0x252: {  	v60 =	vunpack.i.u.bf16.f32 v21;
	v21 =	vunpack.i.l.bf16.f32 v21;
	v19 =	vor.u32 v11, v23;
	v23 =	vld.idx.msk [tilespmem:v28+s16+$0x0], $0xffff  }
0x253: {  	v30 =	vmul.bf16 v31, v58;
	v28 =	vld.idx.msk [tilespmem:v28+s18+$0x0], $0xffff;
	v15 =	vadd.f32 v21, v15;
	v14 =	vadd.f32 v60, v14  }
0x254: {  	v32 =	vunpack.i.u.bf16.f32 v26;
	v26 =	vunpack.i.l.bf16.f32 v26;
	v21 =	vor.u32 v11, v24;
	v24 =	vld.idx.msk [tilespmem:v29+s16+$0x0], $0xffff  }
0x255: {  	v20 =	vand.u32 $0x3F, v20;
	v29 =	vld.idx.msk [tilespmem:v29+s18+$0x0], $0xffff;
	v15 =	vadd.f32 v26, v15;
	v14 =	vadd.f32 v32, v14  }
0x256: {  	v31 =	vunpack.i.u.bf16.f32 v30;
	v30 =	vunpack.i.l.bf16.f32 v30;
	v25 =	vmul.bf16 v25, v27;
	v26 =	vld.idx.msk [tilespmem:v17+s16+$0x0], $0xffff  }
0x257: {  	v20 =	vor.u32 v11, v20;
	v17 =	vld.idx.msk [tilespmem:v17+s18+$0x0], $0xffff;
	v15 =	vadd.f32 v30, v15;
	v14 =	vadd.f32 v31, v14  }
0x258: {  	v27 =	vld.idx.msk [tilespmem:v19+s16+$0x0], $0xffff;
	v61 =	vunpack.i.u.bf16.f32 v25;
	v25 =	vunpack.i.l.bf16.f32 v25;
	v23 =	vmul.bf16 v28, v23  }
0x259: {  	v18 =	vor.u32 v11, v18;
	v19 =	vld.idx.msk [tilespmem:v19+s18+$0x0], $0xffff;
	v15 =	vadd.f32 v25, v15;
	v14 =	vadd.f32 v61, v14  }
0x25a: {  	v28 =	vunpack.i.u.bf16.f32 v23;
	v23 =	vunpack.i.l.bf16.f32 v23;
	v24 =	vmul.bf16 v29, v24;
	v25 =	vld.idx.msk [tilespmem:v21+s16+$0x0], $0xffff  }
0x25b: {  	v62 =	vor.u32 v11, v16;
	v21 =	vld.idx.msk [tilespmem:v21+s18+$0x0], $0xffff;
	v23 =	vadd.f32 v23, v15;
	v14 =	vadd.f32 v28, v14  }
0x25c: {  	v16 =	vunpack.i.u.bf16.f32 v24;
	v24 =	vunpack.i.l.bf16.f32 v24;
	v17 =	vmul.bf16 v17, v26  }
0x25d: {  	v22 =	vmul.bf16 v22, v63;
	v23 =	vadd.f32 v24, v23;
	v16 =	vadd.f32 v16, v14  }
0x25e: {  	s2 =	simm.s32 $0x10;
	v19 =	vmul.bf16 v19, v27;
	v26 =	vunpack.i.u.bf16.f32 v17;
	v17 =	vunpack.i.l.bf16.f32 v17;
	v24 =	vld.idx.msk [tilespmem:v20+s16+$0x0], $0xffff  }
0x25f: {  	v15 =	vor.u32 s2, v13;
	v20 =	vld.idx.msk [tilespmem:v20+s18+$0x0], $0xffff;
	v17 =	vadd.f32 v17, v23;
	v23 =	vadd.f32 v26, v16  }
0x260: {  	s6 =	simm.s32 $0x1F;
	v27 =	vunpack.i.u.bf16.f32 v19;
	v19 =	vunpack.i.l.bf16.f32 v19;
	v21 =	vmul.bf16 v21, v25;
	v25 =	vld.idx.msk [tilespmem:v18+s18+$0x0], $0xffff  }
0x261: {  	s11 =	simm.s32 $0x1E;
	v14 =	vadd.s32 s6, v0;
	v26 =	vld.idx.msk [tilespmem:v18+s16+$0x0], $0xffff;
	v18 =	vadd.f32 v19, v17;
	v19 =	vadd.f32 v27, v23  }
0x262: {  	s17 =	simm.s32 $0x1D;
	v28 =	vld.idx.msk [tilespmem:v62+s18+$0x0], $0xffff;
	v16 =	vadd.s32 s11, v0;
	v23 =	vunpack.i.u.bf16.f32 v21;
	v21 =	vunpack.i.l.bf16.f32 v21  }
0x263: {  	v27 =	vld.idx.msk [tilespmem:v62+s16+$0x0], $0xffff;
	v17 =	vadd.s32 s17, v0;
	v21 =	vadd.f32 v21, v18;
	v19 =	vadd.f32 v23, v19  }
0x264: {  	s20 =	simm.s32 $0x12;
	v20 =	vmul.bf16 v20, v24;
	v23 =	vunpack.i.u.bf16.f32 v22;
	v22 =	vunpack.i.l.bf16.f32 v22  }
0x265: {  	v18 =	vadd.s32 s20, v0;
	v21 =	vadd.f32 v22, v21;
	v22 =	vadd.f32 v23, v19  }
0x266: {  	s31 =	simm.s32 $0x11;
	v24 =	vmul.bf16 v25, v26;
	v23 =	vunpack.i.u.bf16.f32 v20;
	v20 =	vunpack.i.l.bf16.f32 v20  }
0x267: {  	v19 =	vadd.s32 s31, v0;
	v20 =	vadd.f32 v20, v21;
	v21 =	vadd.f32 v23, v22  }
0x268: {  	s0 =	simm.s32 $0x20;
	v23 =	vunpack.i.u.bf16.f32 v24;
	v24 =	vunpack.i.l.bf16.f32 v24;
	v22 =	vmul.bf16 v28, v27  }
.LBB2_31:
0x269: {  	p1 =	slt.u32 s0, $0x30;
	v19 =	vand.u32 $0x3F, v19;
	v20 =	vadd.f32 v24, v20;
	v21 =	vadd.f32 v23, v21  }
0x26a: {  	v19 =	vor.u32 v11, v19;
	v23 =	vunpack.i.u.bf16.f32 v22;
	v22 =	vunpack.i.l.bf16.f32 v22  }
0x26b: {  	v18 =	vand.u32 $0x3F, v18;
	s6 =	sadd.s32 $0x3, s2;
	s11 =	sadd.s32 $0xC, s2;
	v20 =	vadd.f32 v22, v20;
	v21 =	vadd.f32 v23, v21  }
0x26c: {  	s17 =	sadd.s32 $0xB, s2;
	v18 =	vor.u32 v11, v18;
	v22 =	vadd.s32 s6, v0;
	s6 =	sadd.s32 $0xA, s2;
	v23 =	vadd.s32 s11, v0  }
0x26d: {  	s20 =	sadd.s32 $0x9, s2;
	v26 =	vadd.s32 s17, v0;
	s11 =	sadd.s32 $0x4, s2;
	v22 =	vand.u32 $0x3F, v22;
	v25 =	vadd.s32 s6, v0;
	v24 =	vld.idx.msk [tilespmem:v15+s16+$0x0], $0xffff  }
0x26e: {  	v28 =	vadd.s32 s20, v0;
	v27 =	vadd.s32 s11, v0;
	s6 =	sadd.s32 $0x7, s2;
	s11 =	sadd.s32 $0x8, s2;
	v22 =	vor.u32 v11, v22;
	v15 =	vld.idx.msk [tilespmem:v15+s18+$0x0], $0xffff  }
0x26f: {  	s17 =	sadd.s32 $0x5, s2;
	s20 =	sadd.s32 $0x6, s2;
	s2 =	smov.u32 s0;
	v27 =	vand.u32 $0x3F, v27;
	v30 =	vadd.s32 s6, v0;
	v31 =	vadd.s32 s11, v0;
	v29 =	vld.idx.msk [tilespmem:v19+s16+$0x0], $0xffff  }
0x270: {  	v32 =	vadd.s32 s17, v0;
	v33 =	vadd.s32 s20, v0;
	v27 =	vor.u32 v11, v27;
	v19 =	vld.idx.msk [tilespmem:v19+s18+$0x0], $0xffff  }
0x271: {  	v16 =	vand.u32 $0x3F, v16;
	v14 =	vand.u32 $0x3F, v14;
	v32 =	vand.u32 $0x3F, v32;
	v34 =	vld.idx.msk [tilespmem:v18+s16+$0x0], $0xffff  }
0x272: {  	v17 =	vand.u32 $0x3F, v17;
	v23 =	vand.u32 $0x3F, v23;
	v32 =	vor.u32 v11, v32;
	v18 =	vld.idx.msk [tilespmem:v18+s18+$0x0], $0xffff  }
0x273: {  	v26 =	vand.u32 $0x3F, v26;
	v33 =	vand.u32 $0x3F, v33;
	v25 =	vand.u32 $0x3F, v25;
	v35 =	vld.idx.msk [tilespmem:v22+s16+$0x0], $0xffff  }
0x274: {  	v30 =	vand.u32 $0x3F, v30;
	v15 =	vmul.bf16 v15, v24;
	v24 =	vor.u32 v11, v33;
	v22 =	vld.idx.msk [tilespmem:v22+s18+$0x0], $0xffff  }
0x275: {  	v28 =	vand.u32 $0x3F, v28;
	v31 =	vand.u32 $0x38, v31;
	v30 =	vor.u32 v11, v30;
	v33 =	vld.idx.msk [tilespmem:v27+s16+$0x0], $0xffff  }
0x276: {  	v36 =	vunpack.i.u.bf16.f32 v15;
	v15 =	vunpack.i.l.bf16.f32 v15;
	v19 =	vmul.bf16 v19, v29;
	v27 =	vld.idx.msk [tilespmem:v27+s18+$0x0], $0xffff  }
0x277: {  	v29 =	vor.u32 v31, v12;
	v15 =	vadd.f32 v15, v20;
	v20 =	vadd.f32 v36, v21;
	v21 =	vld.idx.msk [tilespmem:v32+s16+$0x0], $0xffff  }
0x278: {  	v31 =	vunpack.i.u.bf16.f32 v19;
	v19 =	vunpack.i.l.bf16.f32 v19;
	v18 =	vmul.bf16 v18, v34;
	v32 =	vld.idx.msk [tilespmem:v32+s18+$0x0], $0xffff  }
0x279: {  	v28 =	vor.u32 v11, v28;
	v15 =	vadd.f32 v19, v15;
	v19 =	vadd.f32 v31, v20;
	v20 =	vld.idx.msk [tilespmem:v24+s16+$0x0], $0xffff  }
0x27a: {  	v31 =	vunpack.i.u.bf16.f32 v18;
	v18 =	vunpack.i.l.bf16.f32 v18;
	v22 =	vmul.bf16 v22, v35;
	v24 =	vld.idx.msk [tilespmem:v24+s18+$0x0], $0xffff  }
0x27b: {  	v25 =	vor.u32 v11, v25;
	v15 =	vadd.f32 v18, v15;
	v18 =	vadd.f32 v31, v19;
	v19 =	vld.idx.msk [tilespmem:v30+s16+$0x0], $0xffff  }
0x27c: {  	v31 =	vunpack.i.u.bf16.f32 v22;
	v22 =	vunpack.i.l.bf16.f32 v22;
	v27 =	vmul.bf16 v27, v33;
	v30 =	vld.idx.msk [tilespmem:v30+s18+$0x0], $0xffff  }
0x27d: {  	v26 =	vor.u32 v11, v26;
	v15 =	vadd.f32 v22, v15;
	v18 =	vadd.f32 v31, v18;
	v22 =	vld.idx.msk [tilespmem:v29+s16+$0x0], $0xffff  }
0x27e: {  	v31 =	vunpack.i.u.bf16.f32 v27;
	v27 =	vunpack.i.l.bf16.f32 v27;
	v21 =	vmul.bf16 v32, v21;
	v29 =	vld.idx.msk [tilespmem:v29+s18+$0x0], $0xffff  }
0x27f: {  	v23 =	vor.u32 v11, v23;
	v15 =	vadd.f32 v27, v15;
	v18 =	vadd.f32 v31, v18;
	v27 =	vld.idx.msk [tilespmem:v28+s16+$0x0], $0xffff  }
0x280: {  	v31 =	vunpack.i.u.bf16.f32 v21;
	v21 =	vunpack.i.l.bf16.f32 v21;
	v20 =	vmul.bf16 v24, v20;
	v24 =	vld.idx.msk [tilespmem:v28+s18+$0x0], $0xffff  }
0x281: {  	v17 =	vor.u32 v11, v17;
	v15 =	vadd.f32 v21, v15;
	v18 =	vadd.f32 v31, v18;
	v21 =	vld.idx.msk [tilespmem:v25+s16+$0x0], $0xffff  }
0x282: {  	v28 =	vunpack.i.u.bf16.f32 v20;
	v20 =	vunpack.i.l.bf16.f32 v20;
	v19 =	vmul.bf16 v30, v19;
	v25 =	vld.idx.msk [tilespmem:v25+s18+$0x0], $0xffff  }
0x283: {  	v16 =	vor.u32 v11, v16;
	v15 =	vadd.f32 v20, v15;
	v18 =	vadd.f32 v28, v18;
	v20 =	vld.idx.msk [tilespmem:v26+s16+$0x0], $0xffff  }
0x284: {  	v28 =	vunpack.i.u.bf16.f32 v19;
	v19 =	vunpack.i.l.bf16.f32 v19;
	v22 =	vmul.bf16 v29, v22;
	v26 =	vld.idx.msk [tilespmem:v26+s18+$0x0], $0xffff  }
0x285: {  	v29 =	vor.u32 v11, v14;
	v19 =	vadd.f32 v19, v15;
	v18 =	vadd.f32 v28, v18;
	v28 =	vld.idx.msk [tilespmem:v23+s16+$0x0], $0xffff  }
0x286: {  	v14 =	vunpack.i.u.bf16.f32 v22;
	v22 =	vunpack.i.l.bf16.f32 v22;
	v24 =	vmul.bf16 v24, v27;
	v23 =	vld.idx.msk [tilespmem:v23+s18+$0x0], $0xffff  }
0x287: {  	v15 =	vor.u32 s0, v13;
	v19 =	vadd.f32 v22, v19;
	v18 =	vadd.f32 v14, v18;
	v22 =	vld.idx.msk [tilespmem:v17+s16+$0x0], $0xffff  }
0x288: {  	s6 =	sadd.s32 $0xF, s0;
	v27 =	vunpack.i.u.bf16.f32 v24;
	v24 =	vunpack.i.l.bf16.f32 v24;
	v21 =	vmul.bf16 v25, v21;
	v25 =	vld.idx.msk [tilespmem:v17+s18+$0x0], $0xffff  }
0x289: {  	v14 =	vadd.s32 s6, v0;
	v17 =	vadd.f32 v24, v19;
	v18 =	vadd.f32 v27, v18;
	v19 =	vld.idx.msk [tilespmem:v16+s16+$0x0], $0xffff  }
0x28a: {  	s6 =	sadd.s32 $0xE, s0;
	v24 =	vunpack.i.u.bf16.f32 v21;
	v21 =	vunpack.i.l.bf16.f32 v21;
	v20 =	vmul.bf16 v26, v20;
	v26 =	vld.idx.msk [tilespmem:v16+s18+$0x0], $0xffff  }
0x28b: {  	v16 =	vadd.s32 s6, v0;
	v21 =	vadd.f32 v21, v17;
	v18 =	vadd.f32 v24, v18;
	v27 =	vld.idx.msk [tilespmem:v29+s16+$0x0], $0xffff  }
0x28c: {  	s6 =	sadd.s32 $0xD, s0;
	v24 =	vunpack.i.u.bf16.f32 v20;
	v20 =	vunpack.i.l.bf16.f32 v20;
	v23 =	vmul.bf16 v23, v28;
	v28 =	vld.idx.msk [tilespmem:v29+s18+$0x0], $0xffff  }
0x28d: {  	v17 =	vadd.s32 s6, v0;
	v20 =	vadd.f32 v20, v21;
	v21 =	vadd.f32 v24, v18  }
.Ltmp23:
0x28e: {  	s6 =	sadd.s32 $0x2, s0;
	v24 =	vunpack.i.u.bf16.f32 v23;
	v23 =	vunpack.i.l.bf16.f32 v23;
	v22 =	vmul.bf16 v25, v22;
	(pc) =	sbr.rel @p1 .LBB2_31-.Ltmp23, $4  }
0x28f: {  	v18 =	vadd.s32 s6, v0;
	v20 =	vadd.f32 v23, v20;
	v21 =	vadd.f32 v24, v21  }
0x290: {  	s6 =	sadd.s32 $0x1, s0;
	v23 =	vunpack.i.u.bf16.f32 v22;
	v22 =	vunpack.i.l.bf16.f32 v22;
	v24 =	vmul.bf16 v26, v19  }
0x291: {  	v19 =	vadd.s32 s6, v0;
	v20 =	vadd.f32 v22, v20;
	v21 =	vadd.f32 v23, v21  }
0x292: {  	s0 =	sadd.s32 $0x10, s0;
	v23 =	vunpack.i.u.bf16.f32 v24;
	v24 =	vunpack.i.l.bf16.f32 v24;
	v22 =	vmul.bf16 v28, v27  }
0x293: {  	v13 =	vand.u32 $0x3F, v19;
	v51 =	vadd.f32 v24, v20  }
0x294: {  	v52 =	vadd.f32 v23, v21;
	v18 =	vand.u32 $0x3F, v18;
	v16 =	vand.u32 $0x3F, v16  }
0x295: {  	v14 =	vand.u32 $0x3F, v14;
	v17 =	vand.u32 $0x3F, v17;
	v13 =	vor.u32 v11, v13  }
0x296: {  	s0 =	sadd.s32 $0x3, s2;
	s6 =	sadd.s32 $0xC, s2;
	s17 =	sadd.s32 $0xA, s2;
	v53 =	vunpack.i.l.bf16.f32 v22;
	v54 =	vunpack.i.u.bf16.f32 v22;
	v18 =	vor.u32 v11, v18  }
0x297: {  	s11 =	sadd.s32 $0xB, s2;
	s20 =	sadd.s32 $0x4, s2;
	v55 =	vadd.s32 s0, v0;
	v56 =	vadd.s32 s6, v0;
	v57 =	vadd.s32 s17, v0  }
0x298: {  	v58 =	vld.idx.msk [tilespmem:v15+s16+$0x0], $0xffff;
	s31 =	sadd.s32 $0x9, s2;
	v25 =	vadd.s32 s11, v0;
	v26 =	vadd.s32 s20, v0;
	v21 =	vand.u32 $0x3F, v55  }
0x299: {  	v59 =	vld.idx.msk [tilespmem:v15+s18+$0x0], $0xffff;
	s11 =	sadd.s32 $0x7, s2;
	v27 =	vadd.s32 s31, v0;
	v19 =	vadd.f32 v53, v51;
	v21 =	vor.u32 v11, v21  }
0x29a: {  	s17 =	sadd.s32 $0x8, s2;
	s20 =	sadd.s32 $0x5, s2;
	v20 =	vadd.f32 v54, v52;
	v26 =	vand.u32 $0x3F, v26;
	v28 =	vadd.s32 s11, v0;
	v29 =	vld.idx.msk [tilespmem:v13+s16+$0x0], $0xffff  }
0x29b: {  	s31 =	sadd.s32 $0x6, s2;
	v30 =	vadd.s32 s17, v0;
	v31 =	vadd.s32 s20, v0;
	v26 =	vor.u32 v11, v26;
	v13 =	vld.idx.msk [tilespmem:v13+s18+$0x0], $0xffff  }
0x29c: {  	v32 =	vadd.s32 s31, v0;
	v22 =	vand.u32 $0x3F, v56;
	v31 =	vand.u32 $0x3F, v31;
	v33 =	vld.idx.msk [tilespmem:v18+s16+$0x0], $0xffff  }
0x29d: {  	v23 =	vand.u32 $0x3F, v57;
	v25 =	vand.u32 $0x3F, v25;
	v31 =	vor.u32 v11, v31;
	v18 =	vld.idx.msk [tilespmem:v18+s18+$0x0], $0xffff  }
0x29e: {  	v27 =	vand.u32 $0x3F, v27;
	v32 =	vand.u32 $0x3F, v32;
	v15 =	vmul.bf16 v59, v58;
	v34 =	vld.idx.msk [tilespmem:v21+s16+$0x0], $0xffff  }
0x29f: {  	v60 =	vand.u32 $0x3F, v28;
	v30 =	vand.u32 $0x38, v30;
	v61 =	vor.u32 v11, v32;
	v21 =	vld.idx.msk [tilespmem:v21+s18+$0x0], $0xffff  }
0x2a0: {  	v35 =	vunpack.i.u.bf16.f32 v15;
	v15 =	vunpack.i.l.bf16.f32 v15;
	v62 =	vld.idx.msk [tilespmem:v26+s16+$0x0], $0xffff;
	v13 =	vmul.bf16 v13, v29  }
0x2a1: {  	v24 =	vor.u32 v11, v60;
	v26 =	vld.idx.msk [tilespmem:v26+s18+$0x0], $0xffff;
	v15 =	vadd.f32 v15, v19;
	v63 =	vadd.f32 v35, v20  }
0x2a2: {  	v35 =	vld.idx.msk [tilespmem:v31+s16+$0x0], $0xffff;
	v18 =	vmul.bf16 v18, v33;
	v29 =	vunpack.i.u.bf16.f32 v13;
	v13 =	vunpack.i.l.bf16.f32 v13  }
0x2a3: {  	v12 =	vor.u32 v30, v12;
	v36 =	vld.idx.msk [tilespmem:v31+s18+$0x0], $0xffff;
	v13 =	vadd.f32 v13, v15;
	v37 =	vadd.f32 v29, v63  }
0x2a4: {  	v38 =	vld.idx.msk [tilespmem:v61+s16+$0x0], $0xffff;
	v39 =	vunpack.i.u.bf16.f32 v18;
	v18 =	vunpack.i.l.bf16.f32 v18;
	v21 =	vmul.bf16 v21, v34  }
0x2a5: {  	v27 =	vor.u32 v11, v27;
	v28 =	vld.idx.msk [tilespmem:v61+s18+$0x0], $0xffff;
	v13 =	vadd.f32 v18, v13;
	v15 =	vadd.f32 v39, v37  }
0x2a6: {  	v40 =	vld.idx.msk [tilespmem:v24+s16+$0x0], $0xffff;
	v26 =	vmul.bf16 v26, v62;
	v41 =	vunpack.i.u.bf16.f32 v21;
	v21 =	vunpack.i.l.bf16.f32 v21  }
0x2a7: {  	v23 =	vor.u32 v11, v23;
	v24 =	vld.idx.msk [tilespmem:v24+s18+$0x0], $0xffff;
	v13 =	vadd.f32 v21, v13;
	v15 =	vadd.f32 v41, v15  }
0x2a8: {  	v42 =	vld.idx.msk [tilespmem:v12+s16+$0x0], $0xffff;
	v20 =	vmul.bf16 v36, v35;
	v43 =	vunpack.i.u.bf16.f32 v26;
	v26 =	vunpack.i.l.bf16.f32 v26  }
0x2a9: {  	v25 =	vor.u32 v11, v25;
	v12 =	vld.idx.msk [tilespmem:v12+s18+$0x0], $0xffff;
	v13 =	vadd.f32 v26, v13;
	v15 =	vadd.f32 v43, v15  }
0x2aa: {  	v44 =	vld.idx.msk [tilespmem:v27+s16+$0x0], $0xffff;
	v19 =	vmul.bf16 v28, v38;
	v45 =	vunpack.i.u.bf16.f32 v20;
	v20 =	vunpack.i.l.bf16.f32 v20  }
0x2ab: {  	v22 =	vor.u32 v11, v22;
	v27 =	vld.idx.msk [tilespmem:v27+s18+$0x0], $0xffff;
	v13 =	vadd.f32 v20, v13;
	v15 =	vadd.f32 v45, v15  }
0x2ac: {  	v46 =	vld.idx.msk [tilespmem:v23+s16+$0x0], $0xffff;
	v28 =	vunpack.i.u.bf16.f32 v19;
	v19 =	vunpack.i.l.bf16.f32 v19;
	v18 =	vmul.bf16 v24, v40  }
0x2ad: {  	v17 =	vor.u32 v11, v17;
	v23 =	vld.idx.msk [tilespmem:v23+s18+$0x0], $0xffff;
	v13 =	vadd.f32 v19, v13;
	v15 =	vadd.f32 v28, v15  }
0x2ae: {  	v47 =	vld.idx.msk [tilespmem:v25+s16+$0x0], $0xffff;
	v12 =	vmul.bf16 v12, v42;
	v24 =	vunpack.i.u.bf16.f32 v18;
	v18 =	vunpack.i.l.bf16.f32 v18  }
0x2af: {  	v16 =	vor.u32 v11, v16;
	v48 =	vld.idx.msk [tilespmem:v25+s18+$0x0], $0xffff;
	v13 =	vadd.f32 v18, v13;
	v15 =	vadd.f32 v24, v15  }
0x2b0: {  	v49 =	vld.idx.msk [tilespmem:v22+s16+$0x0], $0xffff;
	v51 =	vmul.bf16 v27, v44;
	v50 =	vunpack.i.u.bf16.f32 v12;
	v12 =	vunpack.i.l.bf16.f32 v12  }
0x2b1: {  	v11 =	vor.u32 v11, v14;
	v52 =	vld.idx.msk [tilespmem:v22+s18+$0x0], $0xffff;
	v12 =	vadd.f32 v12, v13;
	v53 =	vadd.f32 v50, v15  }
0x2b2: {  	v54 =	vld.idx.msk [tilespmem:v17+s16+$0x0], $0xffff;
	v55 =	vunpack.i.u.bf16.f32 v51;
	v56 =	vunpack.i.l.bf16.f32 v51;
	v20 =	vmul.bf16 v23, v46  }
0x2b3: {  	v17 =	vld.idx.msk [tilespmem:v17+s18+$0x0], $0xffff;
	v12 =	vadd.f32 v56, v12;
	v13 =	vadd.f32 v55, v53  }
0x2b4: {  	v57 =	vld.idx.msk [tilespmem:v16+s16+$0x0], $0xffff;
	v23 =	vunpack.i.u.bf16.f32 v20;
	v20 =	vunpack.i.l.bf16.f32 v20;
	v19 =	vmul.bf16 v48, v47  }
0x2b5: {  	v16 =	vld.idx.msk [tilespmem:v16+s18+$0x0], $0xffff;
	v12 =	vadd.f32 v20, v12;
	v13 =	vadd.f32 v23, v13  }
0x2b6: {  	v58 =	vld.idx.msk [tilespmem:v11+s16+$0x0], $0xffff;
	v14 =	vmul.bf16 v52, v49;
	v21 =	vunpack.i.u.bf16.f32 v19;
	v19 =	vunpack.i.l.bf16.f32 v19  }
0x2b7: {  	v11 =	vld.idx.msk [tilespmem:v11+s18+$0x0], $0xffff;
	v12 =	vadd.f32 v19, v12;
	v13 =	vadd.f32 v21, v13  }
0x2b8: {  	v18 =	vunpack.i.u.bf16.f32 v14;
	v14 =	vunpack.i.l.bf16.f32 v14;
	v15 =	vmul.bf16 v17, v54  }
0x2b9: {  	v12 =	vadd.f32 v14, v12;
	v13 =	vadd.f32 v18, v13  }
0x2ba: {  	v16 =	vmul.bf16 v16, v57;
	v59 =	vunpack.i.u.bf16.f32 v15;
	v15 =	vunpack.i.l.bf16.f32 v15  }
0x2bb: {  	v12 =	vadd.f32 v15, v12;
	v13 =	vadd.f32 v59, v13  }
0x2bc: {  	v60 =	vunpack.i.u.bf16.f32 v16;
	v61 =	vunpack.i.l.bf16.f32 v16;
	v11 =	vmul.bf16 v11, v58  }
0x2bd: {  	v12 =	vadd.f32 v61, v12;
	v13 =	vadd.f32 v60, v13  }
0x2be: {  	v62 =	vunpack.i.u.bf16.f32 v11;
	v11 =	vunpack.i.l.bf16.f32 v11  }
0x2bf: {  	v11 =	vadd.f32 v11, v12;
	v63 =	vadd.f32 v62, v13;
	_ =	sdelay $0x1  }
0x2c0: {  	v11 =	vadd.f32 v63, v11;
	_ =	sdelay $0x1  }
0x2c1: {  	v11 =	vsub.f32 $0.0e+00, v11;
	_ =	sdelay $0x1  }
0x2c2: {  	v11 =	vmul.f32 $1.442695020e+00, v11;
	_ =	sdelay $0x1  }
0x2c3: {  	(erf) = vpow2.f32 v11;
	_ =	sdelay $0x8  }
0x2c4: {  	v11 =	vpop (erf)  }
0x2c5: {  	v11 =	vadd.f32 $1.000000000e+00, v11;
	_ =	sdelay $0x1  }
0x2c6: {  	(erf) = vrcp.f32 v11;
	_ =	sdelay $0x3  }
0x2c7: {  	s29 =	sadd.s32 $0x1, s29  }
0x2c8: {  	p1 =	sne.s32 s29, $0x5  }
.Ltmp24:
0x2c9: {  	_ = 	snop;
	(pc) =	sbr.rel @p1 .LBB2_30-.Ltmp24, $4  }
.Ltmp25:
0x2ca: {  	_ = 	snop;
	(pc) =	sbr.rel @!p1 .LBB2_33-.Ltmp25, $4  }
0x2cb: {  	_ = 	snop  }
0x2cc: {  	v11 =	vpop (erf)  }
0x2cd: {  	[tilespmem:s30+$0x114E0] =	vst v11  }
0x2ce: {  	_ = 	snop  }
.LBB2_23:
0x2cf: {  	_ =	swait.ge [sflag:s19], $0x2800  }
0x2d0: {  	s0 =	smul.u32 $0x280, s26;
	[sflag:s19] =	ssyncset.done $0x0  }
0x2d1: {  	[sflag:s19] =	ssyncadd.s32 $0xFFFFD800  }
0x2d2: {  	s0 =	sshra.s32 s0, $0x2;
	_ =	swait.ge [sflag:s19], $0x2800  }
0x2d3: {  	s0 =	sadd.s32 $0xEE20, s0;
	[sflag:s19] =	ssyncset.done $0x0  }
0x2d4: {  	s28 =	simm.s32 $0x0;
	s29 =	simm.s32 $0x0;
	v11 =	vmov s0;
	[sflag:s19] =	ssyncadd.s32 $0xFFFFD800  }
.LBB2_24:
0x2d5: {  	s30 =	sshll.u32 s29, $0x4  }
0x2d6: {  	s2 =	simm.s32 $0x1;
	v12 =	vmov s30  }
0x2d7: {  	v18 =	vadd.s32 s2, v0;
	v12 =	vshll.u32 v12, $0x6  }
0x2d8: {  	v18 =	vand.u32 $0x3F, v18;
	v12 =	vor.u32 v9, v12  }
0x2d9: {  	v18 =	vor.u32 v12, v18  }
0x2da: {  	s6 =	simm.s32 $0x2;
	v14 =	vor.u32 v0, v12  }
0x2db: {  	s0 =	simm.s32 $0xF;
	v20 =	vadd.s32 s6, v0;
	v16 =	vor.u32 s28, v14  }
0x2dc: {  	v15 =	vimm.f32 $0.0e+00;
	s31 =	simm.s32 $0xE;
	v17 =	vadd.s32 s0, v0;
	s6 =	simm.s32 $0x3;
	v20 =	vand.u32 $0x3F, v20  }
0x2dd: {  	s11 =	simm.s32 $0xC;
	s17 =	simm.s32 $0xA;
	v19 =	vadd.s32 s31, v0;
	v22 =	vadd.s32 s6, v0;
	v20 =	vor.u32 v12, v20  }
0x2de: {  	s20 =	simm.s32 $0xB;
	v23 =	vadd.s32 s11, v0;
	s31 =	simm.s32 $0x4;
	v24 =	vadd.s32 s17, v0;
	v22 =	vand.u32 $0x3F, v22;
	v31 =	vld.idx.msk [tilespmem:v18+s16+$0x0], $0xffff  }
0x2df: {  	s2 =	simm.s32 $0xD;
	s11 =	simm.s32 $0x9;
	v25 =	vadd.s32 s20, v0;
	v27 =	vadd.s32 s31, v0;
	v22 =	vor.u32 v12, v22;
	v18 =	vld.idx.msk [tilespmem:v18+s18+$0x0], $0xffff  }
0x2e0: {  	s17 =	simm.s32 $0x8;
	s20 =	simm.s32 $0x5;
	v21 =	vadd.s32 s2, v0;
	v28 =	vadd.s32 s11, v0;
	v27 =	vand.u32 $0x3F, v27;
	v26 =	vld.idx.msk [tilespmem:v16+s16+$0x0], $0xffff  }
0x2e1: {  	v30 =	vadd.s32 s17, v0;
	v32 =	vadd.s32 s20, v0;
	v27 =	vor.u32 v12, v27;
	v16 =	vld.idx.msk [tilespmem:v16+s18+$0x0], $0xffff  }
0x2e2: {  	v19 =	vand.u32 $0x3F, v19;
	v17 =	vand.u32 $0x3F, v17;
	v32 =	vand.u32 $0x3F, v32;
	v34 =	vld.idx.msk [tilespmem:v20+s16+$0x0], $0xffff  }
0x2e3: {  	s6 =	simm.s32 $0x7;
	s31 =	simm.s32 $0x6;
	v23 =	vand.u32 $0x3F, v23;
	v24 =	vand.u32 $0x3F, v24;
	v32 =	vor.u32 v12, v32;
	v20 =	vld.idx.msk [tilespmem:v20+s18+$0x0], $0xffff  }
0x2e4: {  	v25 =	vand.u32 $0x3F, v25;
	v29 =	vadd.s32 s6, v0;
	v33 =	vadd.s32 s31, v0;
	v35 =	vld.idx.msk [tilespmem:v22+s16+$0x0], $0xffff  }
0x2e5: {  	v30 =	vand.u32 $0x38, v30;
	v28 =	vand.u32 $0x3F, v28;
	v23 =	vor.u32 v12, v23;
	v22 =	vld.idx.msk [tilespmem:v22+s18+$0x0], $0xffff  }
0x2e6: {  	v33 =	vand.u32 $0x3F, v33;
	v29 =	vand.u32 $0x3F, v29;
	v54 =	vld.idx.msk [tilespmem:v27+s16+$0x0], $0xffff;
	v16 =	vmul.bf16 v16, v26  }
0x2e7: {  	v13 =	vor.u32 v10, v12;
	v29 =	vor.u32 v12, v29;
	v27 =	vld.idx.msk [tilespmem:v27+s18+$0x0], $0xffff;
	v26 =	vor.u32 v12, v33  }
0x2e8: {  	v55 =	vld.idx.msk [tilespmem:v32+s16+$0x0], $0xffff;
	v18 =	vmul.bf16 v18, v31;
	v36 =	vunpack.i.u.bf16.f32 v16;
	v16 =	vunpack.i.l.bf16.f32 v16  }
0x2e9: {  	v30 =	vor.u32 v30, v13;
	v32 =	vld.idx.msk [tilespmem:v32+s18+$0x0], $0xffff;
	v16 =	vadd.f32 v16, v15;
	v15 =	vadd.f32 v36, v15  }
0x2ea: {  	v62 =	vld.idx.msk [tilespmem:v23+s16+$0x0], $0xffff;
	v20 =	vmul.bf16 v20, v34;
	v56 =	vunpack.i.u.bf16.f32 v18;
	v18 =	vunpack.i.l.bf16.f32 v18  }
0x2eb: {  	v23 =	vld.idx.msk [tilespmem:v23+s18+$0x0], $0xffff;
	v22 =	vmul.bf16 v22, v35;
	v16 =	vadd.f32 v18, v16;
	v15 =	vadd.f32 v56, v15  }
0x2ec: {  	v27 =	vmul.bf16 v27, v54;
	v34 =	vunpack.i.u.bf16.f32 v20;
	v20 =	vunpack.i.l.bf16.f32 v20;
	v57 =	vld.idx.msk [tilespmem:v26+s16+$0x0], $0xffff  }
0x2ed: {  	v18 =	vor.u32 v12, v28;
	v26 =	vld.idx.msk [tilespmem:v26+s18+$0x0], $0xffff;
	v16 =	vadd.f32 v20, v16;
	v15 =	vadd.f32 v34, v15  }
0x2ee: {  	v58 =	vunpack.i.u.bf16.f32 v22;
	v22 =	vunpack.i.l.bf16.f32 v22;
	v20 =	vor.u32 v12, v24;
	v24 =	vld.idx.msk [tilespmem:v29+s16+$0x0], $0xffff  }
0x2ef: {  	v31 =	vmul.bf16 v32, v55;
	v29 =	vld.idx.msk [tilespmem:v29+s18+$0x0], $0xffff;
	v16 =	vadd.f32 v22, v16;
	v15 =	vadd.f32 v58, v15  }
0x2f0: {  	v33 =	vunpack.i.u.bf16.f32 v27;
	v27 =	vunpack.i.l.bf16.f32 v27;
	v22 =	vor.u32 v12, v25;
	v25 =	vld.idx.msk [tilespmem:v30+s16+$0x0], $0xffff  }
0x2f1: {  	v21 =	vand.u32 $0x3F, v21;
	v30 =	vld.idx.msk [tilespmem:v30+s18+$0x0], $0xffff;
	v16 =	vadd.f32 v27, v16;
	v15 =	vadd.f32 v33, v15  }
0x2f2: {  	v32 =	vunpack.i.u.bf16.f32 v31;
	v31 =	vunpack.i.l.bf16.f32 v31;
	v26 =	vmul.bf16 v26, v57;
	v27 =	vld.idx.msk [tilespmem:v18+s16+$0x0], $0xffff  }
0x2f3: {  	v21 =	vor.u32 v12, v21;
	v18 =	vld.idx.msk [tilespmem:v18+s18+$0x0], $0xffff;
	v16 =	vadd.f32 v31, v16;
	v15 =	vadd.f32 v32, v15  }
0x2f4: {  	v59 =	vld.idx.msk [tilespmem:v20+s16+$0x0], $0xffff;
	v60 =	vunpack.i.u.bf16.f32 v26;
	v26 =	vunpack.i.l.bf16.f32 v26;
	v24 =	vmul.bf16 v29, v24  }
0x2f5: {  	v19 =	vor.u32 v12, v19;
	v20 =	vld.idx.msk [tilespmem:v20+s18+$0x0], $0xffff;
	v16 =	vadd.f32 v26, v16;
	v15 =	vadd.f32 v60, v15  }
0x2f6: {  	v29 =	vunpack.i.u.bf16.f32 v24;
	v24 =	vunpack.i.l.bf16.f32 v24;
	v25 =	vmul.bf16 v30, v25;
	v26 =	vld.idx.msk [tilespmem:v22+s16+$0x0], $0xffff  }
0x2f7: {  	v61 =	vor.u32 v12, v17;
	v22 =	vld.idx.msk [tilespmem:v22+s18+$0x0], $0xffff;
	v24 =	vadd.f32 v24, v16;
	v15 =	vadd.f32 v29, v15  }
0x2f8: {  	v17 =	vunpack.i.u.bf16.f32 v25;
	v25 =	vunpack.i.l.bf16.f32 v25;
	v18 =	vmul.bf16 v18, v27  }
0x2f9: {  	v23 =	vmul.bf16 v23, v62;
	v24 =	vadd.f32 v25, v24;
	v17 =	vadd.f32 v17, v15  }
0x2fa: {  	s2 =	simm.s32 $0x10;
	v20 =	vmul.bf16 v20, v59;
	v27 =	vunpack.i.u.bf16.f32 v18;
	v18 =	vunpack.i.l.bf16.f32 v18;
	v25 =	vld.idx.msk [tilespmem:v21+s16+$0x0], $0xffff  }
0x2fb: {  	v16 =	vor.u32 s2, v14;
	v21 =	vld.idx.msk [tilespmem:v21+s18+$0x0], $0xffff;
	v18 =	vadd.f32 v18, v24;
	v24 =	vadd.f32 v27, v17  }
0x2fc: {  	s6 =	simm.s32 $0x1F;
	v28 =	vunpack.i.u.bf16.f32 v20;
	v20 =	vunpack.i.l.bf16.f32 v20;
	v22 =	vmul.bf16 v22, v26;
	v26 =	vld.idx.msk [tilespmem:v19+s18+$0x0], $0xffff  }
0x2fd: {  	s11 =	simm.s32 $0x1E;
	v15 =	vadd.s32 s6, v0;
	v27 =	vld.idx.msk [tilespmem:v19+s16+$0x0], $0xffff;
	v19 =	vadd.f32 v20, v18;
	v20 =	vadd.f32 v28, v24  }
0x2fe: {  	s17 =	simm.s32 $0x1D;
	v63 =	vld.idx.msk [tilespmem:v61+s16+$0x0], $0xffff;
	v17 =	vadd.s32 s11, v0;
	v24 =	vunpack.i.u.bf16.f32 v22;
	v22 =	vunpack.i.l.bf16.f32 v22  }
0x2ff: {  	v29 =	vld.idx.msk [tilespmem:v61+s18+$0x0], $0xffff;
	v18 =	vadd.s32 s17, v0;
	v22 =	vadd.f32 v22, v19;
	v20 =	vadd.f32 v24, v20  }
0x300: {  	s20 =	simm.s32 $0x12;
	v21 =	vmul.bf16 v21, v25;
	v24 =	vunpack.i.u.bf16.f32 v23;
	v23 =	vunpack.i.l.bf16.f32 v23  }
0x301: {  	v19 =	vadd.s32 s20, v0;
	v22 =	vadd.f32 v23, v22;
	v23 =	vadd.f32 v24, v20  }
0x302: {  	s31 =	simm.s32 $0x11;
	v25 =	vmul.bf16 v26, v27;
	v24 =	vunpack.i.u.bf16.f32 v21;
	v21 =	vunpack.i.l.bf16.f32 v21  }
0x303: {  	v20 =	vadd.s32 s31, v0;
	v21 =	vadd.f32 v21, v22;
	v22 =	vadd.f32 v24, v23  }
0x304: {  	s0 =	simm.s32 $0x20;
	v24 =	vunpack.i.u.bf16.f32 v25;
	v25 =	vunpack.i.l.bf16.f32 v25;
	v23 =	vmul.bf16 v29, v63  }
.LBB2_25:
0x305: {  	p1 =	slt.u32 s0, $0x30;
	v20 =	vand.u32 $0x3F, v20;
	v21 =	vadd.f32 v25, v21;
	v22 =	vadd.f32 v24, v22  }
0x306: {  	v20 =	vor.u32 v12, v20;
	v24 =	vunpack.i.u.bf16.f32 v23;
	v23 =	vunpack.i.l.bf16.f32 v23  }
0x307: {  	v19 =	vand.u32 $0x3F, v19;
	s6 =	sadd.s32 $0x3, s2;
	s11 =	sadd.s32 $0xC, s2;
	v21 =	vadd.f32 v23, v21;
	v22 =	vadd.f32 v24, v22  }
0x308: {  	s17 =	sadd.s32 $0xB, s2;
	v19 =	vor.u32 v12, v19;
	v23 =	vadd.s32 s6, v0;
	s6 =	sadd.s32 $0xA, s2;
	v24 =	vadd.s32 s11, v0  }
0x309: {  	s20 =	sadd.s32 $0x9, s2;
	v27 =	vadd.s32 s17, v0;
	s11 =	sadd.s32 $0x4, s2;
	v23 =	vand.u32 $0x3F, v23;
	v26 =	vadd.s32 s6, v0;
	v25 =	vld.idx.msk [tilespmem:v16+s16+$0x0], $0xffff  }
0x30a: {  	v29 =	vadd.s32 s20, v0;
	v28 =	vadd.s32 s11, v0;
	s6 =	sadd.s32 $0x7, s2;
	s11 =	sadd.s32 $0x8, s2;
	v23 =	vor.u32 v12, v23;
	v16 =	vld.idx.msk [tilespmem:v16+s18+$0x0], $0xffff  }
0x30b: {  	s17 =	sadd.s32 $0x5, s2;
	s20 =	sadd.s32 $0x6, s2;
	s2 =	smov.u32 s0;
	v28 =	vand.u32 $0x3F, v28;
	v31 =	vadd.s32 s6, v0;
	v32 =	vadd.s32 s11, v0;
	v30 =	vld.idx.msk [tilespmem:v20+s16+$0x0], $0xffff  }
0x30c: {  	v33 =	vadd.s32 s17, v0;
	v34 =	vadd.s32 s20, v0;
	v28 =	vor.u32 v12, v28;
	v20 =	vld.idx.msk [tilespmem:v20+s18+$0x0], $0xffff  }
0x30d: {  	v17 =	vand.u32 $0x3F, v17;
	v15 =	vand.u32 $0x3F, v15;
	v33 =	vand.u32 $0x3F, v33;
	v35 =	vld.idx.msk [tilespmem:v19+s16+$0x0], $0xffff  }
0x30e: {  	v18 =	vand.u32 $0x3F, v18;
	v24 =	vand.u32 $0x3F, v24;
	v33 =	vor.u32 v12, v33;
	v19 =	vld.idx.msk [tilespmem:v19+s18+$0x0], $0xffff  }
0x30f: {  	v27 =	vand.u32 $0x3F, v27;
	v34 =	vand.u32 $0x3F, v34;
	v26 =	vand.u32 $0x3F, v26;
	v36 =	vld.idx.msk [tilespmem:v23+s16+$0x0], $0xffff  }
0x310: {  	v31 =	vand.u32 $0x3F, v31;
	v16 =	vmul.bf16 v16, v25;
	v25 =	vor.u32 v12, v34;
	v23 =	vld.idx.msk [tilespmem:v23+s18+$0x0], $0xffff  }
0x311: {  	v29 =	vand.u32 $0x3F, v29;
	v32 =	vand.u32 $0x38, v32;
	v31 =	vor.u32 v12, v31;
	v34 =	vld.idx.msk [tilespmem:v28+s16+$0x0], $0xffff  }
0x312: {  	v37 =	vunpack.i.u.bf16.f32 v16;
	v16 =	vunpack.i.l.bf16.f32 v16;
	v20 =	vmul.bf16 v20, v30;
	v28 =	vld.idx.msk [tilespmem:v28+s18+$0x0], $0xffff  }
0x313: {  	v30 =	vor.u32 v32, v13;
	v16 =	vadd.f32 v16, v21;
	v21 =	vadd.f32 v37, v22;
	v22 =	vld.idx.msk [tilespmem:v33+s16+$0x0], $0xffff  }
0x314: {  	v32 =	vunpack.i.u.bf16.f32 v20;
	v20 =	vunpack.i.l.bf16.f32 v20;
	v19 =	vmul.bf16 v19, v35;
	v33 =	vld.idx.msk [tilespmem:v33+s18+$0x0], $0xffff  }
0x315: {  	v29 =	vor.u32 v12, v29;
	v16 =	vadd.f32 v20, v16;
	v20 =	vadd.f32 v32, v21;
	v21 =	vld.idx.msk [tilespmem:v25+s16+$0x0], $0xffff  }
0x316: {  	v32 =	vunpack.i.u.bf16.f32 v19;
	v19 =	vunpack.i.l.bf16.f32 v19;
	v23 =	vmul.bf16 v23, v36;
	v25 =	vld.idx.msk [tilespmem:v25+s18+$0x0], $0xffff  }
0x317: {  	v26 =	vor.u32 v12, v26;
	v16 =	vadd.f32 v19, v16;
	v19 =	vadd.f32 v32, v20;
	v20 =	vld.idx.msk [tilespmem:v31+s16+$0x0], $0xffff  }
0x318: {  	v32 =	vunpack.i.u.bf16.f32 v23;
	v23 =	vunpack.i.l.bf16.f32 v23;
	v28 =	vmul.bf16 v28, v34;
	v31 =	vld.idx.msk [tilespmem:v31+s18+$0x0], $0xffff  }
0x319: {  	v27 =	vor.u32 v12, v27;
	v16 =	vadd.f32 v23, v16;
	v19 =	vadd.f32 v32, v19;
	v23 =	vld.idx.msk [tilespmem:v30+s16+$0x0], $0xffff  }
0x31a: {  	v32 =	vunpack.i.u.bf16.f32 v28;
	v28 =	vunpack.i.l.bf16.f32 v28;
	v22 =	vmul.bf16 v33, v22;
	v30 =	vld.idx.msk [tilespmem:v30+s18+$0x0], $0xffff  }
0x31b: {  	v24 =	vor.u32 v12, v24;
	v16 =	vadd.f32 v28, v16;
	v19 =	vadd.f32 v32, v19;
	v28 =	vld.idx.msk [tilespmem:v29+s16+$0x0], $0xffff  }
0x31c: {  	v32 =	vunpack.i.u.bf16.f32 v22;
	v22 =	vunpack.i.l.bf16.f32 v22;
	v21 =	vmul.bf16 v25, v21;
	v25 =	vld.idx.msk [tilespmem:v29+s18+$0x0], $0xffff  }
0x31d: {  	v18 =	vor.u32 v12, v18;
	v16 =	vadd.f32 v22, v16;
	v19 =	vadd.f32 v32, v19;
	v22 =	vld.idx.msk [tilespmem:v26+s16+$0x0], $0xffff  }
0x31e: {  	v29 =	vunpack.i.u.bf16.f32 v21;
	v21 =	vunpack.i.l.bf16.f32 v21;
	v20 =	vmul.bf16 v31, v20;
	v26 =	vld.idx.msk [tilespmem:v26+s18+$0x0], $0xffff  }
0x31f: {  	v17 =	vor.u32 v12, v17;
	v16 =	vadd.f32 v21, v16;
	v19 =	vadd.f32 v29, v19;
	v21 =	vld.idx.msk [tilespmem:v27+s16+$0x0], $0xffff  }
0x320: {  	v29 =	vunpack.i.u.bf16.f32 v20;
	v20 =	vunpack.i.l.bf16.f32 v20;
	v23 =	vmul.bf16 v30, v23;
	v27 =	vld.idx.msk [tilespmem:v27+s18+$0x0], $0xffff  }
0x321: {  	v30 =	vor.u32 v12, v15;
	v20 =	vadd.f32 v20, v16;
	v19 =	vadd.f32 v29, v19;
	v29 =	vld.idx.msk [tilespmem:v24+s16+$0x0], $0xffff  }
0x322: {  	v15 =	vunpack.i.u.bf16.f32 v23;
	v23 =	vunpack.i.l.bf16.f32 v23;
	v25 =	vmul.bf16 v25, v28;
	v24 =	vld.idx.msk [tilespmem:v24+s18+$0x0], $0xffff  }
0x323: {  	v16 =	vor.u32 s0, v14;
	v20 =	vadd.f32 v23, v20;
	v19 =	vadd.f32 v15, v19;
	v23 =	vld.idx.msk [tilespmem:v18+s16+$0x0], $0xffff  }
0x324: {  	s6 =	sadd.s32 $0xF, s0;
	v28 =	vunpack.i.u.bf16.f32 v25;
	v25 =	vunpack.i.l.bf16.f32 v25;
	v22 =	vmul.bf16 v26, v22;
	v26 =	vld.idx.msk [tilespmem:v18+s18+$0x0], $0xffff  }
0x325: {  	v15 =	vadd.s32 s6, v0;
	v18 =	vadd.f32 v25, v20;
	v19 =	vadd.f32 v28, v19;
	v20 =	vld.idx.msk [tilespmem:v17+s16+$0x0], $0xffff  }
0x326: {  	s6 =	sadd.s32 $0xE, s0;
	v25 =	vunpack.i.u.bf16.f32 v22;
	v22 =	vunpack.i.l.bf16.f32 v22;
	v21 =	vmul.bf16 v27, v21;
	v27 =	vld.idx.msk [tilespmem:v17+s18+$0x0], $0xffff  }
0x327: {  	v17 =	vadd.s32 s6, v0;
	v22 =	vadd.f32 v22, v18;
	v19 =	vadd.f32 v25, v19;
	v28 =	vld.idx.msk [tilespmem:v30+s16+$0x0], $0xffff  }
0x328: {  	s6 =	sadd.s32 $0xD, s0;
	v25 =	vunpack.i.u.bf16.f32 v21;
	v21 =	vunpack.i.l.bf16.f32 v21;
	v24 =	vmul.bf16 v24, v29;
	v29 =	vld.idx.msk [tilespmem:v30+s18+$0x0], $0xffff  }
0x329: {  	v18 =	vadd.s32 s6, v0;
	v21 =	vadd.f32 v21, v22;
	v22 =	vadd.f32 v25, v19  }
.Ltmp26:
0x32a: {  	s6 =	sadd.s32 $0x2, s0;
	v25 =	vunpack.i.u.bf16.f32 v24;
	v24 =	vunpack.i.l.bf16.f32 v24;
	v23 =	vmul.bf16 v26, v23;
	(pc) =	sbr.rel @p1 .LBB2_25-.Ltmp26, $4  }
0x32b: {  	v19 =	vadd.s32 s6, v0;
	v21 =	vadd.f32 v24, v21;
	v22 =	vadd.f32 v25, v22  }
0x32c: {  	s6 =	sadd.s32 $0x1, s0;
	v24 =	vunpack.i.u.bf16.f32 v23;
	v23 =	vunpack.i.l.bf16.f32 v23;
	v25 =	vmul.bf16 v27, v20  }
0x32d: {  	v20 =	vadd.s32 s6, v0;
	v21 =	vadd.f32 v23, v21;
	v22 =	vadd.f32 v24, v22  }
0x32e: {  	s0 =	sadd.s32 $0x10, s0;
	v24 =	vunpack.i.u.bf16.f32 v25;
	v25 =	vunpack.i.l.bf16.f32 v25;
	v23 =	vmul.bf16 v29, v28  }
0x32f: {  	v14 =	vand.u32 $0x3F, v20;
	v50 =	vadd.f32 v25, v21  }
0x330: {  	v51 =	vadd.f32 v24, v22;
	v19 =	vand.u32 $0x3F, v19;
	v17 =	vand.u32 $0x3F, v17  }
0x331: {  	v15 =	vand.u32 $0x3F, v15;
	v18 =	vand.u32 $0x3F, v18;
	v14 =	vor.u32 v12, v14  }
0x332: {  	s0 =	sadd.s32 $0x3, s2;
	s6 =	sadd.s32 $0xC, s2;
	s17 =	sadd.s32 $0xA, s2;
	v52 =	vunpack.i.l.bf16.f32 v23;
	v53 =	vunpack.i.u.bf16.f32 v23;
	v19 =	vor.u32 v12, v19  }
0x333: {  	s11 =	sadd.s32 $0xB, s2;
	s20 =	sadd.s32 $0x4, s2;
	v54 =	vadd.s32 s0, v0;
	v55 =	vadd.s32 s6, v0;
	v56 =	vadd.s32 s17, v0  }
0x334: {  	v57 =	vld.idx.msk [tilespmem:v16+s16+$0x0], $0xffff;
	s31 =	sadd.s32 $0x9, s2;
	v26 =	vadd.s32 s11, v0;
	v27 =	vadd.s32 s20, v0;
	v22 =	vand.u32 $0x3F, v54  }
0x335: {  	v58 =	vld.idx.msk [tilespmem:v16+s18+$0x0], $0xffff;
	s11 =	sadd.s32 $0x7, s2;
	v28 =	vadd.s32 s31, v0;
	v20 =	vadd.f32 v52, v50;
	v22 =	vor.u32 v12, v22  }
0x336: {  	s17 =	sadd.s32 $0x8, s2;
	s20 =	sadd.s32 $0x5, s2;
	v21 =	vadd.f32 v53, v51;
	v27 =	vand.u32 $0x3F, v27;
	v29 =	vadd.s32 s11, v0;
	v30 =	vld.idx.msk [tilespmem:v14+s16+$0x0], $0xffff  }
0x337: {  	s31 =	sadd.s32 $0x6, s2;
	v31 =	vadd.s32 s17, v0;
	v32 =	vadd.s32 s20, v0;
	v27 =	vor.u32 v12, v27;
	v14 =	vld.idx.msk [tilespmem:v14+s18+$0x0], $0xffff  }
0x338: {  	v33 =	vadd.s32 s31, v0;
	v23 =	vand.u32 $0x3F, v55;
	v32 =	vand.u32 $0x3F, v32;
	v34 =	vld.idx.msk [tilespmem:v19+s16+$0x0], $0xffff  }
0x339: {  	v24 =	vand.u32 $0x3F, v56;
	v26 =	vand.u32 $0x3F, v26;
	v32 =	vor.u32 v12, v32;
	v19 =	vld.idx.msk [tilespmem:v19+s18+$0x0], $0xffff  }
0x33a: {  	v28 =	vand.u32 $0x3F, v28;
	v33 =	vand.u32 $0x3F, v33;
	v16 =	vmul.bf16 v58, v57;
	v35 =	vld.idx.msk [tilespmem:v22+s16+$0x0], $0xffff  }
0x33b: {  	v59 =	vand.u32 $0x3F, v29;
	v31 =	vand.u32 $0x38, v31;
	v60 =	vor.u32 v12, v33;
	v22 =	vld.idx.msk [tilespmem:v22+s18+$0x0], $0xffff  }
0x33c: {  	v36 =	vunpack.i.u.bf16.f32 v16;
	v16 =	vunpack.i.l.bf16.f32 v16;
	v61 =	vld.idx.msk [tilespmem:v27+s16+$0x0], $0xffff;
	v14 =	vmul.bf16 v14, v30  }
0x33d: {  	v25 =	vor.u32 v12, v59;
	v27 =	vld.idx.msk [tilespmem:v27+s18+$0x0], $0xffff;
	v16 =	vadd.f32 v16, v20;
	v62 =	vadd.f32 v36, v21  }
0x33e: {  	v63 =	vld.idx.msk [tilespmem:v32+s16+$0x0], $0xffff;
	v19 =	vmul.bf16 v19, v34;
	v30 =	vunpack.i.u.bf16.f32 v14;
	v14 =	vunpack.i.l.bf16.f32 v14  }
0x33f: {  	v13 =	vor.u32 v31, v13;
	v34 =	vld.idx.msk [tilespmem:v32+s18+$0x0], $0xffff;
	v14 =	vadd.f32 v14, v16;
	v36 =	vadd.f32 v30, v62  }
0x340: {  	v37 =	vld.idx.msk [tilespmem:v60+s16+$0x0], $0xffff;
	v38 =	vunpack.i.u.bf16.f32 v19;
	v19 =	vunpack.i.l.bf16.f32 v19;
	v22 =	vmul.bf16 v22, v35  }
0x341: {  	v28 =	vor.u32 v12, v28;
	v29 =	vld.idx.msk [tilespmem:v60+s18+$0x0], $0xffff;
	v14 =	vadd.f32 v19, v14;
	v16 =	vadd.f32 v38, v36  }
0x342: {  	v39 =	vld.idx.msk [tilespmem:v25+s16+$0x0], $0xffff;
	v27 =	vmul.bf16 v27, v61;
	v40 =	vunpack.i.u.bf16.f32 v22;
	v22 =	vunpack.i.l.bf16.f32 v22  }
0x343: {  	v24 =	vor.u32 v12, v24;
	v25 =	vld.idx.msk [tilespmem:v25+s18+$0x0], $0xffff;
	v14 =	vadd.f32 v22, v14;
	v16 =	vadd.f32 v40, v16  }
0x344: {  	v41 =	vld.idx.msk [tilespmem:v13+s16+$0x0], $0xffff;
	v42 =	vunpack.i.u.bf16.f32 v27;
	v27 =	vunpack.i.l.bf16.f32 v27;
	v21 =	vmul.bf16 v34, v63  }
0x345: {  	v26 =	vor.u32 v12, v26;
	v13 =	vld.idx.msk [tilespmem:v13+s18+$0x0], $0xffff;
	v14 =	vadd.f32 v27, v14;
	v16 =	vadd.f32 v42, v16  }
0x346: {  	v43 =	vld.idx.msk [tilespmem:v28+s16+$0x0], $0xffff;
	v20 =	vmul.bf16 v29, v37;
	v44 =	vunpack.i.u.bf16.f32 v21;
	v21 =	vunpack.i.l.bf16.f32 v21  }
0x347: {  	v23 =	vor.u32 v12, v23;
	v28 =	vld.idx.msk [tilespmem:v28+s18+$0x0], $0xffff;
	v14 =	vadd.f32 v21, v14;
	v16 =	vadd.f32 v44, v16  }
0x348: {  	v45 =	vld.idx.msk [tilespmem:v24+s16+$0x0], $0xffff;
	v29 =	vunpack.i.u.bf16.f32 v20;
	v20 =	vunpack.i.l.bf16.f32 v20;
	v19 =	vmul.bf16 v25, v39  }
0x349: {  	v18 =	vor.u32 v12, v18;
	v24 =	vld.idx.msk [tilespmem:v24+s18+$0x0], $0xffff;
	v14 =	vadd.f32 v20, v14;
	v16 =	vadd.f32 v29, v16  }
0x34a: {  	v46 =	vld.idx.msk [tilespmem:v26+s16+$0x0], $0xffff;
	v13 =	vmul.bf16 v13, v41;
	v25 =	vunpack.i.u.bf16.f32 v19;
	v19 =	vunpack.i.l.bf16.f32 v19  }
0x34b: {  	v17 =	vor.u32 v12, v17;
	v47 =	vld.idx.msk [tilespmem:v26+s18+$0x0], $0xffff;
	v14 =	vadd.f32 v19, v14;
	v16 =	vadd.f32 v25, v16  }
0x34c: {  	v48 =	vld.idx.msk [tilespmem:v23+s16+$0x0], $0xffff;
	v50 =	vmul.bf16 v28, v43;
	v49 =	vunpack.i.u.bf16.f32 v13;
	v13 =	vunpack.i.l.bf16.f32 v13  }
0x34d: {  	v51 =	vor.u32 v12, v15;
	v52 =	vld.idx.msk [tilespmem:v23+s18+$0x0], $0xffff;
	v13 =	vadd.f32 v13, v14;
	v53 =	vadd.f32 v49, v16  }
0x34e: {  	v54 =	vld.idx.msk [tilespmem:v18+s16+$0x0], $0xffff;
	v55 =	vunpack.i.u.bf16.f32 v50;
	v56 =	vunpack.i.l.bf16.f32 v50;
	v21 =	vmul.bf16 v24, v45  }
0x34f: {  	v18 =	vld.idx.msk [tilespmem:v18+s18+$0x0], $0xffff;
	v13 =	vadd.f32 v56, v13;
	v14 =	vadd.f32 v55, v53  }
0x350: {  	v57 =	vld.idx.msk [tilespmem:v17+s16+$0x0], $0xffff;
	v24 =	vunpack.i.u.bf16.f32 v21;
	v21 =	vunpack.i.l.bf16.f32 v21;
	v20 =	vmul.bf16 v47, v46  }
0x351: {  	v17 =	vld.idx.msk [tilespmem:v17+s18+$0x0], $0xffff;
	v13 =	vadd.f32 v21, v13;
	v14 =	vadd.f32 v24, v14  }
0x352: {  	v58 =	vld.idx.msk [tilespmem:v51+s16+$0x0], $0xffff;
	v15 =	vmul.bf16 v52, v48;
	v22 =	vunpack.i.u.bf16.f32 v20;
	v20 =	vunpack.i.l.bf16.f32 v20  }
0x353: {  	v12 =	vld.idx.msk [tilespmem:v51+s18+$0x0], $0xffff;
	v13 =	vadd.f32 v20, v13;
	v14 =	vadd.f32 v22, v14  }
0x354: {  	v19 =	vunpack.i.u.bf16.f32 v15;
	v15 =	vunpack.i.l.bf16.f32 v15;
	v16 =	vmul.bf16 v18, v54  }
0x355: {  	v13 =	vadd.f32 v15, v13;
	v14 =	vadd.f32 v19, v14  }
0x356: {  	v17 =	vmul.bf16 v17, v57;
	v59 =	vunpack.i.u.bf16.f32 v16;
	v16 =	vunpack.i.l.bf16.f32 v16  }
0x357: {  	v13 =	vadd.f32 v16, v13;
	v14 =	vadd.f32 v59, v14  }
0x358: {  	v12 =	vmul.bf16 v12, v58;
	v60 =	vunpack.i.u.bf16.f32 v17;
	v61 =	vunpack.i.l.bf16.f32 v17  }
0x359: {  	v13 =	vadd.f32 v61, v13;
	v14 =	vadd.f32 v60, v14  }
0x35a: {  	v62 =	vunpack.i.u.bf16.f32 v12;
	v12 =	vunpack.i.l.bf16.f32 v12  }
0x35b: {  	v12 =	vadd.f32 v12, v13;
	v63 =	vadd.f32 v62, v14;
	_ =	sdelay $0x1  }
0x35c: {  	v12 =	vadd.f32 v63, v12;
	_ =	sdelay $0x1  }
0x35d: {  	v12 =	vsub.f32 $0.0e+00, v12;
	_ =	sdelay $0x1  }
0x35e: {  	v12 =	vmul.f32 $1.442695020e+00, v12;
	_ =	sdelay $0x1  }
0x35f: {  	(erf) = vpow2.f32 v12;
	_ =	sdelay $0x8  }
0x360: {  	v12 =	vpop (erf)  }
0x361: {  	v12 =	vadd.f32 $1.000000000e+00, v12;
	_ =	sdelay $0x1  }
0x362: {  	(erf) = vrcp.f32 v12;
	_ =	sdelay $0x3  }
0x363: {  	s29 =	sadd.s32 $0x1, s29  }
0x364: {  	p1 =	seq.s32 s29, $0xA  }
.Ltmp27:
0x365: {  	_ = 	snop;
	(pc) =	sbr.rel @!p1 .LBB2_24-.Ltmp27, $4  }
.Ltmp28:
0x366: {  	_ = 	snop;
	(pc) =	sbr.rel @p1 .LBB2_33-.Ltmp28, $4  }
0x367: {  	_ = 	snop  }
0x368: {  	v12 =	vpop (erf)  }
0x369: {  	[tilespmem:v11+s30+$0x0 ss:$0x1] =	vst.idx.msk $0xffff, v12  }
0x36a: {  	_ = 	snop  }
.LBB2_36:
0x36b: {  	_ =	sfence.sel $0x180000  }
0x36c: {  	[bflag:$0x0] =	sbarrier.arrive $0xFFFF  }
0x36d: {  	_ =	strace $0x90000047  }
0x36e: {  	s0 =	stileid.u32;
	[bflag:$0x2] =	sbarrier.arrive $0xFFFF  }
0x36f: {  	p0 =	sne.s32 s0, $0x0;
	s0 =	rddreg [dreg:$0x4]  }
0x370: {  	s0 =	sadd.s32 @!p0 $0x100000, s0  }
0x371: {  	[sflag:s0] =	ssyncadd.tile.s32 @!p0 $0x1;
	_ =	shalt  }
.Lfunc_end2:
_tile_overlayer_lowered:
.L_overlay_start_2:
0x372: {  	(tag) =	ssettag $0x2  }
0x373: {  	s0 =	rddreg [dreg:$0x0];
	s2 =	stileid.u32  }
0x374: {  	s1 =	rddreg [dreg:$0x1];
	p0 =	sne.s32 s2, $0x0  }
0x375: {  	s3 =	rddreg [dreg:$0x2];
	[bflag:$0x3] =	sbarrier.arrive $0xFFFF;
	s2 =	simm.s32 @!p0 $0x1C03  }
0x376: {  	[timem:s3], [sflag:s2] =	dma.local @!p0 [hbm:s0], s1  }
0x377: {  	s0 =	simm.s32 @!p0 $0x3  }
0x378: {  	_ =	swait.ge @!p0 [sflag:s0], s1  }
0x379: {  	s1 =	ssub.s32 @!p0 $0x0, s1;
	[sflag:s0] =	ssyncset.done @!p0 $0x0  }
0x37a: {  	[sflag:s0] =	ssyncadd.s32 @!p0 s1  }
0x37b: {  	[bflag:$0x3] =	sbarrier.arrive $0xFFFF  }
0x37c: {  	_ =	shalt  }

</sc_bundles>
